<compile_context>
chip_gen: v7x
topology: tpu7x:2x2x1
jax: 0.10.2.dev20260603
libtpu: 0.0.44.dev20260713+nightly
codegen_flags: <defaults>
</compile_context>

<pallas_src>
import functools

import jax
import jax.numpy as jnp
from jax import lax
from jax.experimental import pallas as pl
from jax.experimental.pallas import tpu as pltpu
from jax.experimental.pallas import tpu_sc as plsc

N = 10000
D = 128
E = 320000
NC = 2
NS = 16
NW = NC * NS
EPW = E // NW
K = 40
NCHUNK = EPW // K
NP = 10240
RPT = NP // NS


@functools.partial(
    pl.kernel,
    mesh=plsc.VectorSubcoreMesh(core_axis_name="c", subcore_axis_name="s"),
    out_type=(
        jax.ShapeDtypeStruct((NC, NP, D), jnp.float32),
        jax.ShapeDtypeStruct((NW, NP // D, D), jnp.float32),
    ),
    scratch_types=[
        pltpu.VMEM_SHARED((NP, D), jnp.float32),
        pltpu.VMEM((NCHUNK, K), jnp.int32),
        pltpu.VMEM((NCHUNK, K), jnp.int32),
        pltpu.VMEM((5 * K, D), jnp.float32),
        pltpu.SemaphoreType.DMA,
        pltpu.SemaphoreType.DMA,
        pltpu.SemaphoreType.DMA,
        pltpu.SemaphoreType.DMA,
        pltpu.SemaphoreType.DMA,
        pltpu.SemaphoreType.DMA,
        pltpu.SemaphoreType.DMA,
        pltpu.SemaphoreType.DMA,
        pltpu.SemaphoreType.DMA,
        pltpu.SemaphoreType.DMA,
        pltpu.SemaphoreType.DMA,
        pltpu.SemaphoreType.DMA,
    ],
    compiler_params=pltpu.CompilerParams(use_tc_tiling_on_sc=False,
                                         needs_layout_passes=False),
)
def _sc_aggregate(tab, src, dst, zz, out, out_deg, acc, idx_s, idx_d, rows,
                  g0, g1, g2, g3, g4, s0, s1, s2, s3, s4, z0, z1):
    cid = lax.axis_index("c")
    sid = lax.axis_index("s")
    wid = sid * NC + cid
    sem_g = (g0, g1, g2, g3, g4)
    sem_s = (s0, s1, s2, s3, s4)
    HR = NP // D

    def gath(c, b):
        return pltpu.make_async_copy(tab.at[idx_s.at[c]],
                                     rows.at[pl.ds(b * K, K)], sem_g[b])

    def scat(c, b):
        return pltpu.make_async_copy(rows.at[pl.ds(b * K, K)],
                                     acc.at[idx_d.at[c]], sem_s[b])

    cs = pltpu.make_async_copy(src.at[wid], idx_s, s0)
    cd = pltpu.make_async_copy(dst.at[wid], idx_d, s1)
    zeroacc = pltpu.make_async_copy(zz, acc.at[pl.ds(sid * RPT, RPT)], z0)
    cs.start()
    cd.start()
    zeroacc.start()
    cs.wait()
    gath(0, 0).start()
    gath(1, 1).start()
    gath(2, 2).start()

    hz = pltpu.make_async_copy(zz.at[pl.ds(0, HR)],
                               rows.at[pl.ds(3 * K, HR)], z1)
    hz.start()
    cd.wait()
    hz.wait()
    ones = jnp.ones((16,), jnp.float32)
    tailmask = lax.iota(jnp.int32, 16) >= 8

    def hadd1(v, mask=None):
        plsc.addupdate_scatter(rows, [(v >> 7) + 3 * K, v & 127], ones,
                               mask=mask)

    def hadd(c, carry):
        hadd1(idx_d[c, pl.ds(0, 16)])
        hadd1(idx_d[c, pl.ds(16, 16)])
        hadd1(idx_d[c, pl.ds(24, 16)], tailmask)
        return carry

    lax.fori_loop(0, NCHUNK, hadd, 0)
    pltpu.sync_copy(rows.at[pl.ds(3 * K, HR)], out_deg.at[wid])

    zeroacc.wait()
    plsc.subcore_barrier()

    gath(0, 0).wait()
    scat(0, 0).start(add=True)
    gath(3, 3).start()
    gath(1, 1).wait()
    scat(1, 1).start(add=True)
    gath(4, 4).start()
    for c in (2, 3, 4):
        scat(c - 2, c - 2).wait()
        gath(c + 3, c - 2).start()
        gath(c, c).wait()
        scat(c, c).start(add=True)

    def group(m, carry):
        for j in range(5):
            c = 5 * m + j
            bn = (j + 3) % 5
            scat(c - 2, bn).wait()
            nxt = jnp.minimum(c + 3, NCHUNK - 1)
            gath(nxt, bn).start()
            gath(c, j).wait()
            scat(c, j).start(add=True)
        return carry

    lax.fori_loop(1, NCHUNK // 5, group, 0)
    scat(NCHUNK - 2, 3).wait()
    scat(NCHUNK - 1, 4).wait()
    gath(NCHUNK - 1, 0).wait()
    gath(NCHUNK - 1, 1).wait()
    gath(NCHUNK - 1, 2).wait()
    plsc.subcore_barrier()

    pltpu.sync_copy(acc.at[pl.ds(sid * RPT, RPT)],
                    out.at[cid, pl.ds(sid * RPT, RPT)])


R = 1024
HB = R // D


def _affine_body(p_ref, h_ref, w_ref, b_ref, o_ref, *, relu):
    p = p_ref[0] + p_ref[1]
    deg8 = jnp.maximum(h_ref[...].sum(axis=0), 1.0)
    ri = lax.broadcasted_iota(jnp.int32, (R, HB), 0)
    si = lax.broadcasted_iota(jnp.int32, (R, HB), 1)
    sel = ((ri >> 7) == si).astype(jnp.float32)
    brows = jnp.dot(sel, deg8, preferred_element_type=jnp.float32)
    ii = lax.broadcasted_iota(jnp.int32, (R, D), 0)
    jj = lax.broadcasted_iota(jnp.int32, (R, D), 1)
    deg = jnp.sum(jnp.where((ii & 127) == jj, brows, 0.0), axis=1,
                  keepdims=True)
    a = p / deg
    h = jnp.dot(a, w_ref[...], preferred_element_type=jnp.float32) + b_ref[...]
    if relu:
        h = jnp.maximum(h, 0.0)
    o_ref[...] = h


def _tc_affine(partials, hist, w, b, *, relu):
    return pl.pallas_call(
        functools.partial(_affine_body, relu=relu),
        grid=(NP // R,),
        in_specs=[
            pl.BlockSpec((NC, R, D), lambda i: (0, i, 0)),
            pl.BlockSpec((NW, HB, D), lambda i: (0, i, 0)),
            pl.BlockSpec((D, D), lambda i: (0, 0)),
            pl.BlockSpec((1, D), lambda i: (0, 0)),
        ],
        out_specs=pl.BlockSpec((R, D), lambda i: (i, 0)),
        out_shape=jax.ShapeDtypeStruct((N, D), jnp.float32),
    )(partials, hist, w, b.reshape(1, D))


def kernel(x, edge_index_list, W0, b0, W1, b1):
    zz = jnp.zeros((RPT, D), jnp.float32)
    e = edge_index_list.reshape(2, 2, NW, NCHUNK, K)

    p1, hist1 = _sc_aggregate(x, e[0, 0], e[0, 1], zz)
    h1 = _tc_affine(p1, hist1, W0, b0, relu=True)
    p2, hist2 = _sc_aggregate(h1, e[1, 0], e[1, 1], zz)
    out = _tc_affine(p2, hist2, W1, b1, relu=False)
    return out

# --- scband reference (transcript-rebuilt; emitter-appended) ---
"""Pipeline reference for scband-peabase-channel-5652176961550 (READ-ONLY COPY).

The authoritative reference and input builder live on the scoring server;
editing this copy changes nothing except your own understanding.
"""

import jax, jax.numpy as jnp
import numpy as np

N_NODES = 10000
N_EDGES = 320000
D = 128
NUM_STEPS = 2


def _gnn_layer(x, edge_index, W, b):
    # mean-aggregation graph conv: h = x @ W; out[dst] = mean(h[src]) + b
    src = edge_index[0]
    dst = edge_index[1]
    h = x @ W
    msg = jnp.take(h, src, axis=0)
    agg = jax.ops.segment_sum(msg, dst, num_segments=N_NODES)
    deg = jax.ops.segment_sum(jnp.ones((src.shape[0],), dtype=x.dtype), dst, num_segments=N_NODES)
    deg = jnp.clip(deg, 1.0, None)
    return agg / deg[:, None] + b


def setup_inputs(seed: int = 0):
    key = jax.random.key(seed)
    k1, k2, k3, k4, k5, k6 = jax.random.split(key, 6)
    x = jax.random.normal(k1, (N_NODES, D), dtype=jnp.float32)
    edge_index_list = jax.random.randint(k2, (NUM_STEPS, 2, N_EDGES), 0, N_NODES, dtype=jnp.int32)
    scale = 1.0 / np.sqrt(D)
    W0 = jax.random.normal(k3, (D, D), dtype=jnp.float32) * scale
    b0 = jnp.zeros((D,), dtype=jnp.float32)
    W1 = jax.random.normal(k4, (D, D), dtype=jnp.float32) * scale
    b1 = jnp.zeros((D,), dtype=jnp.float32)
    return {"x": x, "edge_index_list": edge_index_list, "W0": W0, "b0": b0, "W1": W1, "b1": b1}


def reference(x, edge_index_list, W0, b0, W1, b1):
    # PEABaseChannel.forward: relu after all but last gnn layer
    h = _gnn_layer(x, edge_index_list[0], W0, b0)
    h = jax.nn.relu(h)
    out = _gnn_layer(h, edge_index_list[1], W1, b1)
    return out

if __name__ == "__main__":
    import jax
    _d = setup_inputs()
    print(jax.jit(kernel)(*tuple(_d.values())))

</pallas_src>

<mosaic_0001>
#map = affine_map<(d0, d1) -> (0, 0)>
#map1 = affine_map<(d0, d1) -> (0, 0, 0)>
module attributes {stable_mosaic.version = 14 : i64} {
  func.func @_sc_aggregate(%arg0: i32, %arg1: i32, %arg2: memref<10000x128xf32, #tpu.memory_space<hbm>>, %arg3: memref<32x250x40xi32, #tpu.memory_space<hbm>>, %arg4: memref<32x250x40xi32, #tpu.memory_space<hbm>>, %arg5: memref<640x128xf32, #tpu.memory_space<hbm>>, %arg6: memref<2x10240x128xf32, #tpu.memory_space<hbm>>, %arg7: memref<32x80x128xf32, #tpu.memory_space<hbm>>, %arg8: memref<10240x128xf32, #tpu.memory_space<vmem_shared>>, %arg9: memref<250x40xi32, #tpu.memory_space<vmem>>, %arg10: memref<250x40xi32, #tpu.memory_space<vmem>>, %arg11: memref<200x128xf32, #tpu.memory_space<vmem>>, %arg12: memref<!tpu.dma_semaphore, #tpu.memory_space<semaphore_mem>>, %arg13: memref<!tpu.dma_semaphore, #tpu.memory_space<semaphore_mem>>, %arg14: memref<!tpu.dma_semaphore, #tpu.memory_space<semaphore_mem>>, %arg15: memref<!tpu.dma_semaphore, #tpu.memory_space<semaphore_mem>>, %arg16: memref<!tpu.dma_semaphore, #tpu.memory_space<semaphore_mem>>, %arg17: memref<!tpu.dma_semaphore, #tpu.memory_space<semaphore_mem>>, %arg18: memref<!tpu.dma_semaphore, #tpu.memory_space<semaphore_mem>>, %arg19: memref<!tpu.dma_semaphore, #tpu.memory_space<semaphore_mem>>, %arg20: memref<!tpu.dma_semaphore, #tpu.memory_space<semaphore_mem>>, %arg21: memref<!tpu.dma_semaphore, #tpu.memory_space<semaphore_mem>>, %arg22: memref<!tpu.dma_semaphore, #tpu.memory_space<semaphore_mem>>, %arg23: memref<!tpu.dma_semaphore, #tpu.memory_space<semaphore_mem>>) attributes {dimension_semantics = [#tpu.dimension_semantics<core_parallel>, #tpu.dimension_semantics<subcore_parallel>], iteration_bounds = array<i64: 2, 16>, scalar_prefetch = 0 : i64, scratch_operands = 16 : i64, tpu.core_type = #tpu.core_type<sc_vector_subcore>, window_params = [{transform_indices = #map}, {transform_indices = #map1}, {transform_indices = #map1}, {transform_indices = #map}, {transform_indices = #map1}, {transform_indices = #map1}]} {
    %mul3A = arith.constant 2 : i32
    %mul3A_0 = arith.muli %arg1, %mul3A : i32
    %add3A = arith.addi %mul3A_0, %arg0 : i32
    %mul3A_1 = arith.constant 640 : i32
    %mul3A_2 = arith.muli %arg1, %mul3A_1 : i32
    %dma_start3A = arith.constant 0 : i32
    %dma_start3A_3 = arith.constant 0 : i32
    %dma_start3A_4 = tpu.memref_slice %arg3[%add3A, %dma_start3A, %dma_start3A_3] : memref<32x250x40xi32, #tpu.memory_space<hbm>> -> memref<1x250x40xi32, #tpu.memory_space<hbm>>
    %dma_start3A_5 = tpu.memref_squeeze %dma_start3A_4 : memref<1x250x40xi32, #tpu.memory_space<hbm>> -> memref<250x40xi32, #tpu.memory_space<hbm>>
    %dma_start3A_6 = arith.constant 0 : i32
    %dma_start3A_7 = arith.constant 0 : i32
    %dma_start3A_8 = tpu.memref_slice %arg3[%add3A, %dma_start3A_6, %dma_start3A_7] : memref<32x250x40xi32, #tpu.memory_space<hbm>> -> memref<1x250x40xi32, #tpu.memory_space<hbm>>
    %dma_start3A_9 = tpu.memref_squeeze %dma_start3A_8 : memref<1x250x40xi32, #tpu.memory_space<hbm>> -> memref<250x40xi32, #tpu.memory_space<hbm>>
    tpu.enqueue_dma source(%dma_start3A_9 : memref<250x40xi32, #tpu.memory_space<hbm>>) target(%arg9 : memref<250x40xi32, #tpu.memory_space<vmem>>) target_semaphore(%arg17 : memref<!tpu.dma_semaphore, #tpu.memory_space<semaphore_mem>>)
    %dma_start3A_10 = arith.constant 0 : i32
    %dma_start3A_11 = arith.constant 0 : i32
    %dma_start3A_12 = tpu.memref_slice %arg4[%add3A, %dma_start3A_10, %dma_start3A_11] : memref<32x250x40xi32, #tpu.memory_space<hbm>> -> memref<1x250x40xi32, #tpu.memory_space<hbm>>
    %dma_start3A_13 = tpu.memref_squeeze %dma_start3A_12 : memref<1x250x40xi32, #tpu.memory_space<hbm>> -> memref<250x40xi32, #tpu.memory_space<hbm>>
    %dma_start3A_14 = arith.constant 0 : i32
    %dma_start3A_15 = arith.constant 0 : i32
    %dma_start3A_16 = tpu.memref_slice %arg4[%add3A, %dma_start3A_14, %dma_start3A_15] : memref<32x250x40xi32, #tpu.memory_space<hbm>> -> memref<1x250x40xi32, #tpu.memory_space<hbm>>
    %dma_start3A_17 = tpu.memref_squeeze %dma_start3A_16 : memref<1x250x40xi32, #tpu.memory_space<hbm>> -> memref<250x40xi32, #tpu.memory_space<hbm>>
    tpu.enqueue_dma source(%dma_start3A_17 : memref<250x40xi32, #tpu.memory_space<hbm>>) target(%arg10 : memref<250x40xi32, #tpu.memory_space<vmem>>) target_semaphore(%arg18 : memref<!tpu.dma_semaphore, #tpu.memory_space<semaphore_mem>>)
    %dma_start3A_18 = arith.constant 0 : i32
    %dma_start3A_19 = tpu.memref_slice %arg8[%mul3A_2, %dma_start3A_18] : memref<10240x128xf32, #tpu.memory_space<vmem_shared>> -> memref<640x128xf32, #tpu.memory_space<vmem_shared>>
    tpu.enqueue_dma source(%arg5 : memref<640x128xf32, #tpu.memory_space<hbm>>) target(%dma_start3A_19 : memref<640x128xf32, #tpu.memory_space<vmem_shared>>) target_semaphore(%arg22 : memref<!tpu.dma_semaphore, #tpu.memory_space<semaphore_mem>>)
    %dma_wait3A = arith.constant 0 : i32
    %dma_wait3A_20 = arith.constant 0 : i32
    %dma_wait3A_21 = tpu.memref_slice %arg3[%add3A, %dma_wait3A, %dma_wait3A_20] : memref<32x250x40xi32, #tpu.memory_space<hbm>> -> memref<1x250x40xi32, #tpu.memory_space<hbm>>
    %dma_wait3A_22 = tpu.memref_squeeze %dma_wait3A_21 : memref<1x250x40xi32, #tpu.memory_space<hbm>> -> memref<250x40xi32, #tpu.memory_space<hbm>>
    %dma_wait3A_23 = arith.constant 0 : i32
    %dma_wait3A_24 = arith.constant 0 : i32
    %dma_wait3A_25 = tpu.memref_slice %arg3[%add3A, %dma_wait3A_23, %dma_wait3A_24] : memref<32x250x40xi32, #tpu.memory_space<hbm>> -> memref<1x250x40xi32, #tpu.memory_space<hbm>>
    %dma_wait3A_26 = tpu.memref_squeeze %dma_wait3A_25 : memref<1x250x40xi32, #tpu.memory_space<hbm>> -> memref<250x40xi32, #tpu.memory_space<hbm>>
    tpu.wait_dma2 semaphore(%arg17 : memref<!tpu.dma_semaphore, #tpu.memory_space<semaphore_mem>>) src(%dma_wait3A_26 : memref<250x40xi32, #tpu.memory_space<hbm>>) dst(%arg9 : memref<250x40xi32, #tpu.memory_space<vmem>>)
    %dma_start3A_27 = arith.constant 0 : i32
    %dma_start3A_28 = arith.constant 0 : i32
    %dma_start3A_29 = arith.constant 0 : i32
    %dma_start3A_30 = tpu.memref_slice %arg11[%dma_start3A_28, %dma_start3A_29] : memref<200x128xf32, #tpu.memory_space<vmem>> -> memref<40x128xf32, #tpu.memory_space<vmem>>
    %dma_start3A_31 = arith.constant 0 : i32
    %dma_start3A_32 = tpu.memref_slice %arg9[%dma_start3A_27, %dma_start3A_31] : memref<250x40xi32, #tpu.memory_space<vmem>> -> memref<1x40xi32, #tpu.memory_space<vmem>>
    %dma_start3A_33 = tpu.memref_squeeze %dma_start3A_32 : memref<1x40xi32, #tpu.memory_space<vmem>> -> memref<40xi32, #tpu.memory_space<vmem>>
    %dma_start3A_34 = arith.constant 0 : i32
    %dma_start3A_35 = arith.constant 0 : i32
    %dma_start3A_36 = tpu.memref_slice %arg2[%dma_start3A_34, %dma_start3A_35] : memref<10000x128xf32, #tpu.memory_space<hbm>> -> memref<10000x128xf32, #tpu.memory_space<hbm>>
    tpu.enqueue_indirect_dma source(%dma_start3A_36 : memref<10000x128xf32, #tpu.memory_space<hbm>>) target(%dma_start3A_30 : memref<40x128xf32, #tpu.memory_space<vmem>>) offsets(%dma_start3A_33 : memref<40xi32, #tpu.memory_space<vmem>>) semaphore(%arg12 : memref<!tpu.dma_semaphore, #tpu.memory_space<semaphore_mem>>)
    %dma_start3A_37 = arith.constant 1 : i32
    %dma_start3A_38 = arith.constant 40 : i32
    %dma_start3A_39 = arith.constant 0 : i32
    %dma_start3A_40 = tpu.memref_slice %arg11[%dma_start3A_38, %dma_start3A_39] : memref<200x128xf32, #tpu.memory_space<vmem>> -> memref<40x128xf32, #tpu.memory_space<vmem>>
    %dma_start3A_41 = arith.constant 0 : i32
    %dma_start3A_42 = tpu.memref_slice %arg9[%dma_start3A_37, %dma_start3A_41] : memref<250x40xi32, #tpu.memory_space<vmem>> -> memref<1x40xi32, #tpu.memory_space<vmem>>
    %dma_start3A_43 = tpu.memref_squeeze %dma_start3A_42 : memref<1x40xi32, #tpu.memory_space<vmem>> -> memref<40xi32, #tpu.memory_space<vmem>>
    %dma_start3A_44 = arith.constant 0 : i32
    %dma_start3A_45 = arith.constant 0 : i32
    %dma_start3A_46 = tpu.memref_slice %arg2[%dma_start3A_44, %dma_start3A_45] : memref<10000x128xf32, #tpu.memory_space<hbm>> -> memref<10000x128xf32, #tpu.memory_space<hbm>>
    tpu.enqueue_indirect_dma source(%dma_start3A_46 : memref<10000x128xf32, #tpu.memory_space<hbm>>) target(%dma_start3A_40 : memref<40x128xf32, #tpu.memory_space<vmem>>) offsets(%dma_start3A_43 : memref<40xi32, #tpu.memory_space<vmem>>) semaphore(%arg13 : memref<!tpu.dma_semaphore, #tpu.memory_space<semaphore_mem>>)
    %dma_start3A_47 = arith.constant 2 : i32
    %dma_start3A_48 = arith.constant 80 : i32
    %dma_start3A_49 = arith.constant 0 : i32
    %dma_start3A_50 = tpu.memref_slice %arg11[%dma_start3A_48, %dma_start3A_49] : memref<200x128xf32, #tpu.memory_space<vmem>> -> memref<40x128xf32, #tpu.memory_space<vmem>>
    %dma_start3A_51 = arith.constant 0 : i32
    %dma_start3A_52 = tpu.memref_slice %arg9[%dma_start3A_47, %dma_start3A_51] : memref<250x40xi32, #tpu.memory_space<vmem>> -> memref<1x40xi32, #tpu.memory_space<vmem>>
    %dma_start3A_53 = tpu.memref_squeeze %dma_start3A_52 : memref<1x40xi32, #tpu.memory_space<vmem>> -> memref<40xi32, #tpu.memory_space<vmem>>
    %dma_start3A_54 = arith.constant 0 : i32
    %dma_start3A_55 = arith.constant 0 : i32
    %dma_start3A_56 = tpu.memref_slice %arg2[%dma_start3A_54, %dma_start3A_55] : memref<10000x128xf32, #tpu.memory_space<hbm>> -> memref<10000x128xf32, #tpu.memory_space<hbm>>
    tpu.enqueue_indirect_dma source(%dma_start3A_56 : memref<10000x128xf32, #tpu.memory_space<hbm>>) target(%dma_start3A_50 : memref<40x128xf32, #tpu.memory_space<vmem>>) offsets(%dma_start3A_53 : memref<40xi32, #tpu.memory_space<vmem>>) semaphore(%arg14 : memref<!tpu.dma_semaphore, #tpu.memory_space<semaphore_mem>>)
    %dma_start3A_57 = arith.constant 120 : i32
    %dma_start3A_58 = arith.constant 0 : i32
    %dma_start3A_59 = tpu.memref_slice %arg11[%dma_start3A_57, %dma_start3A_58] : memref<200x128xf32, #tpu.memory_space<vmem>> -> memref<80x128xf32, #tpu.memory_space<vmem>>
    %dma_start3A_60 = arith.constant 0 : i32
    %dma_start3A_61 = arith.constant 0 : i32
    %dma_start3A_62 = tpu.memref_slice %arg5[%dma_start3A_60, %dma_start3A_61] : memref<640x128xf32, #tpu.memory_space<hbm>> -> memref<80x128xf32, #tpu.memory_space<hbm>>
    %dma_start3A_63 = arith.constant 120 : i32
    %dma_start3A_64 = arith.constant 0 : i32
    %dma_start3A_65 = tpu.memref_slice %arg11[%dma_start3A_63, %dma_start3A_64] : memref<200x128xf32, #tpu.memory_space<vmem>> -> memref<80x128xf32, #tpu.memory_space<vmem>>
    %dma_start3A_66 = arith.constant 0 : i32
    %dma_start3A_67 = arith.constant 0 : i32
    %dma_start3A_68 = tpu.memref_slice %arg5[%dma_start3A_66, %dma_start3A_67] : memref<640x128xf32, #tpu.memory_space<hbm>> -> memref<80x128xf32, #tpu.memory_space<hbm>>
    tpu.enqueue_dma source(%dma_start3A_68 : memref<80x128xf32, #tpu.memory_space<hbm>>) target(%dma_start3A_65 : memref<80x128xf32, #tpu.memory_space<vmem>>) target_semaphore(%arg23 : memref<!tpu.dma_semaphore, #tpu.memory_space<semaphore_mem>>)
    %dma_wait3A_69 = arith.constant 0 : i32
    %dma_wait3A_70 = arith.constant 0 : i32
    %dma_wait3A_71 = tpu.memref_slice %arg4[%add3A, %dma_wait3A_69, %dma_wait3A_70] : memref<32x250x40xi32, #tpu.memory_space<hbm>> -> memref<1x250x40xi32, #tpu.memory_space<hbm>>
    %dma_wait3A_72 = tpu.memref_squeeze %dma_wait3A_71 : memref<1x250x40xi32, #tpu.memory_space<hbm>> -> memref<250x40xi32, #tpu.memory_space<hbm>>
    %dma_wait3A_73 = arith.constant 0 : i32
    %dma_wait3A_74 = arith.constant 0 : i32
    %dma_wait3A_75 = tpu.memref_slice %arg4[%add3A, %dma_wait3A_73, %dma_wait3A_74] : memref<32x250x40xi32, #tpu.memory_space<hbm>> -> memref<1x250x40xi32, #tpu.memory_space<hbm>>
    %dma_wait3A_76 = tpu.memref_squeeze %dma_wait3A_75 : memref<1x250x40xi32, #tpu.memory_space<hbm>> -> memref<250x40xi32, #tpu.memory_space<hbm>>
    tpu.wait_dma2 semaphore(%arg18 : memref<!tpu.dma_semaphore, #tpu.memory_space<semaphore_mem>>) src(%dma_wait3A_76 : memref<250x40xi32, #tpu.memory_space<hbm>>) dst(%arg10 : memref<250x40xi32, #tpu.memory_space<vmem>>)
    %dma_wait3A_77 = arith.constant 120 : i32
    %dma_wait3A_78 = arith.constant 0 : i32
    %dma_wait3A_79 = tpu.memref_slice %arg11[%dma_wait3A_77, %dma_wait3A_78] : memref<200x128xf32, #tpu.memory_space<vmem>> -> memref<80x128xf32, #tpu.memory_space<vmem>>
    %dma_wait3A_80 = arith.constant 0 : i32
    %dma_wait3A_81 = arith.constant 0 : i32
    %dma_wait3A_82 = tpu.memref_slice %arg5[%dma_wait3A_80, %dma_wait3A_81] : memref<640x128xf32, #tpu.memory_space<hbm>> -> memref<80x128xf32, #tpu.memory_space<hbm>>
    %dma_wait3A_83 = arith.constant 120 : i32
    %dma_wait3A_84 = arith.constant 0 : i32
    %dma_wait3A_85 = tpu.memref_slice %arg11[%dma_wait3A_83, %dma_wait3A_84] : memref<200x128xf32, #tpu.memory_space<vmem>> -> memref<80x128xf32, #tpu.memory_space<vmem>>
    %dma_wait3A_86 = arith.constant 0 : i32
    %dma_wait3A_87 = arith.constant 0 : i32
    %dma_wait3A_88 = tpu.memref_slice %arg5[%dma_wait3A_86, %dma_wait3A_87] : memref<640x128xf32, #tpu.memory_space<hbm>> -> memref<80x128xf32, #tpu.memory_space<hbm>>
    tpu.wait_dma2 semaphore(%arg23 : memref<!tpu.dma_semaphore, #tpu.memory_space<semaphore_mem>>) src(%dma_wait3A_88 : memref<80x128xf32, #tpu.memory_space<hbm>>) dst(%dma_wait3A_85 : memref<80x128xf32, #tpu.memory_space<vmem>>)
    %broadcast_in_dim3A = arith.constant 1.000000e+00 : f32
    %broadcast_in_dim3A_89 = vector.broadcast %broadcast_in_dim3A : f32 to vector<16xf32>
    %iota3A = tpu.iota {dimensions = array<i32: 0>} : vector<16xi32>
    %ge3A = arith.constant 8 : i32
    %ge3A_90 = vector.broadcast %ge3A : i32 to vector<16xi32>
    %ge3A_91 = arith.cmpi sge, %iota3A, %ge3A_90 : vector<16xi32>
    %scan3A = arith.constant 0 : i32
    %scan3A_92 = arith.constant 0 : i32
    %scan3A_93 = arith.constant 250 : i32
    %scan3A_94 = arith.addi %scan3A_92, %scan3A_93 : i32
    %scan3A_95 = arith.constant 1 : i32
    scf.for %scan3A_340 = %scan3A_92 to %scan3A_94 step %scan3A_95  : i32 {
      %get3A = arith.index_cast %scan3A_340 : i32 to index
      %get3A_341 = arith.constant 0 : index
      %get3A_342 = tpu.vector_load %arg10[%get3A, %get3A_341] {strides = array<i32>} : memref<250x40xi32, #tpu.memory_space<vmem>>, vector<16xi32>,
      %shift_right_arithmetic3A = arith.constant 7 : i32
      %shift_right_arithmetic3A_343 = vector.broadcast %shift_right_arithmetic3A : i32 to vector<16xi32>
      %shift_right_arithmetic3A_344 = arith.shrsi %get3A_342, %shift_right_arithmetic3A_343 : vector<16xi32>
      %add3A_345 = arith.constant 120 : i32
      %add3A_346 = vector.broadcast %add3A_345 : i32 to vector<16xi32>
      %add3A_347 = arith.addi %shift_right_arithmetic3A_344, %add3A_346 : vector<16xi32>
      %and3A = arith.constant 127 : i32
      %and3A_348 = vector.broadcast %and3A : i32 to vector<16xi32>
      %and3A_349 = arith.andi %get3A_342, %and3A_348 : vector<16xi32>
      tpu.vector_store_idx %arg11[%add3A_347, %and3A_349], %broadcast_in_dim3A_89 {add = true} : memref<200x128xf32, #tpu.memory_space<vmem>>[vector<16xi32>, vector<16xi32>], vector<16xf32>,
      %get3A_350 = arith.index_cast %scan3A_340 : i32 to index
      %get3A_351 = arith.constant 16 : index
      %get3A_352 = tpu.vector_load %arg10[%get3A_350, %get3A_351] {strides = array<i32>} : memref<250x40xi32, #tpu.memory_space<vmem>>, vector<16xi32>,
      %shift_right_arithmetic3A_353 = arith.constant 7 : i32
      %shift_right_arithmetic3A_354 = vector.broadcast %shift_right_arithmetic3A_353 : i32 to vector<16xi32>
      %shift_right_arithmetic3A_355 = arith.shrsi %get3A_352, %shift_right_arithmetic3A_354 : vector<16xi32>
      %add3A_356 = arith.constant 120 : i32
      %add3A_357 = vector.broadcast %add3A_356 : i32 to vector<16xi32>
      %add3A_358 = arith.addi %shift_right_arithmetic3A_355, %add3A_357 : vector<16xi32>
      %and3A_359 = arith.constant 127 : i32
      %and3A_360 = vector.broadcast %and3A_359 : i32 to vector<16xi32>
      %and3A_361 = arith.andi %get3A_352, %and3A_360 : vector<16xi32>
      tpu.vector_store_idx %arg11[%add3A_358, %and3A_361], %broadcast_in_dim3A_89 {add = true} : memref<200x128xf32, #tpu.memory_space<vmem>>[vector<16xi32>, vector<16xi32>], vector<16xf32>,
      %get3A_362 = arith.index_cast %scan3A_340 : i32 to index
      %get3A_363 = arith.constant 24 : index
      %get3A_364 = tpu.vector_load %arg10[%get3A_362, %get3A_363] {strides = array<i32>} : memref<250x40xi32, #tpu.memory_space<vmem>>, vector<16xi32>,
      %shift_right_arithmetic3A_365 = arith.constant 7 : i32
      %shift_right_arithmetic3A_366 = vector.broadcast %shift_right_arithmetic3A_365 : i32 to vector<16xi32>
      %shift_right_arithmetic3A_367 = arith.shrsi %get3A_364, %shift_right_arithmetic3A_366 : vector<16xi32>
      %add3A_368 = arith.constant 120 : i32
      %add3A_369 = vector.broadcast %add3A_368 : i32 to vector<16xi32>
      %add3A_370 = arith.addi %shift_right_arithmetic3A_367, %add3A_369 : vector<16xi32>
      %and3A_371 = arith.constant 127 : i32
      %and3A_372 = vector.broadcast %and3A_371 : i32 to vector<16xi32>
      %and3A_373 = arith.andi %get3A_364, %and3A_372 : vector<16xi32>
      tpu.vector_store_idx %arg11[%add3A_370, %and3A_373], %broadcast_in_dim3A_89 masked %ge3A_91 {add = true} : memref<200x128xf32, #tpu.memory_space<vmem>>[vector<16xi32>, vector<16xi32>], vector<16xf32>, vector<16xi1>
    }
    %scan3A_96 = arith.constant 250 : i32
    "tpu.region"() ({
      %run_scoped3A = tpu.sem_alloc : memref<!tpu.dma_semaphore, #tpu.memory_space<semaphore_mem>>
      %dma_start3A_340 = arith.constant 120 : i32
      %dma_start3A_341 = arith.constant 0 : i32
      %dma_start3A_342 = tpu.memref_slice %arg11[%dma_start3A_340, %dma_start3A_341] : memref<200x128xf32, #tpu.memory_space<vmem>> -> memref<80x128xf32, #tpu.memory_space<vmem>>
      %dma_start3A_343 = arith.constant 0 : i32
      %dma_start3A_344 = arith.constant 0 : i32
      %dma_start3A_345 = tpu.memref_slice %arg7[%add3A, %dma_start3A_343, %dma_start3A_344] : memref<32x80x128xf32, #tpu.memory_space<hbm>> -> memref<1x80x128xf32, #tpu.memory_space<hbm>>
      %dma_start3A_346 = tpu.memref_squeeze %dma_start3A_345 : memref<1x80x128xf32, #tpu.memory_space<hbm>> -> memref<80x128xf32, #tpu.memory_space<hbm>>
      %dma_start3A_347 = arith.constant 0 : i32
      %dma_start3A_348 = arith.constant 0 : i32
      %dma_start3A_349 = tpu.memref_slice %arg7[%add3A, %dma_start3A_347, %dma_start3A_348] : memref<32x80x128xf32, #tpu.memory_space<hbm>> -> memref<1x80x128xf32, #tpu.memory_space<hbm>>
      %dma_start3A_350 = tpu.memref_squeeze %dma_start3A_349 : memref<1x80x128xf32, #tpu.memory_space<hbm>> -> memref<80x128xf32, #tpu.memory_space<hbm>>
      %dma_start3A_351 = arith.constant 120 : i32
      %dma_start3A_352 = arith.constant 0 : i32
      %dma_start3A_353 = tpu.memref_slice %arg11[%dma_start3A_351, %dma_start3A_352] : memref<200x128xf32, #tpu.memory_space<vmem>> -> memref<80x128xf32, #tpu.memory_space<vmem>>
      tpu.enqueue_dma source(%dma_start3A_353 : memref<80x128xf32, #tpu.memory_space<vmem>>) target(%dma_start3A_350 : memref<80x128xf32, #tpu.memory_space<hbm>>) target_semaphore(%run_scoped3A : memref<!tpu.dma_semaphore, #tpu.memory_space<semaphore_mem>>)
      %dma_wait3A_354 = arith.constant 120 : i32
      %dma_wait3A_355 = arith.constant 0 : i32
      %dma_wait3A_356 = tpu.memref_slice %arg11[%dma_wait3A_354, %dma_wait3A_355] : memref<200x128xf32, #tpu.memory_space<vmem>> -> memref<80x128xf32, #tpu.memory_space<vmem>>
      %dma_wait3A_357 = arith.constant 0 : i32
      %dma_wait3A_358 = arith.constant 0 : i32
      %dma_wait3A_359 = tpu.memref_slice %arg7[%add3A, %dma_wait3A_357, %dma_wait3A_358] : memref<32x80x128xf32, #tpu.memory_space<hbm>> -> memref<1x80x128xf32, #tpu.memory_space<hbm>>
      %dma_wait3A_360 = tpu.memref_squeeze %dma_wait3A_359 : memref<1x80x128xf32, #tpu.memory_space<hbm>> -> memref<80x128xf32, #tpu.memory_space<hbm>>
      %dma_wait3A_361 = arith.constant 0 : i32
      %dma_wait3A_362 = arith.constant 0 : i32
      %dma_wait3A_363 = tpu.memref_slice %arg7[%add3A, %dma_wait3A_361, %dma_wait3A_362] : memref<32x80x128xf32, #tpu.memory_space<hbm>> -> memref<1x80x128xf32, #tpu.memory_space<hbm>>
      %dma_wait3A_364 = tpu.memref_squeeze %dma_wait3A_363 : memref<1x80x128xf32, #tpu.memory_space<hbm>> -> memref<80x128xf32, #tpu.memory_space<hbm>>
      %dma_wait3A_365 = arith.constant 120 : i32
      %dma_wait3A_366 = arith.constant 0 : i32
      %dma_wait3A_367 = tpu.memref_slice %arg11[%dma_wait3A_365, %dma_wait3A_366] : memref<200x128xf32, #tpu.memory_space<vmem>> -> memref<80x128xf32, #tpu.memory_space<vmem>>
      tpu.wait_dma2 semaphore(%run_scoped3A : memref<!tpu.dma_semaphore, #tpu.memory_space<semaphore_mem>>) src(%dma_wait3A_367 : memref<80x128xf32, #tpu.memory_space<vmem>>) dst(%dma_wait3A_364 : memref<80x128xf32, #tpu.memory_space<hbm>>)
      tpu.yield
    }) : () -> ()
    %dma_wait3A_97 = arith.constant 0 : i32
    %dma_wait3A_98 = tpu.memref_slice %arg8[%mul3A_2, %dma_wait3A_97] : memref<10240x128xf32, #tpu.memory_space<vmem_shared>> -> memref<640x128xf32, #tpu.memory_space<vmem_shared>>
    tpu.wait_dma2 semaphore(%arg22 : memref<!tpu.dma_semaphore, #tpu.memory_space<semaphore_mem>>) src(%arg5 : memref<640x128xf32, #tpu.memory_space<hbm>>) dst(%dma_wait3A_98 : memref<640x128xf32, #tpu.memory_space<vmem_shared>>)
    %barrier3A = arith.constant 0 : index
    tpu.barrier barrier_id(%barrier3A)
    %dma_wait3A_99 = arith.constant 0 : i32
    %dma_wait3A_100 = arith.constant 0 : i32
    %dma_wait3A_101 = arith.constant 0 : i32
    %dma_wait3A_102 = tpu.memref_slice %arg11[%dma_wait3A_100, %dma_wait3A_101] : memref<200x128xf32, #tpu.memory_space<vmem>> -> memref<40x128xf32, #tpu.memory_space<vmem>>
    %dma_wait3A_103 = arith.constant 0 : i32
    %dma_wait3A_104 = tpu.memref_slice %arg9[%dma_wait3A_99, %dma_wait3A_103] : memref<250x40xi32, #tpu.memory_space<vmem>> -> memref<1x40xi32, #tpu.memory_space<vmem>>
    %dma_wait3A_105 = tpu.memref_squeeze %dma_wait3A_104 : memref<1x40xi32, #tpu.memory_space<vmem>> -> memref<40xi32, #tpu.memory_space<vmem>>
    %dma_wait3A_106 = arith.constant 0 : i32
    %dma_wait3A_107 = arith.constant 0 : i32
    %dma_wait3A_108 = tpu.memref_slice %arg2[%dma_wait3A_106, %dma_wait3A_107] : memref<10000x128xf32, #tpu.memory_space<hbm>> -> memref<10000x128xf32, #tpu.memory_space<hbm>>
    tpu.wait_indirect_dma semaphore(%arg12 : memref<!tpu.dma_semaphore, #tpu.memory_space<semaphore_mem>>) src(%dma_wait3A_108 : memref<10000x128xf32, #tpu.memory_space<hbm>>) dst(%dma_wait3A_102 : memref<40x128xf32, #tpu.memory_space<vmem>>)
    %dma_start3A_109 = arith.constant 0 : i32
    %dma_start3A_110 = arith.constant 0 : i32
    %dma_start3A_111 = arith.constant 0 : i32
    %dma_start3A_112 = tpu.memref_slice %arg11[%dma_start3A_110, %dma_start3A_111] : memref<200x128xf32, #tpu.memory_space<vmem>> -> memref<40x128xf32, #tpu.memory_space<vmem>>
    %dma_start3A_113 = arith.constant 0 : i32
    %dma_start3A_114 = tpu.memref_slice %arg10[%dma_start3A_109, %dma_start3A_113] : memref<250x40xi32, #tpu.memory_space<vmem>> -> memref<1x40xi32, #tpu.memory_space<vmem>>
    %dma_start3A_115 = tpu.memref_squeeze %dma_start3A_114 : memref<1x40xi32, #tpu.memory_space<vmem>> -> memref<40xi32, #tpu.memory_space<vmem>>
    %dma_start3A_116 = arith.constant 0 : i32
    %dma_start3A_117 = arith.constant 0 : i32
    %dma_start3A_118 = tpu.memref_slice %arg8[%dma_start3A_116, %dma_start3A_117] : memref<10240x128xf32, #tpu.memory_space<vmem_shared>> -> memref<10240x128xf32, #tpu.memory_space<vmem_shared>>
    tpu.enqueue_indirect_dma source(%dma_start3A_112 : memref<40x128xf32, #tpu.memory_space<vmem>>) target(%dma_start3A_118 : memref<10240x128xf32, #tpu.memory_space<vmem_shared>>) offsets(%dma_start3A_115 : memref<40xi32, #tpu.memory_space<vmem>>) semaphore(%arg17 : memref<!tpu.dma_semaphore, #tpu.memory_space<semaphore_mem>>) {add = true}
    %dma_start3A_119 = arith.constant 3 : i32
    %dma_start3A_120 = arith.constant 120 : i32
    %dma_start3A_121 = arith.constant 0 : i32
    %dma_start3A_122 = tpu.memref_slice %arg11[%dma_start3A_120, %dma_start3A_121] : memref<200x128xf32, #tpu.memory_space<vmem>> -> memref<40x128xf32, #tpu.memory_space<vmem>>
    %dma_start3A_123 = arith.constant 0 : i32
    %dma_start3A_124 = tpu.memref_slice %arg9[%dma_start3A_119, %dma_start3A_123] : memref<250x40xi32, #tpu.memory_space<vmem>> -> memref<1x40xi32, #tpu.memory_space<vmem>>
    %dma_start3A_125 = tpu.memref_squeeze %dma_start3A_124 : memref<1x40xi32, #tpu.memory_space<vmem>> -> memref<40xi32, #tpu.memory_space<vmem>>
    %dma_start3A_126 = arith.constant 0 : i32
    %dma_start3A_127 = arith.constant 0 : i32
    %dma_start3A_128 = tpu.memref_slice %arg2[%dma_start3A_126, %dma_start3A_127] : memref<10000x128xf32, #tpu.memory_space<hbm>> -> memref<10000x128xf32, #tpu.memory_space<hbm>>
    tpu.enqueue_indirect_dma source(%dma_start3A_128 : memref<10000x128xf32, #tpu.memory_space<hbm>>) target(%dma_start3A_122 : memref<40x128xf32, #tpu.memory_space<vmem>>) offsets(%dma_start3A_125 : memref<40xi32, #tpu.memory_space<vmem>>) semaphore(%arg15 : memref<!tpu.dma_semaphore, #tpu.memory_space<semaphore_mem>>)
    %dma_wait3A_129 = arith.constant 1 : i32
    %dma_wait3A_130 = arith.constant 40 : i32
    %dma_wait3A_131 = arith.constant 0 : i32
    %dma_wait3A_132 = tpu.memref_slice %arg11[%dma_wait3A_130, %dma_wait3A_131] : memref<200x128xf32, #tpu.memory_space<vmem>> -> memref<40x128xf32, #tpu.memory_space<vmem>>
    %dma_wait3A_133 = arith.constant 0 : i32
    %dma_wait3A_134 = tpu.memref_slice %arg9[%dma_wait3A_129, %dma_wait3A_133] : memref<250x40xi32, #tpu.memory_space<vmem>> -> memref<1x40xi32, #tpu.memory_space<vmem>>
    %dma_wait3A_135 = tpu.memref_squeeze %dma_wait3A_134 : memref<1x40xi32, #tpu.memory_space<vmem>> -> memref<40xi32, #tpu.memory_space<vmem>>
    %dma_wait3A_136 = arith.constant 0 : i32
    %dma_wait3A_137 = arith.constant 0 : i32
    %dma_wait3A_138 = tpu.memref_slice %arg2[%dma_wait3A_136, %dma_wait3A_137] : memref<10000x128xf32, #tpu.memory_space<hbm>> -> memref<10000x128xf32, #tpu.memory_space<hbm>>
    tpu.wait_indirect_dma semaphore(%arg13 : memref<!tpu.dma_semaphore, #tpu.memory_space<semaphore_mem>>) src(%dma_wait3A_138 : memref<10000x128xf32, #tpu.memory_space<hbm>>) dst(%dma_wait3A_132 : memref<40x128xf32, #tpu.memory_space<vmem>>)
    %dma_start3A_139 = arith.constant 1 : i32
    %dma_start3A_140 = arith.constant 40 : i32
    %dma_start3A_141 = arith.constant 0 : i32
    %dma_start3A_142 = tpu.memref_slice %arg11[%dma_start3A_140, %dma_start3A_141] : memref<200x128xf32, #tpu.memory_space<vmem>> -> memref<40x128xf32, #tpu.memory_space<vmem>>
    %dma_start3A_143 = arith.constant 0 : i32
    %dma_start3A_144 = tpu.memref_slice %arg10[%dma_start3A_139, %dma_start3A_143] : memref<250x40xi32, #tpu.memory_space<vmem>> -> memref<1x40xi32, #tpu.memory_space<vmem>>
    %dma_start3A_145 = tpu.memref_squeeze %dma_start3A_144 : memref<1x40xi32, #tpu.memory_space<vmem>> -> memref<40xi32, #tpu.memory_space<vmem>>
    %dma_start3A_146 = arith.constant 0 : i32
    %dma_start3A_147 = arith.constant 0 : i32
    %dma_start3A_148 = tpu.memref_slice %arg8[%dma_start3A_146, %dma_start3A_147] : memref<10240x128xf32, #tpu.memory_space<vmem_shared>> -> memref<10240x128xf32, #tpu.memory_space<vmem_shared>>
    tpu.enqueue_indirect_dma source(%dma_start3A_142 : memref<40x128xf32, #tpu.memory_space<vmem>>) target(%dma_start3A_148 : memref<10240x128xf32, #tpu.memory_space<vmem_shared>>) offsets(%dma_start3A_145 : memref<40xi32, #tpu.memory_space<vmem>>) semaphore(%arg18 : memref<!tpu.dma_semaphore, #tpu.memory_space<semaphore_mem>>) {add = true}
    %dma_start3A_149 = arith.constant 4 : i32
    %dma_start3A_150 = arith.constant 160 : i32
    %dma_start3A_151 = arith.constant 0 : i32
    %dma_start3A_152 = tpu.memref_slice %arg11[%dma_start3A_150, %dma_start3A_151] : memref<200x128xf32, #tpu.memory_space<vmem>> -> memref<40x128xf32, #tpu.memory_space<vmem>>
    %dma_start3A_153 = arith.constant 0 : i32
    %dma_start3A_154 = tpu.memref_slice %arg9[%dma_start3A_149, %dma_start3A_153] : memref<250x40xi32, #tpu.memory_space<vmem>> -> memref<1x40xi32, #tpu.memory_space<vmem>>
    %dma_start3A_155 = tpu.memref_squeeze %dma_start3A_154 : memref<1x40xi32, #tpu.memory_space<vmem>> -> memref<40xi32, #tpu.memory_space<vmem>>
    %dma_start3A_156 = arith.constant 0 : i32
    %dma_start3A_157 = arith.constant 0 : i32
    %dma_start3A_158 = tpu.memref_slice %arg2[%dma_start3A_156, %dma_start3A_157] : memref<10000x128xf32, #tpu.memory_space<hbm>> -> memref<10000x128xf32, #tpu.memory_space<hbm>>
    tpu.enqueue_indirect_dma source(%dma_start3A_158 : memref<10000x128xf32, #tpu.memory_space<hbm>>) target(%dma_start3A_152 : memref<40x128xf32, #tpu.memory_space<vmem>>) offsets(%dma_start3A_155 : memref<40xi32, #tpu.memory_space<vmem>>) semaphore(%arg16 : memref<!tpu.dma_semaphore, #tpu.memory_space<semaphore_mem>>)
    %dma_wait3A_159 = arith.constant 0 : i32
    %dma_wait3A_160 = arith.constant 0 : i32
    %dma_wait3A_161 = arith.constant 0 : i32
    %dma_wait3A_162 = tpu.memref_slice %arg11[%dma_wait3A_160, %dma_wait3A_161] : memref<200x128xf32, #tpu.memory_space<vmem>> -> memref<40x128xf32, #tpu.memory_space<vmem>>
    %dma_wait3A_163 = arith.constant 0 : i32
    %dma_wait3A_164 = tpu.memref_slice %arg10[%dma_wait3A_159, %dma_wait3A_163] : memref<250x40xi32, #tpu.memory_space<vmem>> -> memref<1x40xi32, #tpu.memory_space<vmem>>
    %dma_wait3A_165 = tpu.memref_squeeze %dma_wait3A_164 : memref<1x40xi32, #tpu.memory_space<vmem>> -> memref<40xi32, #tpu.memory_space<vmem>>
    %dma_wait3A_166 = arith.constant 0 : i32
    %dma_wait3A_167 = arith.constant 0 : i32
    %dma_wait3A_168 = tpu.memref_slice %arg8[%dma_wait3A_166, %dma_wait3A_167] : memref<10240x128xf32, #tpu.memory_space<vmem_shared>> -> memref<10240x128xf32, #tpu.memory_space<vmem_shared>>
    tpu.wait_indirect_dma semaphore(%arg17 : memref<!tpu.dma_semaphore, #tpu.memory_space<semaphore_mem>>) src(%dma_wait3A_162 : memref<40x128xf32, #tpu.memory_space<vmem>>) dst(%dma_wait3A_168 : memref<10240x128xf32, #tpu.memory_space<vmem_shared>>)
    %dma_start3A_169 = arith.constant 5 : i32
    %dma_start3A_170 = arith.constant 0 : i32
    %dma_start3A_171 = arith.constant 0 : i32
    %dma_start3A_172 = tpu.memref_slice %arg11[%dma_start3A_170, %dma_start3A_171] : memref<200x128xf32, #tpu.memory_space<vmem>> -> memref<40x128xf32, #tpu.memory_space<vmem>>
    %dma_start3A_173 = arith.constant 0 : i32
    %dma_start3A_174 = tpu.memref_slice %arg9[%dma_start3A_169, %dma_start3A_173] : memref<250x40xi32, #tpu.memory_space<vmem>> -> memref<1x40xi32, #tpu.memory_space<vmem>>
    %dma_start3A_175 = tpu.memref_squeeze %dma_start3A_174 : memref<1x40xi32, #tpu.memory_space<vmem>> -> memref<40xi32, #tpu.memory_space<vmem>>
    %dma_start3A_176 = arith.constant 0 : i32
    %dma_start3A_177 = arith.constant 0 : i32
    %dma_start3A_178 = tpu.memref_slice %arg2[%dma_start3A_176, %dma_start3A_177] : memref<10000x128xf32, #tpu.memory_space<hbm>> -> memref<10000x128xf32, #tpu.memory_space<hbm>>
    tpu.enqueue_indirect_dma source(%dma_start3A_178 : memref<10000x128xf32, #tpu.memory_space<hbm>>) target(%dma_start3A_172 : memref<40x128xf32, #tpu.memory_space<vmem>>) offsets(%dma_start3A_175 : memref<40xi32, #tpu.memory_space<vmem>>) semaphore(%arg12 : memref<!tpu.dma_semaphore, #tpu.memory_space<semaphore_mem>>)
    %dma_wait3A_179 = arith.constant 2 : i32
    %dma_wait3A_180 = arith.constant 80 : i32
    %dma_wait3A_181 = arith.constant 0 : i32
    %dma_wait3A_182 = tpu.memref_slice %arg11[%dma_wait3A_180, %dma_wait3A_181] : memref<200x128xf32, #tpu.memory_space<vmem>> -> memref<40x128xf32, #tpu.memory_space<vmem>>
    %dma_wait3A_183 = arith.constant 0 : i32
    %dma_wait3A_184 = tpu.memref_slice %arg9[%dma_wait3A_179, %dma_wait3A_183] : memref<250x40xi32, #tpu.memory_space<vmem>> -> memref<1x40xi32, #tpu.memory_space<vmem>>
    %dma_wait3A_185 = tpu.memref_squeeze %dma_wait3A_184 : memref<1x40xi32, #tpu.memory_space<vmem>> -> memref<40xi32, #tpu.memory_space<vmem>>
    %dma_wait3A_186 = arith.constant 0 : i32
    %dma_wait3A_187 = arith.constant 0 : i32
    %dma_wait3A_188 = tpu.memref_slice %arg2[%dma_wait3A_186, %dma_wait3A_187] : memref<10000x128xf32, #tpu.memory_space<hbm>> -> memref<10000x128xf32, #tpu.memory_space<hbm>>
    tpu.wait_indirect_dma semaphore(%arg14 : memref<!tpu.dma_semaphore, #tpu.memory_space<semaphore_mem>>) src(%dma_wait3A_188 : memref<10000x128xf32, #tpu.memory_space<hbm>>) dst(%dma_wait3A_182 : memref<40x128xf32, #tpu.memory_space<vmem>>)
    %dma_start3A_189 = arith.constant 2 : i32
    %dma_start3A_190 = arith.constant 80 : i32
    %dma_start3A_191 = arith.constant 0 : i32
    %dma_start3A_192 = tpu.memref_slice %arg11[%dma_start3A_190, %dma_start3A_191] : memref<200x128xf32, #tpu.memory_space<vmem>> -> memref<40x128xf32, #tpu.memory_space<vmem>>
    %dma_start3A_193 = arith.constant 0 : i32
    %dma_start3A_194 = tpu.memref_slice %arg10[%dma_start3A_189, %dma_start3A_193] : memref<250x40xi32, #tpu.memory_space<vmem>> -> memref<1x40xi32, #tpu.memory_space<vmem>>
    %dma_start3A_195 = tpu.memref_squeeze %dma_start3A_194 : memref<1x40xi32, #tpu.memory_space<vmem>> -> memref<40xi32, #tpu.memory_space<vmem>>
    %dma_start3A_196 = arith.constant 0 : i32
    %dma_start3A_197 = arith.constant 0 : i32
    %dma_start3A_198 = tpu.memref_slice %arg8[%dma_start3A_196, %dma_start3A_197] : memref<10240x128xf32, #tpu.memory_space<vmem_shared>> -> memref<10240x128xf32, #tpu.memory_space<vmem_shared>>
    tpu.enqueue_indirect_dma source(%dma_start3A_192 : memref<40x128xf32, #tpu.memory_space<vmem>>) target(%dma_start3A_198 : memref<10240x128xf32, #tpu.memory_space<vmem_shared>>) offsets(%dma_start3A_195 : memref<40xi32, #tpu.memory_space<vmem>>) semaphore(%arg19 : memref<!tpu.dma_semaphore, #tpu.memory_space<semaphore_mem>>) {add = true}
    %dma_wait3A_199 = arith.constant 1 : i32
    %dma_wait3A_200 = arith.constant 40 : i32
    %dma_wait3A_201 = arith.constant 0 : i32
    %dma_wait3A_202 = tpu.memref_slice %arg11[%dma_wait3A_200, %dma_wait3A_201] : memref<200x128xf32, #tpu.memory_space<vmem>> -> memref<40x128xf32, #tpu.memory_space<vmem>>
    %dma_wait3A_203 = arith.constant 0 : i32
    %dma_wait3A_204 = tpu.memref_slice %arg10[%dma_wait3A_199, %dma_wait3A_203] : memref<250x40xi32, #tpu.memory_space<vmem>> -> memref<1x40xi32, #tpu.memory_space<vmem>>
    %dma_wait3A_205 = tpu.memref_squeeze %dma_wait3A_204 : memref<1x40xi32, #tpu.memory_space<vmem>> -> memref<40xi32, #tpu.memory_space<vmem>>
    %dma_wait3A_206 = arith.constant 0 : i32
    %dma_wait3A_207 = arith.constant 0 : i32
    %dma_wait3A_208 = tpu.memref_slice %arg8[%dma_wait3A_206, %dma_wait3A_207] : memref<10240x128xf32, #tpu.memory_space<vmem_shared>> -> memref<10240x128xf32, #tpu.memory_space<vmem_shared>>
    tpu.wait_indirect_dma semaphore(%arg18 : memref<!tpu.dma_semaphore, #tpu.memory_space<semaphore_mem>>) src(%dma_wait3A_202 : memref<40x128xf32, #tpu.memory_space<vmem>>) dst(%dma_wait3A_208 : memref<10240x128xf32, #tpu.memory_space<vmem_shared>>)
    %dma_start3A_209 = arith.constant 6 : i32
    %dma_start3A_210 = arith.constant 40 : i32
    %dma_start3A_211 = arith.constant 0 : i32
    %dma_start3A_212 = tpu.memref_slice %arg11[%dma_start3A_210, %dma_start3A_211] : memref<200x128xf32, #tpu.memory_space<vmem>> -> memref<40x128xf32, #tpu.memory_space<vmem>>
    %dma_start3A_213 = arith.constant 0 : i32
    %dma_start3A_214 = tpu.memref_slice %arg9[%dma_start3A_209, %dma_start3A_213] : memref<250x40xi32, #tpu.memory_space<vmem>> -> memref<1x40xi32, #tpu.memory_space<vmem>>
    %dma_start3A_215 = tpu.memref_squeeze %dma_start3A_214 : memref<1x40xi32, #tpu.memory_space<vmem>> -> memref<40xi32, #tpu.memory_space<vmem>>
    %dma_start3A_216 = arith.constant 0 : i32
    %dma_start3A_217 = arith.constant 0 : i32
    %dma_start3A_218 = tpu.memref_slice %arg2[%dma_start3A_216, %dma_start3A_217] : memref<10000x128xf32, #tpu.memory_space<hbm>> -> memref<10000x128xf32, #tpu.memory_space<hbm>>
    tpu.enqueue_indirect_dma source(%dma_start3A_218 : memref<10000x128xf32, #tpu.memory_space<hbm>>) target(%dma_start3A_212 : memref<40x128xf32, #tpu.memory_space<vmem>>) offsets(%dma_start3A_215 : memref<40xi32, #tpu.memory_space<vmem>>) semaphore(%arg13 : memref<!tpu.dma_semaphore, #tpu.memory_space<semaphore_mem>>)
    %dma_wait3A_219 = arith.constant 3 : i32
    %dma_wait3A_220 = arith.constant 120 : i32
    %dma_wait3A_221 = arith.constant 0 : i32
    %dma_wait3A_222 = tpu.memref_slice %arg11[%dma_wait3A_220, %dma_wait3A_221] : memref<200x128xf32, #tpu.memory_space<vmem>> -> memref<40x128xf32, #tpu.memory_space<vmem>>
    %dma_wait3A_223 = arith.constant 0 : i32
    %dma_wait3A_224 = tpu.memref_slice %arg9[%dma_wait3A_219, %dma_wait3A_223] : memref<250x40xi32, #tpu.memory_space<vmem>> -> memref<1x40xi32, #tpu.memory_space<vmem>>
    %dma_wait3A_225 = tpu.memref_squeeze %dma_wait3A_224 : memref<1x40xi32, #tpu.memory_space<vmem>> -> memref<40xi32, #tpu.memory_space<vmem>>
    %dma_wait3A_226 = arith.constant 0 : i32
    %dma_wait3A_227 = arith.constant 0 : i32
    %dma_wait3A_228 = tpu.memref_slice %arg2[%dma_wait3A_226, %dma_wait3A_227] : memref<10000x128xf32, #tpu.memory_space<hbm>> -> memref<10000x128xf32, #tpu.memory_space<hbm>>
    tpu.wait_indirect_dma semaphore(%arg15 : memref<!tpu.dma_semaphore, #tpu.memory_space<semaphore_mem>>) src(%dma_wait3A_228 : memref<10000x128xf32, #tpu.memory_space<hbm>>) dst(%dma_wait3A_222 : memref<40x128xf32, #tpu.memory_space<vmem>>)
    %dma_start3A_229 = arith.constant 3 : i32
    %dma_start3A_230 = arith.constant 120 : i32
    %dma_start3A_231 = arith.constant 0 : i32
    %dma_start3A_232 = tpu.memref_slice %arg11[%dma_start3A_230, %dma_start3A_231] : memref<200x128xf32, #tpu.memory_space<vmem>> -> memref<40x128xf32, #tpu.memory_space<vmem>>
    %dma_start3A_233 = arith.constant 0 : i32
    %dma_start3A_234 = tpu.memref_slice %arg10[%dma_start3A_229, %dma_start3A_233] : memref<250x40xi32, #tpu.memory_space<vmem>> -> memref<1x40xi32, #tpu.memory_space<vmem>>
    %dma_start3A_235 = tpu.memref_squeeze %dma_start3A_234 : memref<1x40xi32, #tpu.memory_space<vmem>> -> memref<40xi32, #tpu.memory_space<vmem>>
    %dma_start3A_236 = arith.constant 0 : i32
    %dma_start3A_237 = arith.constant 0 : i32
    %dma_start3A_238 = tpu.memref_slice %arg8[%dma_start3A_236, %dma_start3A_237] : memref<10240x128xf32, #tpu.memory_space<vmem_shared>> -> memref<10240x128xf32, #tpu.memory_space<vmem_shared>>
    tpu.enqueue_indirect_dma source(%dma_start3A_232 : memref<40x128xf32, #tpu.memory_space<vmem>>) target(%dma_start3A_238 : memref<10240x128xf32, #tpu.memory_space<vmem_shared>>) offsets(%dma_start3A_235 : memref<40xi32, #tpu.memory_space<vmem>>) semaphore(%arg20 : memref<!tpu.dma_semaphore, #tpu.memory_space<semaphore_mem>>) {add = true}
    %dma_wait3A_239 = arith.constant 2 : i32
    %dma_wait3A_240 = arith.constant 80 : i32
    %dma_wait3A_241 = arith.constant 0 : i32
    %dma_wait3A_242 = tpu.memref_slice %arg11[%dma_wait3A_240, %dma_wait3A_241] : memref<200x128xf32, #tpu.memory_space<vmem>> -> memref<40x128xf32, #tpu.memory_space<vmem>>
    %dma_wait3A_243 = arith.constant 0 : i32
    %dma_wait3A_244 = tpu.memref_slice %arg10[%dma_wait3A_239, %dma_wait3A_243] : memref<250x40xi32, #tpu.memory_space<vmem>> -> memref<1x40xi32, #tpu.memory_space<vmem>>
    %dma_wait3A_245 = tpu.memref_squeeze %dma_wait3A_244 : memref<1x40xi32, #tpu.memory_space<vmem>> -> memref<40xi32, #tpu.memory_space<vmem>>
    %dma_wait3A_246 = arith.constant 0 : i32
    %dma_wait3A_247 = arith.constant 0 : i32
    %dma_wait3A_248 = tpu.memref_slice %arg8[%dma_wait3A_246, %dma_wait3A_247] : memref<10240x128xf32, #tpu.memory_space<vmem_shared>> -> memref<10240x128xf32, #tpu.memory_space<vmem_shared>>
    tpu.wait_indirect_dma semaphore(%arg19 : memref<!tpu.dma_semaphore, #tpu.memory_space<semaphore_mem>>) src(%dma_wait3A_242 : memref<40x128xf32, #tpu.memory_space<vmem>>) dst(%dma_wait3A_248 : memref<10240x128xf32, #tpu.memory_space<vmem_shared>>)
    %dma_start3A_249 = arith.constant 7 : i32
    %dma_start3A_250 = arith.constant 80 : i32
    %dma_start3A_251 = arith.constant 0 : i32
    %dma_start3A_252 = tpu.memref_slice %arg11[%dma_start3A_250, %dma_start3A_251] : memref<200x128xf32, #tpu.memory_space<vmem>> -> memref<40x128xf32, #tpu.memory_space<vmem>>
    %dma_start3A_253 = arith.constant 0 : i32
    %dma_start3A_254 = tpu.memref_slice %arg9[%dma_start3A_249, %dma_start3A_253] : memref<250x40xi32, #tpu.memory_space<vmem>> -> memref<1x40xi32, #tpu.memory_space<vmem>>
    %dma_start3A_255 = tpu.memref_squeeze %dma_start3A_254 : memref<1x40xi32, #tpu.memory_space<vmem>> -> memref<40xi32, #tpu.memory_space<vmem>>
    %dma_start3A_256 = arith.constant 0 : i32
    %dma_start3A_257 = arith.constant 0 : i32
    %dma_start3A_258 = tpu.memref_slice %arg2[%dma_start3A_256, %dma_start3A_257] : memref<10000x128xf32, #tpu.memory_space<hbm>> -> memref<10000x128xf32, #tpu.memory_space<hbm>>
    tpu.enqueue_indirect_dma source(%dma_start3A_258 : memref<10000x128xf32, #tpu.memory_space<hbm>>) target(%dma_start3A_252 : memref<40x128xf32, #tpu.memory_space<vmem>>) offsets(%dma_start3A_255 : memref<40xi32, #tpu.memory_space<vmem>>) semaphore(%arg14 : memref<!tpu.dma_semaphore, #tpu.memory_space<semaphore_mem>>)
    %dma_wait3A_259 = arith.constant 4 : i32
    %dma_wait3A_260 = arith.constant 160 : i32
    %dma_wait3A_261 = arith.constant 0 : i32
    %dma_wait3A_262 = tpu.memref_slice %arg11[%dma_wait3A_260, %dma_wait3A_261] : memref<200x128xf32, #tpu.memory_space<vmem>> -> memref<40x128xf32, #tpu.memory_space<vmem>>
    %dma_wait3A_263 = arith.constant 0 : i32
    %dma_wait3A_264 = tpu.memref_slice %arg9[%dma_wait3A_259, %dma_wait3A_263] : memref<250x40xi32, #tpu.memory_space<vmem>> -> memref<1x40xi32, #tpu.memory_space<vmem>>
    %dma_wait3A_265 = tpu.memref_squeeze %dma_wait3A_264 : memref<1x40xi32, #tpu.memory_space<vmem>> -> memref<40xi32, #tpu.memory_space<vmem>>
    %dma_wait3A_266 = arith.constant 0 : i32
    %dma_wait3A_267 = arith.constant 0 : i32
    %dma_wait3A_268 = tpu.memref_slice %arg2[%dma_wait3A_266, %dma_wait3A_267] : memref<10000x128xf32, #tpu.memory_space<hbm>> -> memref<10000x128xf32, #tpu.memory_space<hbm>>
    tpu.wait_indirect_dma semaphore(%arg16 : memref<!tpu.dma_semaphore, #tpu.memory_space<semaphore_mem>>) src(%dma_wait3A_268 : memref<10000x128xf32, #tpu.memory_space<hbm>>) dst(%dma_wait3A_262 : memref<40x128xf32, #tpu.memory_space<vmem>>)
    %dma_start3A_269 = arith.constant 4 : i32
    %dma_start3A_270 = arith.constant 160 : i32
    %dma_start3A_271 = arith.constant 0 : i32
    %dma_start3A_272 = tpu.memref_slice %arg11[%dma_start3A_270, %dma_start3A_271] : memref<200x128xf32, #tpu.memory_space<vmem>> -> memref<40x128xf32, #tpu.memory_space<vmem>>
    %dma_start3A_273 = arith.constant 0 : i32
    %dma_start3A_274 = tpu.memref_slice %arg10[%dma_start3A_269, %dma_start3A_273] : memref<250x40xi32, #tpu.memory_space<vmem>> -> memref<1x40xi32, #tpu.memory_space<vmem>>
    %dma_start3A_275 = tpu.memref_squeeze %dma_start3A_274 : memref<1x40xi32, #tpu.memory_space<vmem>> -> memref<40xi32, #tpu.memory_space<vmem>>
    %dma_start3A_276 = arith.constant 0 : i32
    %dma_start3A_277 = arith.constant 0 : i32
    %dma_start3A_278 = tpu.memref_slice %arg8[%dma_start3A_276, %dma_start3A_277] : memref<10240x128xf32, #tpu.memory_space<vmem_shared>> -> memref<10240x128xf32, #tpu.memory_space<vmem_shared>>
    tpu.enqueue_indirect_dma source(%dma_start3A_272 : memref<40x128xf32, #tpu.memory_space<vmem>>) target(%dma_start3A_278 : memref<10240x128xf32, #tpu.memory_space<vmem_shared>>) offsets(%dma_start3A_275 : memref<40xi32, #tpu.memory_space<vmem>>) semaphore(%arg21 : memref<!tpu.dma_semaphore, #tpu.memory_space<semaphore_mem>>) {add = true}
    %scan3A_279 = arith.constant 0 : i32
    %scan3A_280 = arith.constant 1 : i32
    %scan3A_281 = arith.constant 49 : i32
    %scan3A_282 = arith.addi %scan3A_280, %scan3A_281 : i32
    %scan3A_283 = arith.constant 1 : i32
    scf.for %scan3A_340 = %scan3A_280 to %scan3A_282 step %scan3A_283  : i32 {
      %mul3A_341 = arith.constant 5 : i32
      %mul3A_342 = arith.muli %mul3A_341, %scan3A_340 : i32
      %add3A_343 = arith.constant 0 : i32
      %add3A_344 = arith.addi %mul3A_342, %add3A_343 : i32
      %sub3A = arith.constant 2 : i32
      %sub3A_345 = arith.subi %add3A_344, %sub3A : i32
      %dma_wait3A_346 = arith.constant 120 : i32
      %dma_wait3A_347 = arith.constant 0 : i32
      %dma_wait3A_348 = tpu.memref_slice %arg11[%dma_wait3A_346, %dma_wait3A_347] : memref<200x128xf32, #tpu.memory_space<vmem>> -> memref<40x128xf32, #tpu.memory_space<vmem>>
      %dma_wait3A_349 = arith.constant 0 : i32
      %dma_wait3A_350 = tpu.memref_slice %arg10[%sub3A_345, %dma_wait3A_349] : memref<250x40xi32, #tpu.memory_space<vmem>> -> memref<1x40xi32, #tpu.memory_space<vmem>>
      %dma_wait3A_351 = tpu.memref_squeeze %dma_wait3A_350 : memref<1x40xi32, #tpu.memory_space<vmem>> -> memref<40xi32, #tpu.memory_space<vmem>>
      %dma_wait3A_352 = arith.constant 0 : i32
      %dma_wait3A_353 = arith.constant 0 : i32
      %dma_wait3A_354 = tpu.memref_slice %arg8[%dma_wait3A_352, %dma_wait3A_353] : memref<10240x128xf32, #tpu.memory_space<vmem_shared>> -> memref<10240x128xf32, #tpu.memory_space<vmem_shared>>
      tpu.wait_indirect_dma semaphore(%arg20 : memref<!tpu.dma_semaphore, #tpu.memory_space<semaphore_mem>>) src(%dma_wait3A_348 : memref<40x128xf32, #tpu.memory_space<vmem>>) dst(%dma_wait3A_354 : memref<10240x128xf32, #tpu.memory_space<vmem_shared>>)
      %add3A_355 = arith.constant 3 : i32
      %add3A_356 = arith.addi %add3A_344, %add3A_355 : i32
      %min3A = arith.constant 249 : i32
      %min3A_357 = arith.minsi %add3A_356, %min3A : i32
      %dma_start3A_358 = arith.constant 120 : i32
      %dma_start3A_359 = arith.constant 0 : i32
      %dma_start3A_360 = tpu.memref_slice %arg11[%dma_start3A_358, %dma_start3A_359] : memref<200x128xf32, #tpu.memory_space<vmem>> -> memref<40x128xf32, #tpu.memory_space<vmem>>
      %dma_start3A_361 = arith.constant 0 : i32
      %dma_start3A_362 = tpu.memref_slice %arg9[%min3A_357, %dma_start3A_361] : memref<250x40xi32, #tpu.memory_space<vmem>> -> memref<1x40xi32, #tpu.memory_space<vmem>>
      %dma_start3A_363 = tpu.memref_squeeze %dma_start3A_362 : memref<1x40xi32, #tpu.memory_space<vmem>> -> memref<40xi32, #tpu.memory_space<vmem>>
      %dma_start3A_364 = arith.constant 0 : i32
      %dma_start3A_365 = arith.constant 0 : i32
      %dma_start3A_366 = tpu.memref_slice %arg2[%dma_start3A_364, %dma_start3A_365] : memref<10000x128xf32, #tpu.memory_space<hbm>> -> memref<10000x128xf32, #tpu.memory_space<hbm>>
      tpu.enqueue_indirect_dma source(%dma_start3A_366 : memref<10000x128xf32, #tpu.memory_space<hbm>>) target(%dma_start3A_360 : memref<40x128xf32, #tpu.memory_space<vmem>>) offsets(%dma_start3A_363 : memref<40xi32, #tpu.memory_space<vmem>>) semaphore(%arg15 : memref<!tpu.dma_semaphore, #tpu.memory_space<semaphore_mem>>)
      %dma_wait3A_367 = arith.constant 0 : i32
      %dma_wait3A_368 = arith.constant 0 : i32
      %dma_wait3A_369 = tpu.memref_slice %arg11[%dma_wait3A_367, %dma_wait3A_368] : memref<200x128xf32, #tpu.memory_space<vmem>> -> memref<40x128xf32, #tpu.memory_space<vmem>>
      %dma_wait3A_370 = arith.constant 0 : i32
      %dma_wait3A_371 = tpu.memref_slice %arg9[%add3A_344, %dma_wait3A_370] : memref<250x40xi32, #tpu.memory_space<vmem>> -> memref<1x40xi32, #tpu.memory_space<vmem>>
      %dma_wait3A_372 = tpu.memref_squeeze %dma_wait3A_371 : memref<1x40xi32, #tpu.memory_space<vmem>> -> memref<40xi32, #tpu.memory_space<vmem>>
      %dma_wait3A_373 = arith.constant 0 : i32
      %dma_wait3A_374 = arith.constant 0 : i32
      %dma_wait3A_375 = tpu.memref_slice %arg2[%dma_wait3A_373, %dma_wait3A_374] : memref<10000x128xf32, #tpu.memory_space<hbm>> -> memref<10000x128xf32, #tpu.memory_space<hbm>>
      tpu.wait_indirect_dma semaphore(%arg12 : memref<!tpu.dma_semaphore, #tpu.memory_space<semaphore_mem>>) src(%dma_wait3A_375 : memref<10000x128xf32, #tpu.memory_space<hbm>>) dst(%dma_wait3A_369 : memref<40x128xf32, #tpu.memory_space<vmem>>)
      %dma_start3A_376 = arith.constant 0 : i32
      %dma_start3A_377 = arith.constant 0 : i32
      %dma_start3A_378 = tpu.memref_slice %arg11[%dma_start3A_376, %dma_start3A_377] : memref<200x128xf32, #tpu.memory_space<vmem>> -> memref<40x128xf32, #tpu.memory_space<vmem>>
      %dma_start3A_379 = arith.constant 0 : i32
      %dma_start3A_380 = tpu.memref_slice %arg10[%add3A_344, %dma_start3A_379] : memref<250x40xi32, #tpu.memory_space<vmem>> -> memref<1x40xi32, #tpu.memory_space<vmem>>
      %dma_start3A_381 = tpu.memref_squeeze %dma_start3A_380 : memref<1x40xi32, #tpu.memory_space<vmem>> -> memref<40xi32, #tpu.memory_space<vmem>>
      %dma_start3A_382 = arith.constant 0 : i32
      %dma_start3A_383 = arith.constant 0 : i32
      %dma_start3A_384 = tpu.memref_slice %arg8[%dma_start3A_382, %dma_start3A_383] : memref<10240x128xf32, #tpu.memory_space<vmem_shared>> -> memref<10240x128xf32, #tpu.memory_space<vmem_shared>>
      tpu.enqueue_indirect_dma source(%dma_start3A_378 : memref<40x128xf32, #tpu.memory_space<vmem>>) target(%dma_start3A_384 : memref<10240x128xf32, #tpu.memory_space<vmem_shared>>) offsets(%dma_start3A_381 : memref<40xi32, #tpu.memory_space<vmem>>) semaphore(%arg17 : memref<!tpu.dma_semaphore, #tpu.memory_space<semaphore_mem>>) {add = true}
      %mul3A_385 = arith.constant 5 : i32
      %mul3A_386 = arith.muli %mul3A_385, %scan3A_340 : i32
      %add3A_387 = arith.constant 1 : i32
      %add3A_388 = arith.addi %mul3A_386, %add3A_387 : i32
      %sub3A_389 = arith.constant 2 : i32
      %sub3A_390 = arith.subi %add3A_388, %sub3A_389 : i32
      %dma_wait3A_391 = arith.constant 160 : i32
      %dma_wait3A_392 = arith.constant 0 : i32
      %dma_wait3A_393 = tpu.memref_slice %arg11[%dma_wait3A_391, %dma_wait3A_392] : memref<200x128xf32, #tpu.memory_space<vmem>> -> memref<40x128xf32, #tpu.memory_space<vmem>>
      %dma_wait3A_394 = arith.constant 0 : i32
      %dma_wait3A_395 = tpu.memref_slice %arg10[%sub3A_390, %dma_wait3A_394] : memref<250x40xi32, #tpu.memory_space<vmem>> -> memref<1x40xi32, #tpu.memory_space<vmem>>
      %dma_wait3A_396 = tpu.memref_squeeze %dma_wait3A_395 : memref<1x40xi32, #tpu.memory_space<vmem>> -> memref<40xi32, #tpu.memory_space<vmem>>
      %dma_wait3A_397 = arith.constant 0 : i32
      %dma_wait3A_398 = arith.constant 0 : i32
      %dma_wait3A_399 = tpu.memref_slice %arg8[%dma_wait3A_397, %dma_wait3A_398] : memref<10240x128xf32, #tpu.memory_space<vmem_shared>> -> memref<10240x128xf32, #tpu.memory_space<vmem_shared>>
      tpu.wait_indirect_dma semaphore(%arg21 : memref<!tpu.dma_semaphore, #tpu.memory_space<semaphore_mem>>) src(%dma_wait3A_393 : memref<40x128xf32, #tpu.memory_space<vmem>>) dst(%dma_wait3A_399 : memref<10240x128xf32, #tpu.memory_space<vmem_shared>>)
      %add3A_400 = arith.constant 3 : i32
      %add3A_401 = arith.addi %add3A_388, %add3A_400 : i32
      %min3A_402 = arith.constant 249 : i32
      %min3A_403 = arith.minsi %add3A_401, %min3A_402 : i32
      %dma_start3A_404 = arith.constant 160 : i32
      %dma_start3A_405 = arith.constant 0 : i32
      %dma_start3A_406 = tpu.memref_slice %arg11[%dma_start3A_404, %dma_start3A_405] : memref<200x128xf32, #tpu.memory_space<vmem>> -> memref<40x128xf32, #tpu.memory_space<vmem>>
      %dma_start3A_407 = arith.constant 0 : i32
      %dma_start3A_408 = tpu.memref_slice %arg9[%min3A_403, %dma_start3A_407] : memref<250x40xi32, #tpu.memory_space<vmem>> -> memref<1x40xi32, #tpu.memory_space<vmem>>
      %dma_start3A_409 = tpu.memref_squeeze %dma_start3A_408 : memref<1x40xi32, #tpu.memory_space<vmem>> -> memref<40xi32, #tpu.memory_space<vmem>>
      %dma_start3A_410 = arith.constant 0 : i32
      %dma_start3A_411 = arith.constant 0 : i32
      %dma_start3A_412 = tpu.memref_slice %arg2[%dma_start3A_410, %dma_start3A_411] : memref<10000x128xf32, #tpu.memory_space<hbm>> -> memref<10000x128xf32, #tpu.memory_space<hbm>>
      tpu.enqueue_indirect_dma source(%dma_start3A_412 : memref<10000x128xf32, #tpu.memory_space<hbm>>) target(%dma_start3A_406 : memref<40x128xf32, #tpu.memory_space<vmem>>) offsets(%dma_start3A_409 : memref<40xi32, #tpu.memory_space<vmem>>) semaphore(%arg16 : memref<!tpu.dma_semaphore, #tpu.memory_space<semaphore_mem>>)
      %dma_wait3A_413 = arith.constant 40 : i32
      %dma_wait3A_414 = arith.constant 0 : i32
      %dma_wait3A_415 = tpu.memref_slice %arg11[%dma_wait3A_413, %dma_wait3A_414] : memref<200x128xf32, #tpu.memory_space<vmem>> -> memref<40x128xf32, #tpu.memory_space<vmem>>
      %dma_wait3A_416 = arith.constant 0 : i32
      %dma_wait3A_417 = tpu.memref_slice %arg9[%add3A_388, %dma_wait3A_416] : memref<250x40xi32, #tpu.memory_space<vmem>> -> memref<1x40xi32, #tpu.memory_space<vmem>>
      %dma_wait3A_418 = tpu.memref_squeeze %dma_wait3A_417 : memref<1x40xi32, #tpu.memory_space<vmem>> -> memref<40xi32, #tpu.memory_space<vmem>>
      %dma_wait3A_419 = arith.constant 0 : i32
      %dma_wait3A_420 = arith.constant 0 : i32
      %dma_wait3A_421 = tpu.memref_slice %arg2[%dma_wait3A_419, %dma_wait3A_420] : memref<10000x128xf32, #tpu.memory_space<hbm>> -> memref<10000x128xf32, #tpu.memory_space<hbm>>
      tpu.wait_indirect_dma semaphore(%arg13 : memref<!tpu.dma_semaphore, #tpu.memory_space<semaphore_mem>>) src(%dma_wait3A_421 : memref<10000x128xf32, #tpu.memory_space<hbm>>) dst(%dma_wait3A_415 : memref<40x128xf32, #tpu.memory_space<vmem>>)
      %dma_start3A_422 = arith.constant 40 : i32
      %dma_start3A_423 = arith.constant 0 : i32
      %dma_start3A_424 = tpu.memref_slice %arg11[%dma_start3A_422, %dma_start3A_423] : memref<200x128xf32, #tpu.memory_space<vmem>> -> memref<40x128xf32, #tpu.memory_space<vmem>>
      %dma_start3A_425 = arith.constant 0 : i32
      %dma_start3A_426 = tpu.memref_slice %arg10[%add3A_388, %dma_start3A_425] : memref<250x40xi32, #tpu.memory_space<vmem>> -> memref<1x40xi32, #tpu.memory_space<vmem>>
      %dma_start3A_427 = tpu.memref_squeeze %dma_start3A_426 : memref<1x40xi32, #tpu.memory_space<vmem>> -> memref<40xi32, #tpu.memory_space<vmem>>
      %dma_start3A_428 = arith.constant 0 : i32
      %dma_start3A_429 = arith.constant 0 : i32
      %dma_start3A_430 = tpu.memref_slice %arg8[%dma_start3A_428, %dma_start3A_429] : memref<10240x128xf32, #tpu.memory_space<vmem_shared>> -> memref<10240x128xf32, #tpu.memory_space<vmem_shared>>
      tpu.enqueue_indirect_dma source(%dma_start3A_424 : memref<40x128xf32, #tpu.memory_space<vmem>>) target(%dma_start3A_430 : memref<10240x128xf32, #tpu.memory_space<vmem_shared>>) offsets(%dma_start3A_427 : memref<40xi32, #tpu.memory_space<vmem>>) semaphore(%arg18 : memref<!tpu.dma_semaphore, #tpu.memory_space<semaphore_mem>>) {add = true}
      %mul3A_431 = arith.constant 5 : i32
      %mul3A_432 = arith.muli %mul3A_431, %scan3A_340 : i32
      %add3A_433 = arith.constant 2 : i32
      %add3A_434 = arith.addi %mul3A_432, %add3A_433 : i32
      %sub3A_435 = arith.constant 2 : i32
      %sub3A_436 = arith.subi %add3A_434, %sub3A_435 : i32
      %dma_wait3A_437 = arith.constant 0 : i32
      %dma_wait3A_438 = arith.constant 0 : i32
      %dma_wait3A_439 = tpu.memref_slice %arg11[%dma_wait3A_437, %dma_wait3A_438] : memref<200x128xf32, #tpu.memory_space<vmem>> -> memref<40x128xf32, #tpu.memory_space<vmem>>
      %dma_wait3A_440 = arith.constant 0 : i32
      %dma_wait3A_441 = tpu.memref_slice %arg10[%sub3A_436, %dma_wait3A_440] : memref<250x40xi32, #tpu.memory_space<vmem>> -> memref<1x40xi32, #tpu.memory_space<vmem>>
      %dma_wait3A_442 = tpu.memref_squeeze %dma_wait3A_441 : memref<1x40xi32, #tpu.memory_space<vmem>> -> memref<40xi32, #tpu.memory_space<vmem>>
      %dma_wait3A_443 = arith.constant 0 : i32
      %dma_wait3A_444 = arith.constant 0 : i32
      %dma_wait3A_445 = tpu.memref_slice %arg8[%dma_wait3A_443, %dma_wait3A_444] : memref<10240x128xf32, #tpu.memory_space<vmem_shared>> -> memref<10240x128xf32, #tpu.memory_space<vmem_shared>>
      tpu.wait_indirect_dma semaphore(%arg17 : memref<!tpu.dma_semaphore, #tpu.memory_space<semaphore_mem>>) src(%dma_wait3A_439 : memref<40x128xf32, #tpu.memory_space<vmem>>) dst(%dma_wait3A_445 : memref<10240x128xf32, #tpu.memory_space<vmem_shared>>)
      %add3A_446 = arith.constant 3 : i32
      %add3A_447 = arith.addi %add3A_434, %add3A_446 : i32
      %min3A_448 = arith.constant 249 : i32
      %min3A_449 = arith.minsi %add3A_447, %min3A_448 : i32
      %dma_start3A_450 = arith.constant 0 : i32
      %dma_start3A_451 = arith.constant 0 : i32
      %dma_start3A_452 = tpu.memref_slice %arg11[%dma_start3A_450, %dma_start3A_451] : memref<200x128xf32, #tpu.memory_space<vmem>> -> memref<40x128xf32, #tpu.memory_space<vmem>>
      %dma_start3A_453 = arith.constant 0 : i32
      %dma_start3A_454 = tpu.memref_slice %arg9[%min3A_449, %dma_start3A_453] : memref<250x40xi32, #tpu.memory_space<vmem>> -> memref<1x40xi32, #tpu.memory_space<vmem>>
      %dma_start3A_455 = tpu.memref_squeeze %dma_start3A_454 : memref<1x40xi32, #tpu.memory_space<vmem>> -> memref<40xi32, #tpu.memory_space<vmem>>
      %dma_start3A_456 = arith.constant 0 : i32
      %dma_start3A_457 = arith.constant 0 : i32
      %dma_start3A_458 = tpu.memref_slice %arg2[%dma_start3A_456, %dma_start3A_457] : memref<10000x128xf32, #tpu.memory_space<hbm>> -> memref<10000x128xf32, #tpu.memory_space<hbm>>
      tpu.enqueue_indirect_dma source(%dma_start3A_458 : memref<10000x128xf32, #tpu.memory_space<hbm>>) target(%dma_start3A_452 : memref<40x128xf32, #tpu.memory_space<vmem>>) offsets(%dma_start3A_455 : memref<40xi32, #tpu.memory_space<vmem>>) semaphore(%arg12 : memref<!tpu.dma_semaphore, #tpu.memory_space<semaphore_mem>>)
      %dma_wait3A_459 = arith.constant 80 : i32
      %dma_wait3A_460 = arith.constant 0 : i32
      %dma_wait3A_461 = tpu.memref_slice %arg11[%dma_wait3A_459, %dma_wait3A_460] : memref<200x128xf32, #tpu.memory_space<vmem>> -> memref<40x128xf32, #tpu.memory_space<vmem>>
      %dma_wait3A_462 = arith.constant 0 : i32
      %dma_wait3A_463 = tpu.memref_slice %arg9[%add3A_434, %dma_wait3A_462] : memref<250x40xi32, #tpu.memory_space<vmem>> -> memref<1x40xi32, #tpu.memory_space<vmem>>
      %dma_wait3A_464 = tpu.memref_squeeze %dma_wait3A_463 : memref<1x40xi32, #tpu.memory_space<vmem>> -> memref<40xi32, #tpu.memory_space<vmem>>
      %dma_wait3A_465 = arith.constant 0 : i32
      %dma_wait3A_466 = arith.constant 0 : i32
      %dma_wait3A_467 = tpu.memref_slice %arg2[%dma_wait3A_465, %dma_wait3A_466] : memref<10000x128xf32, #tpu.memory_space<hbm>> -> memref<10000x128xf32, #tpu.memory_space<hbm>>
      tpu.wait_indirect_dma semaphore(%arg14 : memref<!tpu.dma_semaphore, #tpu.memory_space<semaphore_mem>>) src(%dma_wait3A_467 : memref<10000x128xf32, #tpu.memory_space<hbm>>) dst(%dma_wait3A_461 : memref<40x128xf32, #tpu.memory_space<vmem>>)
      %dma_start3A_468 = arith.constant 80 : i32
      %dma_start3A_469 = arith.constant 0 : i32
      %dma_start3A_470 = tpu.memref_slice %arg11[%dma_start3A_468, %dma_start3A_469] : memref<200x128xf32, #tpu.memory_space<vmem>> -> memref<40x128xf32, #tpu.memory_space<vmem>>
      %dma_start3A_471 = arith.constant 0 : i32
      %dma_start3A_472 = tpu.memref_slice %arg10[%add3A_434, %dma_start3A_471] : memref<250x40xi32, #tpu.memory_space<vmem>> -> memref<1x40xi32, #tpu.memory_space<vmem>>
      %dma_start3A_473 = tpu.memref_squeeze %dma_start3A_472 : memref<1x40xi32, #tpu.memory_space<vmem>> -> memref<40xi32, #tpu.memory_space<vmem>>
      %dma_start3A_474 = arith.constant 0 : i32
      %dma_start3A_475 = arith.constant 0 : i32
      %dma_start3A_476 = tpu.memref_slice %arg8[%dma_start3A_474, %dma_start3A_475] : memref<10240x128xf32, #tpu.memory_space<vmem_shared>> -> memref<10240x128xf32, #tpu.memory_space<vmem_shared>>
      tpu.enqueue_indirect_dma source(%dma_start3A_470 : memref<40x128xf32, #tpu.memory_space<vmem>>) target(%dma_start3A_476 : memref<10240x128xf32, #tpu.memory_space<vmem_shared>>) offsets(%dma_start3A_473 : memref<40xi32, #tpu.memory_space<vmem>>) semaphore(%arg19 : memref<!tpu.dma_semaphore, #tpu.memory_space<semaphore_mem>>) {add = true}
      %mul3A_477 = arith.constant 5 : i32
      %mul3A_478 = arith.muli %mul3A_477, %scan3A_340 : i32
      %add3A_479 = arith.constant 3 : i32
      %add3A_480 = arith.addi %mul3A_478, %add3A_479 : i32
      %sub3A_481 = arith.constant 2 : i32
      %sub3A_482 = arith.subi %add3A_480, %sub3A_481 : i32
      %dma_wait3A_483 = arith.constant 40 : i32
      %dma_wait3A_484 = arith.constant 0 : i32
      %dma_wait3A_485 = tpu.memref_slice %arg11[%dma_wait3A_483, %dma_wait3A_484] : memref<200x128xf32, #tpu.memory_space<vmem>> -> memref<40x128xf32, #tpu.memory_space<vmem>>
      %dma_wait3A_486 = arith.constant 0 : i32
      %dma_wait3A_487 = tpu.memref_slice %arg10[%sub3A_482, %dma_wait3A_486] : memref<250x40xi32, #tpu.memory_space<vmem>> -> memref<1x40xi32, #tpu.memory_space<vmem>>
      %dma_wait3A_488 = tpu.memref_squeeze %dma_wait3A_487 : memref<1x40xi32, #tpu.memory_space<vmem>> -> memref<40xi32, #tpu.memory_space<vmem>>
      %dma_wait3A_489 = arith.constant 0 : i32
      %dma_wait3A_490 = arith.constant 0 : i32
      %dma_wait3A_491 = tpu.memref_slice %arg8[%dma_wait3A_489, %dma_wait3A_490] : memref<10240x128xf32, #tpu.memory_space<vmem_shared>> -> memref<10240x128xf32, #tpu.memory_space<vmem_shared>>
      tpu.wait_indirect_dma semaphore(%arg18 : memref<!tpu.dma_semaphore, #tpu.memory_space<semaphore_mem>>) src(%dma_wait3A_485 : memref<40x128xf32, #tpu.memory_space<vmem>>) dst(%dma_wait3A_491 : memref<10240x128xf32, #tpu.memory_space<vmem_shared>>)
      %add3A_492 = arith.constant 3 : i32
      %add3A_493 = arith.addi %add3A_480, %add3A_492 : i32
      %min3A_494 = arith.constant 249 : i32
      %min3A_495 = arith.minsi %add3A_493, %min3A_494 : i32
      %dma_start3A_496 = arith.constant 40 : i32
      %dma_start3A_497 = arith.constant 0 : i32
      %dma_start3A_498 = tpu.memref_slice %arg11[%dma_start3A_496, %dma_start3A_497] : memref<200x128xf32, #tpu.memory_space<vmem>> -> memref<40x128xf32, #tpu.memory_space<vmem>>
      %dma_start3A_499 = arith.constant 0 : i32
      %dma_start3A_500 = tpu.memref_slice %arg9[%min3A_495, %dma_start3A_499] : memref<250x40xi32, #tpu.memory_space<vmem>> -> memref<1x40xi32, #tpu.memory_space<vmem>>
      %dma_start3A_501 = tpu.memref_squeeze %dma_start3A_500 : memref<1x40xi32, #tpu.memory_space<vmem>> -> memref<40xi32, #tpu.memory_space<vmem>>
      %dma_start3A_502 = arith.constant 0 : i32
      %dma_start3A_503 = arith.constant 0 : i32
      %dma_start3A_504 = tpu.memref_slice %arg2[%dma_start3A_502, %dma_start3A_503] : memref<10000x128xf32, #tpu.memory_space<hbm>> -> memref<10000x128xf32, #tpu.memory_space<hbm>>
      tpu.enqueue_indirect_dma source(%dma_start3A_504 : memref<10000x128xf32, #tpu.memory_space<hbm>>) target(%dma_start3A_498 : memref<40x128xf32, #tpu.memory_space<vmem>>) offsets(%dma_start3A_501 : memref<40xi32, #tpu.memory_space<vmem>>) semaphore(%arg13 : memref<!tpu.dma_semaphore, #tpu.memory_space<semaphore_mem>>)
      %dma_wait3A_505 = arith.constant 120 : i32
      %dma_wait3A_506 = arith.constant 0 : i32
      %dma_wait3A_507 = tpu.memref_slice %arg11[%dma_wait3A_505, %dma_wait3A_506] : memref<200x128xf32, #tpu.memory_space<vmem>> -> memref<40x128xf32, #tpu.memory_space<vmem>>
      %dma_wait3A_508 = arith.constant 0 : i32
      %dma_wait3A_509 = tpu.memref_slice %arg9[%add3A_480, %dma_wait3A_508] : memref<250x40xi32, #tpu.memory_space<vmem>> -> memref<1x40xi32, #tpu.memory_space<vmem>>
      %dma_wait3A_510 = tpu.memref_squeeze %dma_wait3A_509 : memref<1x40xi32, #tpu.memory_space<vmem>> -> memref<40xi32, #tpu.memory_space<vmem>>
      %dma_wait3A_511 = arith.constant 0 : i32
      %dma_wait3A_512 = arith.constant 0 : i32
      %dma_wait3A_513 = tpu.memref_slice %arg2[%dma_wait3A_511, %dma_wait3A_512] : memref<10000x128xf32, #tpu.memory_space<hbm>> -> memref<10000x128xf32, #tpu.memory_space<hbm>>
      tpu.wait_indirect_dma semaphore(%arg15 : memref<!tpu.dma_semaphore, #tpu.memory_space<semaphore_mem>>) src(%dma_wait3A_513 : memref<10000x128xf32, #tpu.memory_space<hbm>>) dst(%dma_wait3A_507 : memref<40x128xf32, #tpu.memory_space<vmem>>)
      %dma_start3A_514 = arith.constant 120 : i32
      %dma_start3A_515 = arith.constant 0 : i32
      %dma_start3A_516 = tpu.memref_slice %arg11[%dma_start3A_514, %dma_start3A_515] : memref<200x128xf32, #tpu.memory_space<vmem>> -> memref<40x128xf32, #tpu.memory_space<vmem>>
      %dma_start3A_517 = arith.constant 0 : i32
      %dma_start3A_518 = tpu.memref_slice %arg10[%add3A_480, %dma_start3A_517] : memref<250x40xi32, #tpu.memory_space<vmem>> -> memref<1x40xi32, #tpu.memory_space<vmem>>
      %dma_start3A_519 = tpu.memref_squeeze %dma_start3A_518 : memref<1x40xi32, #tpu.memory_space<vmem>> -> memref<40xi32, #tpu.memory_space<vmem>>
      %dma_start3A_520 = arith.constant 0 : i32
      %dma_start3A_521 = arith.constant 0 : i32
      %dma_start3A_522 = tpu.memref_slice %arg8[%dma_start3A_520, %dma_start3A_521] : memref<10240x128xf32, #tpu.memory_space<vmem_shared>> -> memref<10240x128xf32, #tpu.memory_space<vmem_shared>>
      tpu.enqueue_indirect_dma source(%dma_start3A_516 : memref<40x128xf32, #tpu.memory_space<vmem>>) target(%dma_start3A_522 : memref<10240x128xf32, #tpu.memory_space<vmem_shared>>) offsets(%dma_start3A_519 : memref<40xi32, #tpu.memory_space<vmem>>) semaphore(%arg20 : memref<!tpu.dma_semaphore, #tpu.memory_space<semaphore_mem>>) {add = true}
      %mul3A_523 = arith.constant 5 : i32
      %mul3A_524 = arith.muli %mul3A_523, %scan3A_340 : i32
      %add3A_525 = arith.constant 4 : i32
      %add3A_526 = arith.addi %mul3A_524, %add3A_525 : i32
      %sub3A_527 = arith.constant 2 : i32
      %sub3A_528 = arith.subi %add3A_526, %sub3A_527 : i32
      %dma_wait3A_529 = arith.constant 80 : i32
      %dma_wait3A_530 = arith.constant 0 : i32
      %dma_wait3A_531 = tpu.memref_slice %arg11[%dma_wait3A_529, %dma_wait3A_530] : memref<200x128xf32, #tpu.memory_space<vmem>> -> memref<40x128xf32, #tpu.memory_space<vmem>>
      %dma_wait3A_532 = arith.constant 0 : i32
      %dma_wait3A_533 = tpu.memref_slice %arg10[%sub3A_528, %dma_wait3A_532] : memref<250x40xi32, #tpu.memory_space<vmem>> -> memref<1x40xi32, #tpu.memory_space<vmem>>
      %dma_wait3A_534 = tpu.memref_squeeze %dma_wait3A_533 : memref<1x40xi32, #tpu.memory_space<vmem>> -> memref<40xi32, #tpu.memory_space<vmem>>
      %dma_wait3A_535 = arith.constant 0 : i32
      %dma_wait3A_536 = arith.constant 0 : i32
      %dma_wait3A_537 = tpu.memref_slice %arg8[%dma_wait3A_535, %dma_wait3A_536] : memref<10240x128xf32, #tpu.memory_space<vmem_shared>> -> memref<10240x128xf32, #tpu.memory_space<vmem_shared>>
      tpu.wait_indirect_dma semaphore(%arg19 : memref<!tpu.dma_semaphore, #tpu.memory_space<semaphore_mem>>) src(%dma_wait3A_531 : memref<40x128xf32, #tpu.memory_space<vmem>>) dst(%dma_wait3A_537 : memref<10240x128xf32, #tpu.memory_space<vmem_shared>>)
      %add3A_538 = arith.constant 3 : i32
      %add3A_539 = arith.addi %add3A_526, %add3A_538 : i32
      %min3A_540 = arith.constant 249 : i32
      %min3A_541 = arith.minsi %add3A_539, %min3A_540 : i32
      %dma_start3A_542 = arith.constant 80 : i32
      %dma_start3A_543 = arith.constant 0 : i32
      %dma_start3A_544 = tpu.memref_slice %arg11[%dma_start3A_542, %dma_start3A_543] : memref<200x128xf32, #tpu.memory_space<vmem>> -> memref<40x128xf32, #tpu.memory_space<vmem>>
      %dma_start3A_545 = arith.constant 0 : i32
      %dma_start3A_546 = tpu.memref_slice %arg9[%min3A_541, %dma_start3A_545] : memref<250x40xi32, #tpu.memory_space<vmem>> -> memref<1x40xi32, #tpu.memory_space<vmem>>
      %dma_start3A_547 = tpu.memref_squeeze %dma_start3A_546 : memref<1x40xi32, #tpu.memory_space<vmem>> -> memref<40xi32, #tpu.memory_space<vmem>>
      %dma_start3A_548 = arith.constant 0 : i32
      %dma_start3A_549 = arith.constant 0 : i32
      %dma_start3A_550 = tpu.memref_slice %arg2[%dma_start3A_548, %dma_start3A_549] : memref<10000x128xf32, #tpu.memory_space<hbm>> -> memref<10000x128xf32, #tpu.memory_space<hbm>>
      tpu.enqueue_indirect_dma source(%dma_start3A_550 : memref<10000x128xf32, #tpu.memory_space<hbm>>) target(%dma_start3A_544 : memref<40x128xf32, #tpu.memory_space<vmem>>) offsets(%dma_start3A_547 : memref<40xi32, #tpu.memory_space<vmem>>) semaphore(%arg14 : memref<!tpu.dma_semaphore, #tpu.memory_space<semaphore_mem>>)
      %dma_wait3A_551 = arith.constant 160 : i32
      %dma_wait3A_552 = arith.constant 0 : i32
      %dma_wait3A_553 = tpu.memref_slice %arg11[%dma_wait3A_551, %dma_wait3A_552] : memref<200x128xf32, #tpu.memory_space<vmem>> -> memref<40x128xf32, #tpu.memory_space<vmem>>
      %dma_wait3A_554 = arith.constant 0 : i32
      %dma_wait3A_555 = tpu.memref_slice %arg9[%add3A_526, %dma_wait3A_554] : memref<250x40xi32, #tpu.memory_space<vmem>> -> memref<1x40xi32, #tpu.memory_space<vmem>>
      %dma_wait3A_556 = tpu.memref_squeeze %dma_wait3A_555 : memref<1x40xi32, #tpu.memory_space<vmem>> -> memref<40xi32, #tpu.memory_space<vmem>>
      %dma_wait3A_557 = arith.constant 0 : i32
      %dma_wait3A_558 = arith.constant 0 : i32
      %dma_wait3A_559 = tpu.memref_slice %arg2[%dma_wait3A_557, %dma_wait3A_558] : memref<10000x128xf32, #tpu.memory_space<hbm>> -> memref<10000x128xf32, #tpu.memory_space<hbm>>
      tpu.wait_indirect_dma semaphore(%arg16 : memref<!tpu.dma_semaphore, #tpu.memory_space<semaphore_mem>>) src(%dma_wait3A_559 : memref<10000x128xf32, #tpu.memory_space<hbm>>) dst(%dma_wait3A_553 : memref<40x128xf32, #tpu.memory_space<vmem>>)
      %dma_start3A_560 = arith.constant 160 : i32
      %dma_start3A_561 = arith.constant 0 : i32
      %dma_start3A_562 = tpu.memref_slice %arg11[%dma_start3A_560, %dma_start3A_561] : memref<200x128xf32, #tpu.memory_space<vmem>> -> memref<40x128xf32, #tpu.memory_space<vmem>>
      %dma_start3A_563 = arith.constant 0 : i32
      %dma_start3A_564 = tpu.memref_slice %arg10[%add3A_526, %dma_start3A_563] : memref<250x40xi32, #tpu.memory_space<vmem>> -> memref<1x40xi32, #tpu.memory_space<vmem>>
      %dma_start3A_565 = tpu.memref_squeeze %dma_start3A_564 : memref<1x40xi32, #tpu.memory_space<vmem>> -> memref<40xi32, #tpu.memory_space<vmem>>
      %dma_start3A_566 = arith.constant 0 : i32
      %dma_start3A_567 = arith.constant 0 : i32
      %dma_start3A_568 = tpu.memref_slice %arg8[%dma_start3A_566, %dma_start3A_567] : memref<10240x128xf32, #tpu.memory_space<vmem_shared>> -> memref<10240x128xf32, #tpu.memory_space<vmem_shared>>
      tpu.enqueue_indirect_dma source(%dma_start3A_562 : memref<40x128xf32, #tpu.memory_space<vmem>>) target(%dma_start3A_568 : memref<10240x128xf32, #tpu.memory_space<vmem_shared>>) offsets(%dma_start3A_565 : memref<40xi32, #tpu.memory_space<vmem>>) semaphore(%arg21 : memref<!tpu.dma_semaphore, #tpu.memory_space<semaphore_mem>>) {add = true}
    }
    %scan3A_284 = arith.constant 49 : i32
    %dma_wait3A_285 = arith.constant 248 : i32
    %dma_wait3A_286 = arith.constant 120 : i32
    %dma_wait3A_287 = arith.constant 0 : i32
    %dma_wait3A_288 = tpu.memref_slice %arg11[%dma_wait3A_286, %dma_wait3A_287] : memref<200x128xf32, #tpu.memory_space<vmem>> -> memref<40x128xf32, #tpu.memory_space<vmem>>
    %dma_wait3A_289 = arith.constant 0 : i32
    %dma_wait3A_290 = tpu.memref_slice %arg10[%dma_wait3A_285, %dma_wait3A_289] : memref<250x40xi32, #tpu.memory_space<vmem>> -> memref<1x40xi32, #tpu.memory_space<vmem>>
    %dma_wait3A_291 = tpu.memref_squeeze %dma_wait3A_290 : memref<1x40xi32, #tpu.memory_space<vmem>> -> memref<40xi32, #tpu.memory_space<vmem>>
    %dma_wait3A_292 = arith.constant 0 : i32
    %dma_wait3A_293 = arith.constant 0 : i32
    %dma_wait3A_294 = tpu.memref_slice %arg8[%dma_wait3A_292, %dma_wait3A_293] : memref<10240x128xf32, #tpu.memory_space<vmem_shared>> -> memref<10240x128xf32, #tpu.memory_space<vmem_shared>>
    tpu.wait_indirect_dma semaphore(%arg20 : memref<!tpu.dma_semaphore, #tpu.memory_space<semaphore_mem>>) src(%dma_wait3A_288 : memref<40x128xf32, #tpu.memory_space<vmem>>) dst(%dma_wait3A_294 : memref<10240x128xf32, #tpu.memory_space<vmem_shared>>)
    %dma_wait3A_295 = arith.constant 249 : i32
    %dma_wait3A_296 = arith.constant 160 : i32
    %dma_wait3A_297 = arith.constant 0 : i32
    %dma_wait3A_298 = tpu.memref_slice %arg11[%dma_wait3A_296, %dma_wait3A_297] : memref<200x128xf32, #tpu.memory_space<vmem>> -> memref<40x128xf32, #tpu.memory_space<vmem>>
    %dma_wait3A_299 = arith.constant 0 : i32
    %dma_wait3A_300 = tpu.memref_slice %arg10[%dma_wait3A_295, %dma_wait3A_299] : memref<250x40xi32, #tpu.memory_space<vmem>> -> memref<1x40xi32, #tpu.memory_space<vmem>>
    %dma_wait3A_301 = tpu.memref_squeeze %dma_wait3A_300 : memref<1x40xi32, #tpu.memory_space<vmem>> -> memref<40xi32, #tpu.memory_space<vmem>>
    %dma_wait3A_302 = arith.constant 0 : i32
    %dma_wait3A_303 = arith.constant 0 : i32
    %dma_wait3A_304 = tpu.memref_slice %arg8[%dma_wait3A_302, %dma_wait3A_303] : memref<10240x128xf32, #tpu.memory_space<vmem_shared>> -> memref<10240x128xf32, #tpu.memory_space<vmem_shared>>
    tpu.wait_indirect_dma semaphore(%arg21 : memref<!tpu.dma_semaphore, #tpu.memory_space<semaphore_mem>>) src(%dma_wait3A_298 : memref<40x128xf32, #tpu.memory_space<vmem>>) dst(%dma_wait3A_304 : memref<10240x128xf32, #tpu.memory_space<vmem_shared>>)
    %dma_wait3A_305 = arith.constant 249 : i32
    %dma_wait3A_306 = arith.constant 0 : i32
    %dma_wait3A_307 = arith.constant 0 : i32
    %dma_wait3A_308 = tpu.memref_slice %arg11[%dma_wait3A_306, %dma_wait3A_307] : memref<200x128xf32, #tpu.memory_space<vmem>> -> memref<40x128xf32, #tpu.memory_space<vmem>>
    %dma_wait3A_309 = arith.constant 0 : i32
    %dma_wait3A_310 = tpu.memref_slice %arg9[%dma_wait3A_305, %dma_wait3A_309] : memref<250x40xi32, #tpu.memory_space<vmem>> -> memref<1x40xi32, #tpu.memory_space<vmem>>
    %dma_wait3A_311 = tpu.memref_squeeze %dma_wait3A_310 : memref<1x40xi32, #tpu.memory_space<vmem>> -> memref<40xi32, #tpu.memory_space<vmem>>
    %dma_wait3A_312 = arith.constant 0 : i32
    %dma_wait3A_313 = arith.constant 0 : i32
    %dma_wait3A_314 = tpu.memref_slice %arg2[%dma_wait3A_312, %dma_wait3A_313] : memref<10000x128xf32, #tpu.memory_space<hbm>> -> memref<10000x128xf32, #tpu.memory_space<hbm>>
    tpu.wait_indirect_dma semaphore(%arg12 : memref<!tpu.dma_semaphore, #tpu.memory_space<semaphore_mem>>) src(%dma_wait3A_314 : memref<10000x128xf32, #tpu.memory_space<hbm>>) dst(%dma_wait3A_308 : memref<40x128xf32, #tpu.memory_space<vmem>>)
    %dma_wait3A_315 = arith.constant 249 : i32
    %dma_wait3A_316 = arith.constant 40 : i32
    %dma_wait3A_317 = arith.constant 0 : i32
    %dma_wait3A_318 = tpu.memref_slice %arg11[%dma_wait3A_316, %dma_wait3A_317] : memref<200x128xf32, #tpu.memory_space<vmem>> -> memref<40x128xf32, #tpu.memory_space<vmem>>
    %dma_wait3A_319 = arith.constant 0 : i32
    %dma_wait3A_320 = tpu.memref_slice %arg9[%dma_wait3A_315, %dma_wait3A_319] : memref<250x40xi32, #tpu.memory_space<vmem>> -> memref<1x40xi32, #tpu.memory_space<vmem>>
    %dma_wait3A_321 = tpu.memref_squeeze %dma_wait3A_320 : memref<1x40xi32, #tpu.memory_space<vmem>> -> memref<40xi32, #tpu.memory_space<vmem>>
    %dma_wait3A_322 = arith.constant 0 : i32
    %dma_wait3A_323 = arith.constant 0 : i32
    %dma_wait3A_324 = tpu.memref_slice %arg2[%dma_wait3A_322, %dma_wait3A_323] : memref<10000x128xf32, #tpu.memory_space<hbm>> -> memref<10000x128xf32, #tpu.memory_space<hbm>>
    tpu.wait_indirect_dma semaphore(%arg13 : memref<!tpu.dma_semaphore, #tpu.memory_space<semaphore_mem>>) src(%dma_wait3A_324 : memref<10000x128xf32, #tpu.memory_space<hbm>>) dst(%dma_wait3A_318 : memref<40x128xf32, #tpu.memory_space<vmem>>)
    %dma_wait3A_325 = arith.constant 249 : i32
    %dma_wait3A_326 = arith.constant 80 : i32
    %dma_wait3A_327 = arith.constant 0 : i32
    %dma_wait3A_328 = tpu.memref_slice %arg11[%dma_wait3A_326, %dma_wait3A_327] : memref<200x128xf32, #tpu.memory_space<vmem>> -> memref<40x128xf32, #tpu.memory_space<vmem>>
    %dma_wait3A_329 = arith.constant 0 : i32
    %dma_wait3A_330 = tpu.memref_slice %arg9[%dma_wait3A_325, %dma_wait3A_329] : memref<250x40xi32, #tpu.memory_space<vmem>> -> memref<1x40xi32, #tpu.memory_space<vmem>>
    %dma_wait3A_331 = tpu.memref_squeeze %dma_wait3A_330 : memref<1x40xi32, #tpu.memory_space<vmem>> -> memref<40xi32, #tpu.memory_space<vmem>>
    %dma_wait3A_332 = arith.constant 0 : i32
    %dma_wait3A_333 = arith.constant 0 : i32
    %dma_wait3A_334 = tpu.memref_slice %arg2[%dma_wait3A_332, %dma_wait3A_333] : memref<10000x128xf32, #tpu.memory_space<hbm>> -> memref<10000x128xf32, #tpu.memory_space<hbm>>
    tpu.wait_indirect_dma semaphore(%arg14 : memref<!tpu.dma_semaphore, #tpu.memory_space<semaphore_mem>>) src(%dma_wait3A_334 : memref<10000x128xf32, #tpu.memory_space<hbm>>) dst(%dma_wait3A_328 : memref<40x128xf32, #tpu.memory_space<vmem>>)
    %barrier3A_335 = arith.constant 0 : index
    tpu.barrier barrier_id(%barrier3A_335)
    %mul3A_336 = arith.constant 640 : i32
    %mul3A_337 = arith.muli %arg1, %mul3A_336 : i32
    %mul3A_338 = arith.constant 640 : i32
    %mul3A_339 = arith.muli %arg1, %mul3A_338 : i32
    "tpu.region"() ({
      %run_scoped3A = tpu.sem_alloc : memref<!tpu.dma_semaphore, #tpu.memory_space<semaphore_mem>>
      %dma_start3A_340 = arith.constant 0 : i32
      %dma_start3A_341 = tpu.memref_slice %arg6[%arg0, %mul3A_339, %dma_start3A_340] : memref<2x10240x128xf32, #tpu.memory_space<hbm>> -> memref<1x640x128xf32, #tpu.memory_space<hbm>>
      %dma_start3A_342 = tpu.memref_squeeze %dma_start3A_341 : memref<1x640x128xf32, #tpu.memory_space<hbm>> -> memref<640x128xf32, #tpu.memory_space<hbm>>
      %dma_start3A_343 = arith.constant 0 : i32
      %dma_start3A_344 = tpu.memref_slice %arg8[%mul3A_337, %dma_start3A_343] : memref<10240x128xf32, #tpu.memory_space<vmem_shared>> -> memref<640x128xf32, #tpu.memory_space<vmem_shared>>
      tpu.enqueue_dma source(%dma_start3A_344 : memref<640x128xf32, #tpu.memory_space<vmem_shared>>) target(%dma_start3A_342 : memref<640x128xf32, #tpu.memory_space<hbm>>) target_semaphore(%run_scoped3A : memref<!tpu.dma_semaphore, #tpu.memory_space<semaphore_mem>>)
      %dma_wait3A_345 = arith.constant 0 : i32
      %dma_wait3A_346 = tpu.memref_slice %arg6[%arg0, %mul3A_339, %dma_wait3A_345] : memref<2x10240x128xf32, #tpu.memory_space<hbm>> -> memref<1x640x128xf32, #tpu.memory_space<hbm>>
      %dma_wait3A_347 = tpu.memref_squeeze %dma_wait3A_346 : memref<1x640x128xf32, #tpu.memory_space<hbm>> -> memref<640x128xf32, #tpu.memory_space<hbm>>
      %dma_wait3A_348 = arith.constant 0 : i32
      %dma_wait3A_349 = tpu.memref_slice %arg8[%mul3A_337, %dma_wait3A_348] : memref<10240x128xf32, #tpu.memory_space<vmem_shared>> -> memref<640x128xf32, #tpu.memory_space<vmem_shared>>
      tpu.wait_dma2 semaphore(%run_scoped3A : memref<!tpu.dma_semaphore, #tpu.memory_space<semaphore_mem>>) src(%dma_wait3A_349 : memref<640x128xf32, #tpu.memory_space<vmem_shared>>) dst(%dma_wait3A_347 : memref<640x128xf32, #tpu.memory_space<hbm>>)
      tpu.yield
    }) : () -> ()
    return
  }
}

#map = affine_map<(d0, d1) -> (0, 0)>
#map1 = affine_map<(d0, d1) -> (0, 0, 0)>
module attributes {stable_mosaic.version = 14 : i64} {
  func.func @_sc_aggregate(%arg0: i32, %arg1: i32, %arg2: memref<10000x128xf32, #tpu.memory_space<hbm>>, %arg3: memref<32x250x40xi32, #tpu.memory_space<hbm>>, %arg4: memref<32x250x40xi32, #tpu.memory_space<hbm>>, %arg5: memref<640x128xf32, #tpu.memory_space<hbm>>, %arg6: memref<2x10240x128xf32, #tpu.memory_space<hbm>>, %arg7: memref<32x80x128xf32, #tpu.memory_space<hbm>>, %arg8: memref<10240x128xf32, #tpu.memory_space<vmem_shared>>, %arg9: memref<250x40xi32, #tpu.memory_space<vmem>>, %arg10: memref<250x40xi32, #tpu.memory_space<vmem>>, %arg11: memref<200x128xf32, #tpu.memory_space<vmem>>, %arg12: memref<!tpu.dma_semaphore, #tpu.memory_space<semaphore_mem>>, %arg13: memref<!tpu.dma_semaphore, #tpu.memory_space<semaphore_mem>>, %arg14: memref<!tpu.dma_semaphore, #tpu.memory_space<semaphore_mem>>, %arg15: memref<!tpu.dma_semaphore, #tpu.memory_space<semaphore_mem>>, %arg16: memref<!tpu.dma_semaphore, #tpu.memory_space<semaphore_mem>>, %arg17: memref<!tpu.dma_semaphore, #tpu.memory_space<semaphore_mem>>, %arg18: memref<!tpu.dma_semaphore, #tpu.memory_space<semaphore_mem>>, %arg19: memref<!tpu.dma_semaphore, #tpu.memory_space<semaphore_mem>>, %arg20: memref<!tpu.dma_semaphore, #tpu.memory_space<semaphore_mem>>, %arg21: memref<!tpu.dma_semaphore, #tpu.memory_space<semaphore_mem>>, %arg22: memref<!tpu.dma_semaphore, #tpu.memory_space<semaphore_mem>>, %arg23: memref<!tpu.dma_semaphore, #tpu.memory_space<semaphore_mem>>) attributes {dimension_semantics = [#tpu.dimension_semantics<core_parallel>, #tpu.dimension_semantics<subcore_parallel>], iteration_bounds = array<i64: 2, 16>, scalar_prefetch = 0 : i64, scratch_operands = 16 : i64, tpu.core_type = #tpu.core_type<sc_vector_subcore>, window_params = [{transform_indices = #map}, {transform_indices = #map1}, {transform_indices = #map1}, {transform_indices = #map}, {transform_indices = #map1}, {transform_indices = #map1}]} {
    %mul3A = arith.constant 2 : i32
    %mul3A_0 = arith.muli %arg1, %mul3A : i32
    %add3A = arith.addi %mul3A_0, %arg0 : i32
    %mul3A_1 = arith.constant 640 : i32
    %mul3A_2 = arith.muli %arg1, %mul3A_1 : i32
    %dma_start3A = arith.constant 0 : i32
    %dma_start3A_3 = arith.constant 0 : i32
    %dma_start3A_4 = tpu.memref_slice %arg3[%add3A, %dma_start3A, %dma_start3A_3] : memref<32x250x40xi32, #tpu.memory_space<hbm>> -> memref<1x250x40xi32, #tpu.memory_space<hbm>>
    %dma_start3A_5 = tpu.memref_squeeze %dma_start3A_4 : memref<1x250x40xi32, #tpu.memory_space<hbm>> -> memref<250x40xi32, #tpu.memory_space<hbm>>
    %dma_start3A_6 = arith.constant 0 : i32
    %dma_start3A_7 = arith.constant 0 : i32
    %dma_start3A_8 = tpu.memref_slice %arg3[%add3A, %dma_start3A_6, %dma_start3A_7] : memref<32x250x40xi32, #tpu.memory_space<hbm>> -> memref<1x250x40xi32, #tpu.memory_space<hbm>>
    %dma_start3A_9 = tpu.memref_squeeze %dma_start3A_8 : memref<1x250x40xi32, #tpu.memory_space<hbm>> -> memref<250x40xi32, #tpu.memory_space<hbm>>
    tpu.enqueue_dma source(%dma_start3A_9 : memref<250x40xi32, #tpu.memory_space<hbm>>) target(%arg9 : memref<250x40xi32, #tpu.memory_space<vmem>>) target_semaphore(%arg17 : memref<!tpu.dma_semaphore, #tpu.memory_space<semaphore_mem>>)
    %dma_start3A_10 = arith.constant 0 : i32
    %dma_start3A_11 = arith.constant 0 : i32
    %dma_start3A_12 = tpu.memref_slice %arg4[%add3A, %dma_start3A_10, %dma_start3A_11] : memref<32x250x40xi32, #tpu.memory_space<hbm>> -> memref<1x250x40xi32, #tpu.memory_space<hbm>>
    %dma_start3A_13 = tpu.memref_squeeze %dma_start3A_12 : memref<1x250x40xi32, #tpu.memory_space<hbm>> -> memref<250x40xi32, #tpu.memory_space<hbm>>
    %dma_start3A_14 = arith.constant 0 : i32
    %dma_start3A_15 = arith.constant 0 : i32
    %dma_start3A_16 = tpu.memref_slice %arg4[%add3A, %dma_start3A_14, %dma_start3A_15] : memref<32x250x40xi32, #tpu.memory_space<hbm>> -> memref<1x250x40xi32, #tpu.memory_space<hbm>>
    %dma_start3A_17 = tpu.memref_squeeze %dma_start3A_16 : memref<1x250x40xi32, #tpu.memory_space<hbm>> -> memref<250x40xi32, #tpu.memory_space<hbm>>
    tpu.enqueue_dma source(%dma_start3A_17 : memref<250x40xi32, #tpu.memory_space<hbm>>) target(%arg10 : memref<250x40xi32, #tpu.memory_space<vmem>>) target_semaphore(%arg18 : memref<!tpu.dma_semaphore, #tpu.memory_space<semaphore_mem>>)
    %dma_start3A_18 = arith.constant 0 : i32
    %dma_start3A_19 = tpu.memref_slice %arg8[%mul3A_2, %dma_start3A_18] : memref<10240x128xf32, #tpu.memory_space<vmem_shared>> -> memref<640x128xf32, #tpu.memory_space<vmem_shared>>
    tpu.enqueue_dma source(%arg5 : memref<640x128xf32, #tpu.memory_space<hbm>>) target(%dma_start3A_19 : memref<640x128xf32, #tpu.memory_space<vmem_shared>>) target_semaphore(%arg22 : memref<!tpu.dma_semaphore, #tpu.memory_space<semaphore_mem>>)
    %dma_wait3A = arith.constant 0 : i32
    %dma_wait3A_20 = arith.constant 0 : i32
    %dma_wait3A_21 = tpu.memref_slice %arg3[%add3A, %dma_wait3A, %dma_wait3A_20] : memref<32x250x40xi32, #tpu.memory_space<hbm>> -> memref<1x250x40xi32, #tpu.memory_space<hbm>>
    %dma_wait3A_22 = tpu.memref_squeeze %dma_wait3A_21 : memref<1x250x40xi32, #tpu.memory_space<hbm>> -> memref<250x40xi32, #tpu.memory_space<hbm>>
    %dma_wait3A_23 = arith.constant 0 : i32
    %dma_wait3A_24 = arith.constant 0 : i32
    %dma_wait3A_25 = tpu.memref_slice %arg3[%add3A, %dma_wait3A_23, %dma_wait3A_24] : memref<32x250x40xi32, #tpu.memory_space<hbm>> -> memref<1x250x40xi32, #tpu.memory_space<hbm>>
    %dma_wait3A_26 = tpu.memref_squeeze %dma_wait3A_25 : memref<1x250x40xi32, #tpu.memory_space<hbm>> -> memref<250x40xi32, #tpu.memory_space<hbm>>
    tpu.wait_dma2 semaphore(%arg17 : memref<!tpu.dma_semaphore, #tpu.memory_space<semaphore_mem>>) src(%dma_wait3A_26 : memref<250x40xi32, #tpu.memory_space<hbm>>) dst(%arg9 : memref<250x40xi32, #tpu.memory_space<vmem>>)
    %dma_start3A_27 = arith.constant 0 : i32
    %dma_start3A_28 = arith.constant 0 : i32
    %dma_start3A_29 = arith.constant 0 : i32
    %dma_start3A_30 = tpu.memref_slice %arg11[%dma_start3A_28, %dma_start3A_29] : memref<200x128xf32, #tpu.memory_space<vmem>> -> memref<40x128xf32, #tpu.memory_space<vmem>>
    %dma_start3A_31 = arith.constant 0 : i32
    %dma_start3A_32 = tpu.memref_slice %arg9[%dma_start3A_27, %dma_start3A_31] : memref<250x40xi32, #tpu.memory_space<vmem>> -> memref<1x40xi32, #tpu.memory_space<vmem>>
    %dma_start3A_33 = tpu.memref_squeeze %dma_start3A_32 : memref<1x40xi32, #tpu.memory_space<vmem>> -> memref<40xi32, #tpu.memory_space<vmem>>
    %dma_start3A_34 = arith.constant 0 : i32
    %dma_start3A_35 = arith.constant 0 : i32
    %dma_start3A_36 = tpu.memref_slice %arg2[%dma_start3A_34, %dma_start3A_35] : memref<10000x128xf32, #tpu.memory_space<hbm>> -> memref<10000x128xf32, #tpu.memory_space<hbm>>
    tpu.enqueue_indirect_dma source(%dma_start3A_36 : memref<10000x128xf32, #tpu.memory_space<hbm>>) target(%dma_start3A_30 : memref<40x128xf32, #tpu.memory_space<vmem>>) offsets(%dma_start3A_33 : memref<40xi32, #tpu.memory_space<vmem>>) semaphore(%arg12 : memref<!tpu.dma_semaphore, #tpu.memory_space<semaphore_mem>>)
    %dma_start3A_37 = arith.constant 1 : i32
    %dma_start3A_38 = arith.constant 40 : i32
    %dma_start3A_39 = arith.constant 0 : i32
    %dma_start3A_40 = tpu.memref_slice %arg11[%dma_start3A_38, %dma_start3A_39] : memref<200x128xf32, #tpu.memory_space<vmem>> -> memref<40x128xf32, #tpu.memory_space<vmem>>
    %dma_start3A_41 = arith.constant 0 : i32
    %dma_start3A_42 = tpu.memref_slice %arg9[%dma_start3A_37, %dma_start3A_41] : memref<250x40xi32, #tpu.memory_space<vmem>> -> memref<1x40xi32, #tpu.memory_space<vmem>>
    %dma_start3A_43 = tpu.memref_squeeze %dma_start3A_42 : memref<1x40xi32, #tpu.memory_space<vmem>> -> memref<40xi32, #tpu.memory_space<vmem>>
    %dma_start3A_44 = arith.constant 0 : i32
    %dma_start3A_45 = arith.constant 0 : i32
    %dma_start3A_46 = tpu.memref_slice %arg2[%dma_start3A_44, %dma_start3A_45] : memref<10000x128xf32, #tpu.memory_space<hbm>> -> memref<10000x128xf32, #tpu.memory_space<hbm>>
    tpu.enqueue_indirect_dma source(%dma_start3A_46 : memref<10000x128xf32, #tpu.memory_space<hbm>>) target(%dma_start3A_40 : memref<40x128xf32, #tpu.memory_space<vmem>>) offsets(%dma_start3A_43 : memref<40xi32, #tpu.memory_space<vmem>>) semaphore(%arg13 : memref<!tpu.dma_semaphore, #tpu.memory_space<semaphore_mem>>)
    %dma_start3A_47 = arith.constant 2 : i32
    %dma_start3A_48 = arith.constant 80 : i32
    %dma_start3A_49 = arith.constant 0 : i32
    %dma_start3A_50 = tpu.memref_slice %arg11[%dma_start3A_48, %dma_start3A_49] : memref<200x128xf32, #tpu.memory_space<vmem>> -> memref<40x128xf32, #tpu.memory_space<vmem>>
    %dma_start3A_51 = arith.constant 0 : i32
    %dma_start3A_52 = tpu.memref_slice %arg9[%dma_start3A_47, %dma_start3A_51] : memref<250x40xi32, #tpu.memory_space<vmem>> -> memref<1x40xi32, #tpu.memory_space<vmem>>
    %dma_start3A_53 = tpu.memref_squeeze %dma_start3A_52 : memref<1x40xi32, #tpu.memory_space<vmem>> -> memref<40xi32, #tpu.memory_space<vmem>>
    %dma_start3A_54 = arith.constant 0 : i32
    %dma_start3A_55 = arith.constant 0 : i32
    %dma_start3A_56 = tpu.memref_slice %arg2[%dma_start3A_54, %dma_start3A_55] : memref<10000x128xf32, #tpu.memory_space<hbm>> -> memref<10000x128xf32, #tpu.memory_space<hbm>>
    tpu.enqueue_indirect_dma source(%dma_start3A_56 : memref<10000x128xf32, #tpu.memory_space<hbm>>) target(%dma_start3A_50 : memref<40x128xf32, #tpu.memory_space<vmem>>) offsets(%dma_start3A_53 : memref<40xi32, #tpu.memory_space<vmem>>) semaphore(%arg14 : memref<!tpu.dma_semaphore, #tpu.memory_space<semaphore_mem>>)
    %dma_start3A_57 = arith.constant 120 : i32
    %dma_start3A_58 = arith.constant 0 : i32
    %dma_start3A_59 = tpu.memref_slice %arg11[%dma_start3A_57, %dma_start3A_58] : memref<200x128xf32, #tpu.memory_space<vmem>> -> memref<80x128xf32, #tpu.memory_space<vmem>>
    %dma_start3A_60 = arith.constant 0 : i32
    %dma_start3A_61 = arith.constant 0 : i32
    %dma_start3A_62 = tpu.memref_slice %arg5[%dma_start3A_60, %dma_start3A_61] : memref<640x128xf32, #tpu.memory_space<hbm>> -> memref<80x128xf32, #tpu.memory_space<hbm>>
    %dma_start3A_63 = arith.constant 120 : i32
    %dma_start3A_64 = arith.constant 0 : i32
    %dma_start3A_65 = tpu.memref_slice %arg11[%dma_start3A_63, %dma_start3A_64] : memref<200x128xf32, #tpu.memory_space<vmem>> -> memref<80x128xf32, #tpu.memory_space<vmem>>
    %dma_start3A_66 = arith.constant 0 : i32
    %dma_start3A_67 = arith.constant 0 : i32
    %dma_start3A_68 = tpu.memref_slice %arg5[%dma_start3A_66, %dma_start3A_67] : memref<640x128xf32, #tpu.memory_space<hbm>> -> memref<80x128xf32, #tpu.memory_space<hbm>>
    tpu.enqueue_dma source(%dma_start3A_68 : memref<80x128xf32, #tpu.memory_space<hbm>>) target(%dma_start3A_65 : memref<80x128xf32, #tpu.memory_space<vmem>>) target_semaphore(%arg23 : memref<!tpu.dma_semaphore, #tpu.memory_space<semaphore_mem>>)
    %dma_wait3A_69 = arith.constant 0 : i32
    %dma_wait3A_70 = arith.constant 0 : i32
    %dma_wait3A_71 = tpu.memref_slice %arg4[%add3A, %dma_wait3A_69, %dma_wait3A_70] : memref<32x250x40xi32, #tpu.memory_space<hbm>> -> memref<1x250x40xi32, #tpu.memory_space<hbm>>
    %dma_wait3A_72 = tpu.memref_squeeze %dma_wait3A_71 : memref<1x250x40xi32, #tpu.memory_space<hbm>> -> memref<250x40xi32, #tpu.memory_space<hbm>>
    %dma_wait3A_73 = arith.constant 0 : i32
    %dma_wait3A_74 = arith.constant 0 : i32
    %dma_wait3A_75 = tpu.memref_slice %arg4[%add3A, %dma_wait3A_73, %dma_wait3A_74] : memref<32x250x40xi32, #tpu.memory_space<hbm>> -> memref<1x250x40xi32, #tpu.memory_space<hbm>>
    %dma_wait3A_76 = tpu.memref_squeeze %dma_wait3A_75 : memref<1x250x40xi32, #tpu.memory_space<hbm>> -> memref<250x40xi32, #tpu.memory_space<hbm>>
    tpu.wait_dma2 semaphore(%arg18 : memref<!tpu.dma_semaphore, #tpu.memory_space<semaphore_mem>>) src(%dma_wait3A_76 : memref<250x40xi32, #tpu.memory_space<hbm>>) dst(%arg10 : memref<250x40xi32, #tpu.memory_space<vmem>>)
    %dma_wait3A_77 = arith.constant 120 : i32
    %dma_wait3A_78 = arith.constant 0 : i32
    %dma_wait3A_79 = tpu.memref_slice %arg11[%dma_wait3A_77, %dma_wait3A_78] : memref<200x128xf32, #tpu.memory_space<vmem>> -> memref<80x128xf32, #tpu.memory_space<vmem>>
    %dma_wait3A_80 = arith.constant 0 : i32
    %dma_wait3A_81 = arith.constant 0 : i32
    %dma_wait3A_82 = tpu.memref_slice %arg5[%dma_wait3A_80, %dma_wait3A_81] : memref<640x128xf32, #tpu.memory_space<hbm>> -> memref<80x128xf32, #tpu.memory_space<hbm>>
    %dma_wait3A_83 = arith.constant 120 : i32
    %dma_wait3A_84 = arith.constant 0 : i32
    %dma_wait3A_85 = tpu.memref_slice %arg11[%dma_wait3A_83, %dma_wait3A_84] : memref<200x128xf32, #tpu.memory_space<vmem>> -> memref<80x128xf32, #tpu.memory_space<vmem>>
    %dma_wait3A_86 = arith.constant 0 : i32
    %dma_wait3A_87 = arith.constant 0 : i32
    %dma_wait3A_88 = tpu.memref_slice %arg5[%dma_wait3A_86, %dma_wait3A_87] : memref<640x128xf32, #tpu.memory_space<hbm>> -> memref<80x128xf32, #tpu.memory_space<hbm>>
    tpu.wait_dma2 semaphore(%arg23 : memref<!tpu.dma_semaphore, #tpu.memory_space<semaphore_mem>>) src(%dma_wait3A_88 : memref<80x128xf32, #tpu.memory_space<hbm>>) dst(%dma_wait3A_85 : memref<80x128xf32, #tpu.memory_space<vmem>>)
    %broadcast_in_dim3A = arith.constant 1.000000e+00 : f32
    %broadcast_in_dim3A_89 = vector.broadcast %broadcast_in_dim3A : f32 to vector<16xf32>
    %iota3A = tpu.iota {dimensions = array<i32: 0>} : vector<16xi32>
    %ge3A = arith.constant 8 : i32
    %ge3A_90 = vector.broadcast %ge3A : i32 to vector<16xi32>
    %ge3A_91 = arith.cmpi sge, %iota3A, %ge3A_90 : vector<16xi32>
    %scan3A = arith.constant 0 : i32
    %scan3A_92 = arith.constant 0 : i32
    %scan3A_93 = arith.constant 250 : i32
    %scan3A_94 = arith.addi %scan3A_92, %scan3A_93 : i32
    %scan3A_95 = arith.constant 1 : i32
    scf.for %scan3A_340 = %scan3A_92 to %scan3A_94 step %scan3A_95  : i32 {
      %get3A = arith.index_cast %scan3A_340 : i32 to index
      %get3A_341 = arith.constant 0 : index
      %get3A_342 = tpu.vector_load %arg10[%get3A, %get3A_341] {strides = array<i32>} : memref<250x40xi32, #tpu.memory_space<vmem>>, vector<16xi32>,
      %shift_right_arithmetic3A = arith.constant 7 : i32
      %shift_right_arithmetic3A_343 = vector.broadcast %shift_right_arithmetic3A : i32 to vector<16xi32>
      %shift_right_arithmetic3A_344 = arith.shrsi %get3A_342, %shift_right_arithmetic3A_343 : vector<16xi32>
      %add3A_345 = arith.constant 120 : i32
      %add3A_346 = vector.broadcast %add3A_345 : i32 to vector<16xi32>
      %add3A_347 = arith.addi %shift_right_arithmetic3A_344, %add3A_346 : vector<16xi32>
      %and3A = arith.constant 127 : i32
      %and3A_348 = vector.broadcast %and3A : i32 to vector<16xi32>
      %and3A_349 = arith.andi %get3A_342, %and3A_348 : vector<16xi32>
      tpu.vector_store_idx %arg11[%add3A_347, %and3A_349], %broadcast_in_dim3A_89 {add = true} : memref<200x128xf32, #tpu.memory_space<vmem>>[vector<16xi32>, vector<16xi32>], vector<16xf32>,
      %get3A_350 = arith.index_cast %scan3A_340 : i32 to index
      %get3A_351 = arith.constant 16 : index
      %get3A_352 = tpu.vector_load %arg10[%get3A_350, %get3A_351] {strides = array<i32>} : memref<250x40xi32, #tpu.memory_space<vmem>>, vector<16xi32>,
      %shift_right_arithmetic3A_353 = arith.constant 7 : i32
      %shift_right_arithmetic3A_354 = vector.broadcast %shift_right_arithmetic3A_353 : i32 to vector<16xi32>
      %shift_right_arithmetic3A_355 = arith.shrsi %get3A_352, %shift_right_arithmetic3A_354 : vector<16xi32>
      %add3A_356 = arith.constant 120 : i32
      %add3A_357 = vector.broadcast %add3A_356 : i32 to vector<16xi32>
      %add3A_358 = arith.addi %shift_right_arithmetic3A_355, %add3A_357 : vector<16xi32>
      %and3A_359 = arith.constant 127 : i32
      %and3A_360 = vector.broadcast %and3A_359 : i32 to vector<16xi32>
      %and3A_361 = arith.andi %get3A_352, %and3A_360 : vector<16xi32>
      tpu.vector_store_idx %arg11[%add3A_358, %and3A_361], %broadcast_in_dim3A_89 {add = true} : memref<200x128xf32, #tpu.memory_space<vmem>>[vector<16xi32>, vector<16xi32>], vector<16xf32>,
      %get3A_362 = arith.index_cast %scan3A_340 : i32 to index
      %get3A_363 = arith.constant 24 : index
      %get3A_364 = tpu.vector_load %arg10[%get3A_362, %get3A_363] {strides = array<i32>} : memref<250x40xi32, #tpu.memory_space<vmem>>, vector<16xi32>,
      %shift_right_arithmetic3A_365 = arith.constant 7 : i32
      %shift_right_arithmetic3A_366 = vector.broadcast %shift_right_arithmetic3A_365 : i32 to vector<16xi32>
      %shift_right_arithmetic3A_367 = arith.shrsi %get3A_364, %shift_right_arithmetic3A_366 : vector<16xi32>
      %add3A_368 = arith.constant 120 : i32
      %add3A_369 = vector.broadcast %add3A_368 : i32 to vector<16xi32>
      %add3A_370 = arith.addi %shift_right_arithmetic3A_367, %add3A_369 : vector<16xi32>
      %and3A_371 = arith.constant 127 : i32
      %and3A_372 = vector.broadcast %and3A_371 : i32 to vector<16xi32>
      %and3A_373 = arith.andi %get3A_364, %and3A_372 : vector<16xi32>
      tpu.vector_store_idx %arg11[%add3A_370, %and3A_373], %broadcast_in_dim3A_89 masked %ge3A_91 {add = true} : memref<200x128xf32, #tpu.memory_space<vmem>>[vector<16xi32>, vector<16xi32>], vector<16xf32>, vector<16xi1>
    }
    %scan3A_96 = arith.constant 250 : i32
    "tpu.region"() ({
      %run_scoped3A = tpu.sem_alloc : memref<!tpu.dma_semaphore, #tpu.memory_space<semaphore_mem>>
      %dma_start3A_340 = arith.constant 120 : i32
      %dma_start3A_341 = arith.constant 0 : i32
      %dma_start3A_342 = tpu.memref_slice %arg11[%dma_start3A_340, %dma_start3A_341] : memref<200x128xf32, #tpu.memory_space<vmem>> -> memref<80x128xf32, #tpu.memory_space<vmem>>
      %dma_start3A_343 = arith.constant 0 : i32
      %dma_start3A_344 = arith.constant 0 : i32
      %dma_start3A_345 = tpu.memref_slice %arg7[%add3A, %dma_start3A_343, %dma_start3A_344] : memref<32x80x128xf32, #tpu.memory_space<hbm>> -> memref<1x80x128xf32, #tpu.memory_space<hbm>>
      %dma_start3A_346 = tpu.memref_squeeze %dma_start3A_345 : memref<1x80x128xf32, #tpu.memory_space<hbm>> -> memref<80x128xf32, #tpu.memory_space<hbm>>
      %dma_start3A_347 = arith.constant 0 : i32
      %dma_start3A_348 = arith.constant 0 : i32
      %dma_start3A_349 = tpu.memref_slice %arg7[%add3A, %dma_start3A_347, %dma_start3A_348] : memref<32x80x128xf32, #tpu.memory_space<hbm>> -> memref<1x80x128xf32, #tpu.memory_space<hbm>>
      %dma_start3A_350 = tpu.memref_squeeze %dma_start3A_349 : memref<1x80x128xf32, #tpu.memory_space<hbm>> -> memref<80x128xf32, #tpu.memory_space<hbm>>
      %dma_start3A_351 = arith.constant 120 : i32
      %dma_start3A_352 = arith.constant 0 : i32
      %dma_start3A_353 = tpu.memref_slice %arg11[%dma_start3A_351, %dma_start3A_352] : memref<200x128xf32, #tpu.memory_space<vmem>> -> memref<80x128xf32, #tpu.memory_space<vmem>>
      tpu.enqueue_dma source(%dma_start3A_353 : memref<80x128xf32, #tpu.memory_space<vmem>>) target(%dma_start3A_350 : memref<80x128xf32, #tpu.memory_space<hbm>>) target_semaphore(%run_scoped3A : memref<!tpu.dma_semaphore, #tpu.memory_space<semaphore_mem>>)
      %dma_wait3A_354 = arith.constant 120 : i32
      %dma_wait3A_355 = arith.constant 0 : i32
      %dma_wait3A_356 = tpu.memref_slice %arg11[%dma_wait3A_354, %dma_wait3A_355] : memref<200x128xf32, #tpu.memory_space<vmem>> -> memref<80x128xf32, #tpu.memory_space<vmem>>
      %dma_wait3A_357 = arith.constant 0 : i32
      %dma_wait3A_358 = arith.constant 0 : i32
      %dma_wait3A_359 = tpu.memref_slice %arg7[%add3A, %dma_wait3A_357, %dma_wait3A_358] : memref<32x80x128xf32, #tpu.memory_space<hbm>> -> memref<1x80x128xf32, #tpu.memory_space<hbm>>
      %dma_wait3A_360 = tpu.memref_squeeze %dma_wait3A_359 : memref<1x80x128xf32, #tpu.memory_space<hbm>> -> memref<80x128xf32, #tpu.memory_space<hbm>>
      %dma_wait3A_361 = arith.constant 0 : i32
      %dma_wait3A_362 = arith.constant 0 : i32
      %dma_wait3A_363 = tpu.memref_slice %arg7[%add3A, %dma_wait3A_361, %dma_wait3A_362] : memref<32x80x128xf32, #tpu.memory_space<hbm>> -> memref<1x80x128xf32, #tpu.memory_space<hbm>>
      %dma_wait3A_364 = tpu.memref_squeeze %dma_wait3A_363 : memref<1x80x128xf32, #tpu.memory_space<hbm>> -> memref<80x128xf32, #tpu.memory_space<hbm>>
      %dma_wait3A_365 = arith.constant 120 : i32
      %dma_wait3A_366 = arith.constant 0 : i32
      %dma_wait3A_367 = tpu.memref_slice %arg11[%dma_wait3A_365, %dma_wait3A_366] : memref<200x128xf32, #tpu.memory_space<vmem>> -> memref<80x128xf32, #tpu.memory_space<vmem>>
      tpu.wait_dma2 semaphore(%run_scoped3A : memref<!tpu.dma_semaphore, #tpu.memory_space<semaphore_mem>>) src(%dma_wait3A_367 : memref<80x128xf32, #tpu.memory_space<vmem>>) dst(%dma_wait3A_364 : memref<80x128xf32, #tpu.memory_space<hbm>>)
      tpu.yield
    }) : () -> ()
    %dma_wait3A_97 = arith.constant 0 : i32
    %dma_wait3A_98 = tpu.memref_slice %arg8[%mul3A_2, %dma_wait3A_97] : memref<10240x128xf32, #tpu.memory_space<vmem_shared>> -> memref<640x128xf32, #tpu.memory_space<vmem_shared>>
    tpu.wait_dma2 semaphore(%arg22 : memref<!tpu.dma_semaphore, #tpu.memory_space<semaphore_mem>>) src(%arg5 : memref<640x128xf32, #tpu.memory_space<hbm>>) dst(%dma_wait3A_98 : memref<640x128xf32, #tpu.memory_space<vmem_shared>>)
    %barrier3A = arith.constant 0 : index
    tpu.barrier barrier_id(%barrier3A)
    %dma_wait3A_99 = arith.constant 0 : i32
    %dma_wait3A_100 = arith.constant 0 : i32
    %dma_wait3A_101 = arith.constant 0 : i32
    %dma_wait3A_102 = tpu.memref_slice %arg11[%dma_wait3A_100, %dma_wait3A_101] : memref<200x128xf32, #tpu.memory_space<vmem>> -> memref<40x128xf32, #tpu.memory_space<vmem>>
    %dma_wait3A_103 = arith.constant 0 : i32
    %dma_wait3A_104 = tpu.memref_slice %arg9[%dma_wait3A_99, %dma_wait3A_103] : memref<250x40xi32, #tpu.memory_space<vmem>> -> memref<1x40xi32, #tpu.memory_space<vmem>>
    %dma_wait3A_105 = tpu.memref_squeeze %dma_wait3A_104 : memref<1x40xi32, #tpu.memory_space<vmem>> -> memref<40xi32, #tpu.memory_space<vmem>>
    %dma_wait3A_106 = arith.constant 0 : i32
    %dma_wait3A_107 = arith.constant 0 : i32
    %dma_wait3A_108 = tpu.memref_slice %arg2[%dma_wait3A_106, %dma_wait3A_107] : memref<10000x128xf32, #tpu.memory_space<hbm>> -> memref<10000x128xf32, #tpu.memory_space<hbm>>
    tpu.wait_indirect_dma semaphore(%arg12 : memref<!tpu.dma_semaphore, #tpu.memory_space<semaphore_mem>>) src(%dma_wait3A_108 : memref<10000x128xf32, #tpu.memory_space<hbm>>) dst(%dma_wait3A_102 : memref<40x128xf32, #tpu.memory_space<vmem>>)
    %dma_start3A_109 = arith.constant 0 : i32
    %dma_start3A_110 = arith.constant 0 : i32
    %dma_start3A_111 = arith.constant 0 : i32
    %dma_start3A_112 = tpu.memref_slice %arg11[%dma_start3A_110, %dma_start3A_111] : memref<200x128xf32, #tpu.memory_space<vmem>> -> memref<40x128xf32, #tpu.memory_space<vmem>>
    %dma_start3A_113 = arith.constant 0 : i32
    %dma_start3A_114 = tpu.memref_slice %arg10[%dma_start3A_109, %dma_start3A_113] : memref<250x40xi32, #tpu.memory_space<vmem>> -> memref<1x40xi32, #tpu.memory_space<vmem>>
    %dma_start3A_115 = tpu.memref_squeeze %dma_start3A_114 : memref<1x40xi32, #tpu.memory_space<vmem>> -> memref<40xi32, #tpu.memory_space<vmem>>
    %dma_start3A_116 = arith.constant 0 : i32
    %dma_start3A_117 = arith.constant 0 : i32
    %dma_start3A_118 = tpu.memref_slice %arg8[%dma_start3A_116, %dma_start3A_117] : memref<10240x128xf32, #tpu.memory_space<vmem_shared>> -> memref<10240x128xf32, #tpu.memory_space<vmem_shared>>
    tpu.enqueue_indirect_dma source(%dma_start3A_112 : memref<40x128xf32, #tpu.memory_space<vmem>>) target(%dma_start3A_118 : memref<10240x128xf32, #tpu.memory_space<vmem_shared>>) offsets(%dma_start3A_115 : memref<40xi32, #tpu.memory_space<vmem>>) semaphore(%arg17 : memref<!tpu.dma_semaphore, #tpu.memory_space<semaphore_mem>>) {add = true}
    %dma_start3A_119 = arith.constant 3 : i32
    %dma_start3A_120 = arith.constant 120 : i32
    %dma_start3A_121 = arith.constant 0 : i32
    %dma_start3A_122 = tpu.memref_slice %arg11[%dma_start3A_120, %dma_start3A_121] : memref<200x128xf32, #tpu.memory_space<vmem>> -> memref<40x128xf32, #tpu.memory_space<vmem>>
    %dma_start3A_123 = arith.constant 0 : i32
    %dma_start3A_124 = tpu.memref_slice %arg9[%dma_start3A_119, %dma_start3A_123] : memref<250x40xi32, #tpu.memory_space<vmem>> -> memref<1x40xi32, #tpu.memory_space<vmem>>
    %dma_start3A_125 = tpu.memref_squeeze %dma_start3A_124 : memref<1x40xi32, #tpu.memory_space<vmem>> -> memref<40xi32, #tpu.memory_space<vmem>>
    %dma_start3A_126 = arith.constant 0 : i32
    %dma_start3A_127 = arith.constant 0 : i32
    %dma_start3A_128 = tpu.memref_slice %arg2[%dma_start3A_126, %dma_start3A_127] : memref<10000x128xf32, #tpu.memory_space<hbm>> -> memref<10000x128xf32, #tpu.memory_space<hbm>>
    tpu.enqueue_indirect_dma source(%dma_start3A_128 : memref<10000x128xf32, #tpu.memory_space<hbm>>) target(%dma_start3A_122 : memref<40x128xf32, #tpu.memory_space<vmem>>) offsets(%dma_start3A_125 : memref<40xi32, #tpu.memory_space<vmem>>) semaphore(%arg15 : memref<!tpu.dma_semaphore, #tpu.memory_space<semaphore_mem>>)
    %dma_wait3A_129 = arith.constant 1 : i32
    %dma_wait3A_130 = arith.constant 40 : i32
    %dma_wait3A_131 = arith.constant 0 : i32
    %dma_wait3A_132 = tpu.memref_slice %arg11[%dma_wait3A_130, %dma_wait3A_131] : memref<200x128xf32, #tpu.memory_space<vmem>> -> memref<40x128xf32, #tpu.memory_space<vmem>>
    %dma_wait3A_133 = arith.constant 0 : i32
    %dma_wait3A_134 = tpu.memref_slice %arg9[%dma_wait3A_129, %dma_wait3A_133] : memref<250x40xi32, #tpu.memory_space<vmem>> -> memref<1x40xi32, #tpu.memory_space<vmem>>
    %dma_wait3A_135 = tpu.memref_squeeze %dma_wait3A_134 : memref<1x40xi32, #tpu.memory_space<vmem>> -> memref<40xi32, #tpu.memory_space<vmem>>
    %dma_wait3A_136 = arith.constant 0 : i32
    %dma_wait3A_137 = arith.constant 0 : i32
    %dma_wait3A_138 = tpu.memref_slice %arg2[%dma_wait3A_136, %dma_wait3A_137] : memref<10000x128xf32, #tpu.memory_space<hbm>> -> memref<10000x128xf32, #tpu.memory_space<hbm>>
    tpu.wait_indirect_dma semaphore(%arg13 : memref<!tpu.dma_semaphore, #tpu.memory_space<semaphore_mem>>) src(%dma_wait3A_138 : memref<10000x128xf32, #tpu.memory_space<hbm>>) dst(%dma_wait3A_132 : memref<40x128xf32, #tpu.memory_space<vmem>>)
    %dma_start3A_139 = arith.constant 1 : i32
    %dma_start3A_140 = arith.constant 40 : i32
    %dma_start3A_141 = arith.constant 0 : i32
    %dma_start3A_142 = tpu.memref_slice %arg11[%dma_start3A_140, %dma_start3A_141] : memref<200x128xf32, #tpu.memory_space<vmem>> -> memref<40x128xf32, #tpu.memory_space<vmem>>
    %dma_start3A_143 = arith.constant 0 : i32
    %dma_start3A_144 = tpu.memref_slice %arg10[%dma_start3A_139, %dma_start3A_143] : memref<250x40xi32, #tpu.memory_space<vmem>> -> memref<1x40xi32, #tpu.memory_space<vmem>>
    %dma_start3A_145 = tpu.memref_squeeze %dma_start3A_144 : memref<1x40xi32, #tpu.memory_space<vmem>> -> memref<40xi32, #tpu.memory_space<vmem>>
    %dma_start3A_146 = arith.constant 0 : i32
    %dma_start3A_147 = arith.constant 0 : i32
    %dma_start3A_148 = tpu.memref_slice %arg8[%dma_start3A_146, %dma_start3A_147] : memref<10240x128xf32, #tpu.memory_space<vmem_shared>> -> memref<10240x128xf32, #tpu.memory_space<vmem_shared>>
    tpu.enqueue_indirect_dma source(%dma_start3A_142 : memref<40x128xf32, #tpu.memory_space<vmem>>) target(%dma_start3A_148 : memref<10240x128xf32, #tpu.memory_space<vmem_shared>>) offsets(%dma_start3A_145 : memref<40xi32, #tpu.memory_space<vmem>>) semaphore(%arg18 : memref<!tpu.dma_semaphore, #tpu.memory_space<semaphore_mem>>) {add = true}
    %dma_start3A_149 = arith.constant 4 : i32
    %dma_start3A_150 = arith.constant 160 : i32
    %dma_start3A_151 = arith.constant 0 : i32
    %dma_start3A_152 = tpu.memref_slice %arg11[%dma_start3A_150, %dma_start3A_151] : memref<200x128xf32, #tpu.memory_space<vmem>> -> memref<40x128xf32, #tpu.memory_space<vmem>>
    %dma_start3A_153 = arith.constant 0 : i32
    %dma_start3A_154 = tpu.memref_slice %arg9[%dma_start3A_149, %dma_start3A_153] : memref<250x40xi32, #tpu.memory_space<vmem>> -> memref<1x40xi32, #tpu.memory_space<vmem>>
    %dma_start3A_155 = tpu.memref_squeeze %dma_start3A_154 : memref<1x40xi32, #tpu.memory_space<vmem>> -> memref<40xi32, #tpu.memory_space<vmem>>
    %dma_start3A_156 = arith.constant 0 : i32
    %dma_start3A_157 = arith.constant 0 : i32
    %dma_start3A_158 = tpu.memref_slice %arg2[%dma_start3A_156, %dma_start3A_157] : memref<10000x128xf32, #tpu.memory_space<hbm>> -> memref<10000x128xf32, #tpu.memory_space<hbm>>
    tpu.enqueue_indirect_dma source(%dma_start3A_158 : memref<10000x128xf32, #tpu.memory_space<hbm>>) target(%dma_start3A_152 : memref<40x128xf32, #tpu.memory_space<vmem>>) offsets(%dma_start3A_155 : memref<40xi32, #tpu.memory_space<vmem>>) semaphore(%arg16 : memref<!tpu.dma_semaphore, #tpu.memory_space<semaphore_mem>>)
    %dma_wait3A_159 = arith.constant 0 : i32
    %dma_wait3A_160 = arith.constant 0 : i32
    %dma_wait3A_161 = arith.constant 0 : i32
    %dma_wait3A_162 = tpu.memref_slice %arg11[%dma_wait3A_160, %dma_wait3A_161] : memref<200x128xf32, #tpu.memory_space<vmem>> -> memref<40x128xf32, #tpu.memory_space<vmem>>
    %dma_wait3A_163 = arith.constant 0 : i32
    %dma_wait3A_164 = tpu.memref_slice %arg10[%dma_wait3A_159, %dma_wait3A_163] : memref<250x40xi32, #tpu.memory_space<vmem>> -> memref<1x40xi32, #tpu.memory_space<vmem>>
    %dma_wait3A_165 = tpu.memref_squeeze %dma_wait3A_164 : memref<1x40xi32, #tpu.memory_space<vmem>> -> memref<40xi32, #tpu.memory_space<vmem>>
    %dma_wait3A_166 = arith.constant 0 : i32
    %dma_wait3A_167 = arith.constant 0 : i32
    %dma_wait3A_168 = tpu.memref_slice %arg8[%dma_wait3A_166, %dma_wait3A_167] : memref<10240x128xf32, #tpu.memory_space<vmem_shared>> -> memref<10240x128xf32, #tpu.memory_space<vmem_shared>>
    tpu.wait_indirect_dma semaphore(%arg17 : memref<!tpu.dma_semaphore, #tpu.memory_space<semaphore_mem>>) src(%dma_wait3A_162 : memref<40x128xf32, #tpu.memory_space<vmem>>) dst(%dma_wait3A_168 : memref<10240x128xf32, #tpu.memory_space<vmem_shared>>)
    %dma_start3A_169 = arith.constant 5 : i32
    %dma_start3A_170 = arith.constant 0 : i32
    %dma_start3A_171 = arith.constant 0 : i32
    %dma_start3A_172 = tpu.memref_slice %arg11[%dma_start3A_170, %dma_start3A_171] : memref<200x128xf32, #tpu.memory_space<vmem>> -> memref<40x128xf32, #tpu.memory_space<vmem>>
    %dma_start3A_173 = arith.constant 0 : i32
    %dma_start3A_174 = tpu.memref_slice %arg9[%dma_start3A_169, %dma_start3A_173] : memref<250x40xi32, #tpu.memory_space<vmem>> -> memref<1x40xi32, #tpu.memory_space<vmem>>
    %dma_start3A_175 = tpu.memref_squeeze %dma_start3A_174 : memref<1x40xi32, #tpu.memory_space<vmem>> -> memref<40xi32, #tpu.memory_space<vmem>>
    %dma_start3A_176 = arith.constant 0 : i32
    %dma_start3A_177 = arith.constant 0 : i32
    %dma_start3A_178 = tpu.memref_slice %arg2[%dma_start3A_176, %dma_start3A_177] : memref<10000x128xf32, #tpu.memory_space<hbm>> -> memref<10000x128xf32, #tpu.memory_space<hbm>>
    tpu.enqueue_indirect_dma source(%dma_start3A_178 : memref<10000x128xf32, #tpu.memory_space<hbm>>) target(%dma_start3A_172 : memref<40x128xf32, #tpu.memory_space<vmem>>) offsets(%dma_start3A_175 : memref<40xi32, #tpu.memory_space<vmem>>) semaphore(%arg12 : memref<!tpu.dma_semaphore, #tpu.memory_space<semaphore_mem>>)
    %dma_wait3A_179 = arith.constant 2 : i32
    %dma_wait3A_180 = arith.constant 80 : i32
    %dma_wait3A_181 = arith.constant 0 : i32
    %dma_wait3A_182 = tpu.memref_slice %arg11[%dma_wait3A_180, %dma_wait3A_181] : memref<200x128xf32, #tpu.memory_space<vmem>> -> memref<40x128xf32, #tpu.memory_space<vmem>>
    %dma_wait3A_183 = arith.constant 0 : i32
    %dma_wait3A_184 = tpu.memref_slice %arg9[%dma_wait3A_179, %dma_wait3A_183] : memref<250x40xi32, #tpu.memory_space<vmem>> -> memref<1x40xi32, #tpu.memory_space<vmem>>
    %dma_wait3A_185 = tpu.memref_squeeze %dma_wait3A_184 : memref<1x40xi32, #tpu.memory_space<vmem>> -> memref<40xi32, #tpu.memory_space<vmem>>
    %dma_wait3A_186 = arith.constant 0 : i32
    %dma_wait3A_187 = arith.constant 0 : i32
    %dma_wait3A_188 = tpu.memref_slice %arg2[%dma_wait3A_186, %dma_wait3A_187] : memref<10000x128xf32, #tpu.memory_space<hbm>> -> memref<10000x128xf32, #tpu.memory_space<hbm>>
    tpu.wait_indirect_dma semaphore(%arg14 : memref<!tpu.dma_semaphore, #tpu.memory_space<semaphore_mem>>) src(%dma_wait3A_188 : memref<10000x128xf32, #tpu.memory_space<hbm>>) dst(%dma_wait3A_182 : memref<40x128xf32, #tpu.memory_space<vmem>>)
    %dma_start3A_189 = arith.constant 2 : i32
    %dma_start3A_190 = arith.constant 80 : i32
    %dma_start3A_191 = arith.constant 0 : i32
    %dma_start3A_192 = tpu.memref_slice %arg11[%dma_start3A_190, %dma_start3A_191] : memref<200x128xf32, #tpu.memory_space<vmem>> -> memref<40x128xf32, #tpu.memory_space<vmem>>
    %dma_start3A_193 = arith.constant 0 : i32
    %dma_start3A_194 = tpu.memref_slice %arg10[%dma_start3A_189, %dma_start3A_193] : memref<250x40xi32, #tpu.memory_space<vmem>> -> memref<1x40xi32, #tpu.memory_space<vmem>>
    %dma_start3A_195 = tpu.memref_squeeze %dma_start3A_194 : memref<1x40xi32, #tpu.memory_space<vmem>> -> memref<40xi32, #tpu.memory_space<vmem>>
    %dma_start3A_196 = arith.constant 0 : i32
    %dma_start3A_197 = arith.constant 0 : i32
    %dma_start3A_198 = tpu.memref_slice %arg8[%dma_start3A_196, %dma_start3A_197] : memref<10240x128xf32, #tpu.memory_space<vmem_shared>> -> memref<10240x128xf32, #tpu.memory_space<vmem_shared>>
    tpu.enqueue_indirect_dma source(%dma_start3A_192 : memref<40x128xf32, #tpu.memory_space<vmem>>) target(%dma_start3A_198 : memref<10240x128xf32, #tpu.memory_space<vmem_shared>>) offsets(%dma_start3A_195 : memref<40xi32, #tpu.memory_space<vmem>>) semaphore(%arg19 : memref<!tpu.dma_semaphore, #tpu.memory_space<semaphore_mem>>) {add = true}
    %dma_wait3A_199 = arith.constant 1 : i32
    %dma_wait3A_200 = arith.constant 40 : i32
    %dma_wait3A_201 = arith.constant 0 : i32
    %dma_wait3A_202 = tpu.memref_slice %arg11[%dma_wait3A_200, %dma_wait3A_201] : memref<200x128xf32, #tpu.memory_space<vmem>> -> memref<40x128xf32, #tpu.memory_space<vmem>>
    %dma_wait3A_203 = arith.constant 0 : i32
    %dma_wait3A_204 = tpu.memref_slice %arg10[%dma_wait3A_199, %dma_wait3A_203] : memref<250x40xi32, #tpu.memory_space<vmem>> -> memref<1x40xi32, #tpu.memory_space<vmem>>
    %dma_wait3A_205 = tpu.memref_squeeze %dma_wait3A_204 : memref<1x40xi32, #tpu.memory_space<vmem>> -> memref<40xi32, #tpu.memory_space<vmem>>
    %dma_wait3A_206 = arith.constant 0 : i32
    %dma_wait3A_207 = arith.constant 0 : i32
    %dma_wait3A_208 = tpu.memref_slice %arg8[%dma_wait3A_206, %dma_wait3A_207] : memref<10240x128xf32, #tpu.memory_space<vmem_shared>> -> memref<10240x128xf32, #tpu.memory_space<vmem_shared>>
    tpu.wait_indirect_dma semaphore(%arg18 : memref<!tpu.dma_semaphore, #tpu.memory_space<semaphore_mem>>) src(%dma_wait3A_202 : memref<40x128xf32, #tpu.memory_space<vmem>>) dst(%dma_wait3A_208 : memref<10240x128xf32, #tpu.memory_space<vmem_shared>>)
    %dma_start3A_209 = arith.constant 6 : i32
    %dma_start3A_210 = arith.constant 40 : i32
    %dma_start3A_211 = arith.constant 0 : i32
    %dma_start3A_212 = tpu.memref_slice %arg11[%dma_start3A_210, %dma_start3A_211] : memref<200x128xf32, #tpu.memory_space<vmem>> -> memref<40x128xf32, #tpu.memory_space<vmem>>
    %dma_start3A_213 = arith.constant 0 : i32
    %dma_start3A_214 = tpu.memref_slice %arg9[%dma_start3A_209, %dma_start3A_213] : memref<250x40xi32, #tpu.memory_space<vmem>> -> memref<1x40xi32, #tpu.memory_space<vmem>>
    %dma_start3A_215 = tpu.memref_squeeze %dma_start3A_214 : memref<1x40xi32, #tpu.memory_space<vmem>> -> memref<40xi32, #tpu.memory_space<vmem>>
    %dma_start3A_216 = arith.constant 0 : i32
    %dma_start3A_217 = arith.constant 0 : i32
    %dma_start3A_218 = tpu.memref_slice %arg2[%dma_start3A_216, %dma_start3A_217] : memref<10000x128xf32, #tpu.memory_space<hbm>> -> memref<10000x128xf32, #tpu.memory_space<hbm>>
    tpu.enqueue_indirect_dma source(%dma_start3A_218 : memref<10000x128xf32, #tpu.memory_space<hbm>>) target(%dma_start3A_212 : memref<40x128xf32, #tpu.memory_space<vmem>>) offsets(%dma_start3A_215 : memref<40xi32, #tpu.memory_space<vmem>>) semaphore(%arg13 : memref<!tpu.dma_semaphore, #tpu.memory_space<semaphore_mem>>)
    %dma_wait3A_219 = arith.constant 3 : i32
    %dma_wait3A_220 = arith.constant 120 : i32
    %dma_wait3A_221 = arith.constant 0 : i32
    %dma_wait3A_222 = tpu.memref_slice %arg11[%dma_wait3A_220, %dma_wait3A_221] : memref<200x128xf32, #tpu.memory_space<vmem>> -> memref<40x128xf32, #tpu.memory_space<vmem>>
    %dma_wait3A_223 = arith.constant 0 : i32
    %dma_wait3A_224 = tpu.memref_slice %arg9[%dma_wait3A_219, %dma_wait3A_223] : memref<250x40xi32, #tpu.memory_space<vmem>> -> memref<1x40xi32, #tpu.memory_space<vmem>>
    %dma_wait3A_225 = tpu.memref_squeeze %dma_wait3A_224 : memref<1x40xi32, #tpu.memory_space<vmem>> -> memref<40xi32, #tpu.memory_space<vmem>>
    %dma_wait3A_226 = arith.constant 0 : i32
    %dma_wait3A_227 = arith.constant 0 : i32
    %dma_wait3A_228 = tpu.memref_slice %arg2[%dma_wait3A_226, %dma_wait3A_227] : memref<10000x128xf32, #tpu.memory_space<hbm>> -> memref<10000x128xf32, #tpu.memory_space<hbm>>
    tpu.wait_indirect_dma semaphore(%arg15 : memref<!tpu.dma_semaphore, #tpu.memory_space<semaphore_mem>>) src(%dma_wait3A_228 : memref<10000x128xf32, #tpu.memory_space<hbm>>) dst(%dma_wait3A_222 : memref<40x128xf32, #tpu.memory_space<vmem>>)
    %dma_start3A_229 = arith.constant 3 : i32
    %dma_start3A_230 = arith.constant 120 : i32
    %dma_start3A_231 = arith.constant 0 : i32
    %dma_start3A_232 = tpu.memref_slice %arg11[%dma_start3A_230, %dma_start3A_231] : memref<200x128xf32, #tpu.memory_space<vmem>> -> memref<40x128xf32, #tpu.memory_space<vmem>>
    %dma_start3A_233 = arith.constant 0 : i32
    %dma_start3A_234 = tpu.memref_slice %arg10[%dma_start3A_229, %dma_start3A_233] : memref<250x40xi32, #tpu.memory_space<vmem>> -> memref<1x40xi32, #tpu.memory_space<vmem>>
    %dma_start3A_235 = tpu.memref_squeeze %dma_start3A_234 : memref<1x40xi32, #tpu.memory_space<vmem>> -> memref<40xi32, #tpu.memory_space<vmem>>
    %dma_start3A_236 = arith.constant 0 : i32
    %dma_start3A_237 = arith.constant 0 : i32
    %dma_start3A_238 = tpu.memref_slice %arg8[%dma_start3A_236, %dma_start3A_237] : memref<10240x128xf32, #tpu.memory_space<vmem_shared>> -> memref<10240x128xf32, #tpu.memory_space<vmem_shared>>
    tpu.enqueue_indirect_dma source(%dma_start3A_232 : memref<40x128xf32, #tpu.memory_space<vmem>>) target(%dma_start3A_238 : memref<10240x128xf32, #tpu.memory_space<vmem_shared>>) offsets(%dma_start3A_235 : memref<40xi32, #tpu.memory_space<vmem>>) semaphore(%arg20 : memref<!tpu.dma_semaphore, #tpu.memory_space<semaphore_mem>>) {add = true}
    %dma_wait3A_239 = arith.constant 2 : i32
    %dma_wait3A_240 = arith.constant 80 : i32
    %dma_wait3A_241 = arith.constant 0 : i32
    %dma_wait3A_242 = tpu.memref_slice %arg11[%dma_wait3A_240, %dma_wait3A_241] : memref<200x128xf32, #tpu.memory_space<vmem>> -> memref<40x128xf32, #tpu.memory_space<vmem>>
    %dma_wait3A_243 = arith.constant 0 : i32
    %dma_wait3A_244 = tpu.memref_slice %arg10[%dma_wait3A_239, %dma_wait3A_243] : memref<250x40xi32, #tpu.memory_space<vmem>> -> memref<1x40xi32, #tpu.memory_space<vmem>>
    %dma_wait3A_245 = tpu.memref_squeeze %dma_wait3A_244 : memref<1x40xi32, #tpu.memory_space<vmem>> -> memref<40xi32, #tpu.memory_space<vmem>>
    %dma_wait3A_246 = arith.constant 0 : i32
    %dma_wait3A_247 = arith.constant 0 : i32
    %dma_wait3A_248 = tpu.memref_slice %arg8[%dma_wait3A_246, %dma_wait3A_247] : memref<10240x128xf32, #tpu.memory_space<vmem_shared>> -> memref<10240x128xf32, #tpu.memory_space<vmem_shared>>
    tpu.wait_indirect_dma semaphore(%arg19 : memref<!tpu.dma_semaphore, #tpu.memory_space<semaphore_mem>>) src(%dma_wait3A_242 : memref<40x128xf32, #tpu.memory_space<vmem>>) dst(%dma_wait3A_248 : memref<10240x128xf32, #tpu.memory_space<vmem_shared>>)
    %dma_start3A_249 = arith.constant 7 : i32
    %dma_start3A_250 = arith.constant 80 : i32
    %dma_start3A_251 = arith.constant 0 : i32
    %dma_start3A_252 = tpu.memref_slice %arg11[%dma_start3A_250, %dma_start3A_251] : memref<200x128xf32, #tpu.memory_space<vmem>> -> memref<40x128xf32, #tpu.memory_space<vmem>>
    %dma_start3A_253 = arith.constant 0 : i32
    %dma_start3A_254 = tpu.memref_slice %arg9[%dma_start3A_249, %dma_start3A_253] : memref<250x40xi32, #tpu.memory_space<vmem>> -> memref<1x40xi32, #tpu.memory_space<vmem>>
    %dma_start3A_255 = tpu.memref_squeeze %dma_start3A_254 : memref<1x40xi32, #tpu.memory_space<vmem>> -> memref<40xi32, #tpu.memory_space<vmem>>
    %dma_start3A_256 = arith.constant 0 : i32
    %dma_start3A_257 = arith.constant 0 : i32
    %dma_start3A_258 = tpu.memref_slice %arg2[%dma_start3A_256, %dma_start3A_257] : memref<10000x128xf32, #tpu.memory_space<hbm>> -> memref<10000x128xf32, #tpu.memory_space<hbm>>
    tpu.enqueue_indirect_dma source(%dma_start3A_258 : memref<10000x128xf32, #tpu.memory_space<hbm>>) target(%dma_start3A_252 : memref<40x128xf32, #tpu.memory_space<vmem>>) offsets(%dma_start3A_255 : memref<40xi32, #tpu.memory_space<vmem>>) semaphore(%arg14 : memref<!tpu.dma_semaphore, #tpu.memory_space<semaphore_mem>>)
    %dma_wait3A_259 = arith.constant 4 : i32
    %dma_wait3A_260 = arith.constant 160 : i32
    %dma_wait3A_261 = arith.constant 0 : i32
    %dma_wait3A_262 = tpu.memref_slice %arg11[%dma_wait3A_260, %dma_wait3A_261] : memref<200x128xf32, #tpu.memory_space<vmem>> -> memref<40x128xf32, #tpu.memory_space<vmem>>
    %dma_wait3A_263 = arith.constant 0 : i32
    %dma_wait3A_264 = tpu.memref_slice %arg9[%dma_wait3A_259, %dma_wait3A_263] : memref<250x40xi32, #tpu.memory_space<vmem>> -> memref<1x40xi32, #tpu.memory_space<vmem>>
    %dma_wait3A_265 = tpu.memref_squeeze %dma_wait3A_264 : memref<1x40xi32, #tpu.memory_space<vmem>> -> memref<40xi32, #tpu.memory_space<vmem>>
    %dma_wait3A_266 = arith.constant 0 : i32
    %dma_wait3A_267 = arith.constant 0 : i32
    %dma_wait3A_268 = tpu.memref_slice %arg2[%dma_wait3A_266, %dma_wait3A_267] : memref<10000x128xf32, #tpu.memory_space<hbm>> -> memref<10000x128xf32, #tpu.memory_space<hbm>>
    tpu.wait_indirect_dma semaphore(%arg16 : memref<!tpu.dma_semaphore, #tpu.memory_space<semaphore_mem>>) src(%dma_wait3A_268 : memref<10000x128xf32, #tpu.memory_space<hbm>>) dst(%dma_wait3A_262 : memref<40x128xf32, #tpu.memory_space<vmem>>)
    %dma_start3A_269 = arith.constant 4 : i32
    %dma_start3A_270 = arith.constant 160 : i32
    %dma_start3A_271 = arith.constant 0 : i32
    %dma_start3A_272 = tpu.memref_slice %arg11[%dma_start3A_270, %dma_start3A_271] : memref<200x128xf32, #tpu.memory_space<vmem>> -> memref<40x128xf32, #tpu.memory_space<vmem>>
    %dma_start3A_273 = arith.constant 0 : i32
    %dma_start3A_274 = tpu.memref_slice %arg10[%dma_start3A_269, %dma_start3A_273] : memref<250x40xi32, #tpu.memory_space<vmem>> -> memref<1x40xi32, #tpu.memory_space<vmem>>
    %dma_start3A_275 = tpu.memref_squeeze %dma_start3A_274 : memref<1x40xi32, #tpu.memory_space<vmem>> -> memref<40xi32, #tpu.memory_space<vmem>>
    %dma_start3A_276 = arith.constant 0 : i32
    %dma_start3A_277 = arith.constant 0 : i32
    %dma_start3A_278 = tpu.memref_slice %arg8[%dma_start3A_276, %dma_start3A_277] : memref<10240x128xf32, #tpu.memory_space<vmem_shared>> -> memref<10240x128xf32, #tpu.memory_space<vmem_shared>>
    tpu.enqueue_indirect_dma source(%dma_start3A_272 : memref<40x128xf32, #tpu.memory_space<vmem>>) target(%dma_start3A_278 : memref<10240x128xf32, #tpu.memory_space<vmem_shared>>) offsets(%dma_start3A_275 : memref<40xi32, #tpu.memory_space<vmem>>) semaphore(%arg21 : memref<!tpu.dma_semaphore, #tpu.memory_space<semaphore_mem>>) {add = true}
    %scan3A_279 = arith.constant 0 : i32
    %scan3A_280 = arith.constant 1 : i32
    %scan3A_281 = arith.constant 49 : i32
    %scan3A_282 = arith.addi %scan3A_280, %scan3A_281 : i32
    %scan3A_283 = arith.constant 1 : i32
    scf.for %scan3A_340 = %scan3A_280 to %scan3A_282 step %scan3A_283  : i32 {
      %mul3A_341 = arith.constant 5 : i32
      %mul3A_342 = arith.muli %mul3A_341, %scan3A_340 : i32
      %add3A_343 = arith.constant 0 : i32
      %add3A_344 = arith.addi %mul3A_342, %add3A_343 : i32
      %sub3A = arith.constant 2 : i32
      %sub3A_345 = arith.subi %add3A_344, %sub3A : i32
      %dma_wait3A_346 = arith.constant 120 : i32
      %dma_wait3A_347 = arith.constant 0 : i32
      %dma_wait3A_348 = tpu.memref_slice %arg11[%dma_wait3A_346, %dma_wait3A_347] : memref<200x128xf32, #tpu.memory_space<vmem>> -> memref<40x128xf32, #tpu.memory_space<vmem>>
      %dma_wait3A_349 = arith.constant 0 : i32
      %dma_wait3A_350 = tpu.memref_slice %arg10[%sub3A_345, %dma_wait3A_349] : memref<250x40xi32, #tpu.memory_space<vmem>> -> memref<1x40xi32, #tpu.memory_space<vmem>>
      %dma_wait3A_351 = tpu.memref_squeeze %dma_wait3A_350 : memref<1x40xi32, #tpu.memory_space<vmem>> -> memref<40xi32, #tpu.memory_space<vmem>>
      %dma_wait3A_352 = arith.constant 0 : i32
      %dma_wait3A_353 = arith.constant 0 : i32
      %dma_wait3A_354 = tpu.memref_slice %arg8[%dma_wait3A_352, %dma_wait3A_353] : memref<10240x128xf32, #tpu.memory_space<vmem_shared>> -> memref<10240x128xf32, #tpu.memory_space<vmem_shared>>
      tpu.wait_indirect_dma semaphore(%arg20 : memref<!tpu.dma_semaphore, #tpu.memory_space<semaphore_mem>>) src(%dma_wait3A_348 : memref<40x128xf32, #tpu.memory_space<vmem>>) dst(%dma_wait3A_354 : memref<10240x128xf32, #tpu.memory_space<vmem_shared>>)
      %add3A_355 = arith.constant 3 : i32
      %add3A_356 = arith.addi %add3A_344, %add3A_355 : i32
      %min3A = arith.constant 249 : i32
      %min3A_357 = arith.minsi %add3A_356, %min3A : i32
      %dma_start3A_358 = arith.constant 120 : i32
      %dma_start3A_359 = arith.constant 0 : i32
      %dma_start3A_360 = tpu.memref_slice %arg11[%dma_start3A_358, %dma_start3A_359] : memref<200x128xf32, #tpu.memory_space<vmem>> -> memref<40x128xf32, #tpu.memory_space<vmem>>
      %dma_start3A_361 = arith.constant 0 : i32
      %dma_start3A_362 = tpu.memref_slice %arg9[%min3A_357, %dma_start3A_361] : memref<250x40xi32, #tpu.memory_space<vmem>> -> memref<1x40xi32, #tpu.memory_space<vmem>>
      %dma_start3A_363 = tpu.memref_squeeze %dma_start3A_362 : memref<1x40xi32, #tpu.memory_space<vmem>> -> memref<40xi32, #tpu.memory_space<vmem>>
      %dma_start3A_364 = arith.constant 0 : i32
      %dma_start3A_365 = arith.constant 0 : i32
      %dma_start3A_366 = tpu.memref_slice %arg2[%dma_start3A_364, %dma_start3A_365] : memref<10000x128xf32, #tpu.memory_space<hbm>> -> memref<10000x128xf32, #tpu.memory_space<hbm>>
      tpu.enqueue_indirect_dma source(%dma_start3A_366 : memref<10000x128xf32, #tpu.memory_space<hbm>>) target(%dma_start3A_360 : memref<40x128xf32, #tpu.memory_space<vmem>>) offsets(%dma_start3A_363 : memref<40xi32, #tpu.memory_space<vmem>>) semaphore(%arg15 : memref<!tpu.dma_semaphore, #tpu.memory_space<semaphore_mem>>)
      %dma_wait3A_367 = arith.constant 0 : i32
      %dma_wait3A_368 = arith.constant 0 : i32
      %dma_wait3A_369 = tpu.memref_slice %arg11[%dma_wait3A_367, %dma_wait3A_368] : memref<200x128xf32, #tpu.memory_space<vmem>> -> memref<40x128xf32, #tpu.memory_space<vmem>>
      %dma_wait3A_370 = arith.constant 0 : i32
      %dma_wait3A_371 = tpu.memref_slice %arg9[%add3A_344, %dma_wait3A_370] : memref<250x40xi32, #tpu.memory_space<vmem>> -> memref<1x40xi32, #tpu.memory_space<vmem>>
      %dma_wait3A_372 = tpu.memref_squeeze %dma_wait3A_371 : memref<1x40xi32, #tpu.memory_space<vmem>> -> memref<40xi32, #tpu.memory_space<vmem>>
      %dma_wait3A_373 = arith.constant 0 : i32
      %dma_wait3A_374 = arith.constant 0 : i32
      %dma_wait3A_375 = tpu.memref_slice %arg2[%dma_wait3A_373, %dma_wait3A_374] : memref<10000x128xf32, #tpu.memory_space<hbm>> -> memref<10000x128xf32, #tpu.memory_space<hbm>>
      tpu.wait_indirect_dma semaphore(%arg12 : memref<!tpu.dma_semaphore, #tpu.memory_space<semaphore_mem>>) src(%dma_wait3A_375 : memref<10000x128xf32, #tpu.memory_space<hbm>>) dst(%dma_wait3A_369 : memref<40x128xf32, #tpu.memory_space<vmem>>)
      %dma_start3A_376 = arith.constant 0 : i32
      %dma_start3A_377 = arith.constant 0 : i32
      %dma_start3A_378 = tpu.memref_slice %arg11[%dma_start3A_376, %dma_start3A_377] : memref<200x128xf32, #tpu.memory_space<vmem>> -> memref<40x128xf32, #tpu.memory_space<vmem>>
      %dma_start3A_379 = arith.constant 0 : i32
      %dma_start3A_380 = tpu.memref_slice %arg10[%add3A_344, %dma_start3A_379] : memref<250x40xi32, #tpu.memory_space<vmem>> -> memref<1x40xi32, #tpu.memory_space<vmem>>
      %dma_start3A_381 = tpu.memref_squeeze %dma_start3A_380 : memref<1x40xi32, #tpu.memory_space<vmem>> -> memref<40xi32, #tpu.memory_space<vmem>>
      %dma_start3A_382 = arith.constant 0 : i32
      %dma_start3A_383 = arith.constant 0 : i32
      %dma_start3A_384 = tpu.memref_slice %arg8[%dma_start3A_382, %dma_start3A_383] : memref<10240x128xf32, #tpu.memory_space<vmem_shared>> -> memref<10240x128xf32, #tpu.memory_space<vmem_shared>>
      tpu.enqueue_indirect_dma source(%dma_start3A_378 : memref<40x128xf32, #tpu.memory_space<vmem>>) target(%dma_start3A_384 : memref<10240x128xf32, #tpu.memory_space<vmem_shared>>) offsets(%dma_start3A_381 : memref<40xi32, #tpu.memory_space<vmem>>) semaphore(%arg17 : memref<!tpu.dma_semaphore, #tpu.memory_space<semaphore_mem>>) {add = true}
      %mul3A_385 = arith.constant 5 : i32
      %mul3A_386 = arith.muli %mul3A_385, %scan3A_340 : i32
      %add3A_387 = arith.constant 1 : i32
      %add3A_388 = arith.addi %mul3A_386, %add3A_387 : i32
      %sub3A_389 = arith.constant 2 : i32
      %sub3A_390 = arith.subi %add3A_388, %sub3A_389 : i32
      %dma_wait3A_391 = arith.constant 160 : i32
      %dma_wait3A_392 = arith.constant 0 : i32
      %dma_wait3A_393 = tpu.memref_slice %arg11[%dma_wait3A_391, %dma_wait3A_392] : memref<200x128xf32, #tpu.memory_space<vmem>> -> memref<40x128xf32, #tpu.memory_space<vmem>>
      %dma_wait3A_394 = arith.constant 0 : i32
      %dma_wait3A_395 = tpu.memref_slice %arg10[%sub3A_390, %dma_wait3A_394] : memref<250x40xi32, #tpu.memory_space<vmem>> -> memref<1x40xi32, #tpu.memory_space<vmem>>
      %dma_wait3A_396 = tpu.memref_squeeze %dma_wait3A_395 : memref<1x40xi32, #tpu.memory_space<vmem>> -> memref<40xi32, #tpu.memory_space<vmem>>
      %dma_wait3A_397 = arith.constant 0 : i32
      %dma_wait3A_398 = arith.constant 0 : i32
      %dma_wait3A_399 = tpu.memref_slice %arg8[%dma_wait3A_397, %dma_wait3A_398] : memref<10240x128xf32, #tpu.memory_space<vmem_shared>> -> memref<10240x128xf32, #tpu.memory_space<vmem_shared>>
      tpu.wait_indirect_dma semaphore(%arg21 : memref<!tpu.dma_semaphore, #tpu.memory_space<semaphore_mem>>) src(%dma_wait3A_393 : memref<40x128xf32, #tpu.memory_space<vmem>>) dst(%dma_wait3A_399 : memref<10240x128xf32, #tpu.memory_space<vmem_shared>>)
      %add3A_400 = arith.constant 3 : i32
      %add3A_401 = arith.addi %add3A_388, %add3A_400 : i32
      %min3A_402 = arith.constant 249 : i32
      %min3A_403 = arith.minsi %add3A_401, %min3A_402 : i32
      %dma_start3A_404 = arith.constant 160 : i32
      %dma_start3A_405 = arith.constant 0 : i32
      %dma_start3A_406 = tpu.memref_slice %arg11[%dma_start3A_404, %dma_start3A_405] : memref<200x128xf32, #tpu.memory_space<vmem>> -> memref<40x128xf32, #tpu.memory_space<vmem>>
      %dma_start3A_407 = arith.constant 0 : i32
      %dma_start3A_408 = tpu.memref_slice %arg9[%min3A_403, %dma_start3A_407] : memref<250x40xi32, #tpu.memory_space<vmem>> -> memref<1x40xi32, #tpu.memory_space<vmem>>
      %dma_start3A_409 = tpu.memref_squeeze %dma_start3A_408 : memref<1x40xi32, #tpu.memory_space<vmem>> -> memref<40xi32, #tpu.memory_space<vmem>>
      %dma_start3A_410 = arith.constant 0 : i32
      %dma_start3A_411 = arith.constant 0 : i32
      %dma_start3A_412 = tpu.memref_slice %arg2[%dma_start3A_410, %dma_start3A_411] : memref<10000x128xf32, #tpu.memory_space<hbm>> -> memref<10000x128xf32, #tpu.memory_space<hbm>>
      tpu.enqueue_indirect_dma source(%dma_start3A_412 : memref<10000x128xf32, #tpu.memory_space<hbm>>) target(%dma_start3A_406 : memref<40x128xf32, #tpu.memory_space<vmem>>) offsets(%dma_start3A_409 : memref<40xi32, #tpu.memory_space<vmem>>) semaphore(%arg16 : memref<!tpu.dma_semaphore, #tpu.memory_space<semaphore_mem>>)
      %dma_wait3A_413 = arith.constant 40 : i32
      %dma_wait3A_414 = arith.constant 0 : i32
      %dma_wait3A_415 = tpu.memref_slice %arg11[%dma_wait3A_413, %dma_wait3A_414] : memref<200x128xf32, #tpu.memory_space<vmem>> -> memref<40x128xf32, #tpu.memory_space<vmem>>
      %dma_wait3A_416 = arith.constant 0 : i32
      %dma_wait3A_417 = tpu.memref_slice %arg9[%add3A_388, %dma_wait3A_416] : memref<250x40xi32, #tpu.memory_space<vmem>> -> memref<1x40xi32, #tpu.memory_space<vmem>>
      %dma_wait3A_418 = tpu.memref_squeeze %dma_wait3A_417 : memref<1x40xi32, #tpu.memory_space<vmem>> -> memref<40xi32, #tpu.memory_space<vmem>>
      %dma_wait3A_419 = arith.constant 0 : i32
      %dma_wait3A_420 = arith.constant 0 : i32
      %dma_wait3A_421 = tpu.memref_slice %arg2[%dma_wait3A_419, %dma_wait3A_420] : memref<10000x128xf32, #tpu.memory_space<hbm>> -> memref<10000x128xf32, #tpu.memory_space<hbm>>
      tpu.wait_indirect_dma semaphore(%arg13 : memref<!tpu.dma_semaphore, #tpu.memory_space<semaphore_mem>>) src(%dma_wait3A_421 : memref<10000x128xf32, #tpu.memory_space<hbm>>) dst(%dma_wait3A_415 : memref<40x128xf32, #tpu.memory_space<vmem>>)
      %dma_start3A_422 = arith.constant 40 : i32
      %dma_start3A_423 = arith.constant 0 : i32
      %dma_start3A_424 = tpu.memref_slice %arg11[%dma_start3A_422, %dma_start3A_423] : memref<200x128xf32, #tpu.memory_space<vmem>> -> memref<40x128xf32, #tpu.memory_space<vmem>>
      %dma_start3A_425 = arith.constant 0 : i32
      %dma_start3A_426 = tpu.memref_slice %arg10[%add3A_388, %dma_start3A_425] : memref<250x40xi32, #tpu.memory_space<vmem>> -> memref<1x40xi32, #tpu.memory_space<vmem>>
      %dma_start3A_427 = tpu.memref_squeeze %dma_start3A_426 : memref<1x40xi32, #tpu.memory_space<vmem>> -> memref<40xi32, #tpu.memory_space<vmem>>
      %dma_start3A_428 = arith.constant 0 : i32
      %dma_start3A_429 = arith.constant 0 : i32
      %dma_start3A_430 = tpu.memref_slice %arg8[%dma_start3A_428, %dma_start3A_429] : memref<10240x128xf32, #tpu.memory_space<vmem_shared>> -> memref<10240x128xf32, #tpu.memory_space<vmem_shared>>
      tpu.enqueue_indirect_dma source(%dma_start3A_424 : memref<40x128xf32, #tpu.memory_space<vmem>>) target(%dma_start3A_430 : memref<10240x128xf32, #tpu.memory_space<vmem_shared>>) offsets(%dma_start3A_427 : memref<40xi32, #tpu.memory_space<vmem>>) semaphore(%arg18 : memref<!tpu.dma_semaphore, #tpu.memory_space<semaphore_mem>>) {add = true}
      %mul3A_431 = arith.constant 5 : i32
      %mul3A_432 = arith.muli %mul3A_431, %scan3A_340 : i32
      %add3A_433 = arith.constant 2 : i32
      %add3A_434 = arith.addi %mul3A_432, %add3A_433 : i32
      %sub3A_435 = arith.constant 2 : i32
      %sub3A_436 = arith.subi %add3A_434, %sub3A_435 : i32
      %dma_wait3A_437 = arith.constant 0 : i32
      %dma_wait3A_438 = arith.constant 0 : i32
      %dma_wait3A_439 = tpu.memref_slice %arg11[%dma_wait3A_437, %dma_wait3A_438] : memref<200x128xf32, #tpu.memory_space<vmem>> -> memref<40x128xf32, #tpu.memory_space<vmem>>
      %dma_wait3A_440 = arith.constant 0 : i32
      %dma_wait3A_441 = tpu.memref_slice %arg10[%sub3A_436, %dma_wait3A_440] : memref<250x40xi32, #tpu.memory_space<vmem>> -> memref<1x40xi32, #tpu.memory_space<vmem>>
      %dma_wait3A_442 = tpu.memref_squeeze %dma_wait3A_441 : memref<1x40xi32, #tpu.memory_space<vmem>> -> memref<40xi32, #tpu.memory_space<vmem>>
      %dma_wait3A_443 = arith.constant 0 : i32
      %dma_wait3A_444 = arith.constant 0 : i32
      %dma_wait3A_445 = tpu.memref_slice %arg8[%dma_wait3A_443, %dma_wait3A_444] : memref<10240x128xf32, #tpu.memory_space<vmem_shared>> -> memref<10240x128xf32, #tpu.memory_space<vmem_shared>>
      tpu.wait_indirect_dma semaphore(%arg17 : memref<!tpu.dma_semaphore, #tpu.memory_space<semaphore_mem>>) src(%dma_wait3A_439 : memref<40x128xf32, #tpu.memory_space<vmem>>) dst(%dma_wait3A_445 : memref<10240x128xf32, #tpu.memory_space<vmem_shared>>)
      %add3A_446 = arith.constant 3 : i32
      %add3A_447 = arith.addi %add3A_434, %add3A_446 : i32
      %min3A_448 = arith.constant 249 : i32
      %min3A_449 = arith.minsi %add3A_447, %min3A_448 : i32
      %dma_start3A_450 = arith.constant 0 : i32
      %dma_start3A_451 = arith.constant 0 : i32
      %dma_start3A_452 = tpu.memref_slice %arg11[%dma_start3A_450, %dma_start3A_451] : memref<200x128xf32, #tpu.memory_space<vmem>> -> memref<40x128xf32, #tpu.memory_space<vmem>>
      %dma_start3A_453 = arith.constant 0 : i32
      %dma_start3A_454 = tpu.memref_slice %arg9[%min3A_449, %dma_start3A_453] : memref<250x40xi32, #tpu.memory_space<vmem>> -> memref<1x40xi32, #tpu.memory_space<vmem>>
      %dma_start3A_455 = tpu.memref_squeeze %dma_start3A_454 : memref<1x40xi32, #tpu.memory_space<vmem>> -> memref<40xi32, #tpu.memory_space<vmem>>
      %dma_start3A_456 = arith.constant 0 : i32
      %dma_start3A_457 = arith.constant 0 : i32
      %dma_start3A_458 = tpu.memref_slice %arg2[%dma_start3A_456, %dma_start3A_457] : memref<10000x128xf32, #tpu.memory_space<hbm>> -> memref<10000x128xf32, #tpu.memory_space<hbm>>
      tpu.enqueue_indirect_dma source(%dma_start3A_458 : memref<10000x128xf32, #tpu.memory_space<hbm>>) target(%dma_start3A_452 : memref<40x128xf32, #tpu.memory_space<vmem>>) offsets(%dma_start3A_455 : memref<40xi32, #tpu.memory_space<vmem>>) semaphore(%arg12 : memref<!tpu.dma_semaphore, #tpu.memory_space<semaphore_mem>>)
      %dma_wait3A_459 = arith.constant 80 : i32
      %dma_wait3A_460 = arith.constant 0 : i32
      %dma_wait3A_461 = tpu.memref_slice %arg11[%dma_wait3A_459, %dma_wait3A_460] : memref<200x128xf32, #tpu.memory_space<vmem>> -> memref<40x128xf32, #tpu.memory_space<vmem>>
      %dma_wait3A_462 = arith.constant 0 : i32
      %dma_wait3A_463 = tpu.memref_slice %arg9[%add3A_434, %dma_wait3A_462] : memref<250x40xi32, #tpu.memory_space<vmem>> -> memref<1x40xi32, #tpu.memory_space<vmem>>
      %dma_wait3A_464 = tpu.memref_squeeze %dma_wait3A_463 : memref<1x40xi32, #tpu.memory_space<vmem>> -> memref<40xi32, #tpu.memory_space<vmem>>
      %dma_wait3A_465 = arith.constant 0 : i32
      %dma_wait3A_466 = arith.constant 0 : i32
      %dma_wait3A_467 = tpu.memref_slice %arg2[%dma_wait3A_465, %dma_wait3A_466] : memref<10000x128xf32, #tpu.memory_space<hbm>> -> memref<10000x128xf32, #tpu.memory_space<hbm>>
      tpu.wait_indirect_dma semaphore(%arg14 : memref<!tpu.dma_semaphore, #tpu.memory_space<semaphore_mem>>) src(%dma_wait3A_467 : memref<10000x128xf32, #tpu.memory_space<hbm>>) dst(%dma_wait3A_461 : memref<40x128xf32, #tpu.memory_space<vmem>>)
      %dma_start3A_468 = arith.constant 80 : i32
      %dma_start3A_469 = arith.constant 0 : i32
      %dma_start3A_470 = tpu.memref_slice %arg11[%dma_start3A_468, %dma_start3A_469] : memref<200x128xf32, #tpu.memory_space<vmem>> -> memref<40x128xf32, #tpu.memory_space<vmem>>
      %dma_start3A_471 = arith.constant 0 : i32
      %dma_start3A_472 = tpu.memref_slice %arg10[%add3A_434, %dma_start3A_471] : memref<250x40xi32, #tpu.memory_space<vmem>> -> memref<1x40xi32, #tpu.memory_space<vmem>>
      %dma_start3A_473 = tpu.memref_squeeze %dma_start3A_472 : memref<1x40xi32, #tpu.memory_space<vmem>> -> memref<40xi32, #tpu.memory_space<vmem>>
      %dma_start3A_474 = arith.constant 0 : i32
      %dma_start3A_475 = arith.constant 0 : i32
      %dma_start3A_476 = tpu.memref_slice %arg8[%dma_start3A_474, %dma_start3A_475] : memref<10240x128xf32, #tpu.memory_space<vmem_shared>> -> memref<10240x128xf32, #tpu.memory_space<vmem_shared>>
      tpu.enqueue_indirect_dma source(%dma_start3A_470 : memref<40x128xf32, #tpu.memory_space<vmem>>) target(%dma_start3A_476 : memref<10240x128xf32, #tpu.memory_space<vmem_shared>>) offsets(%dma_start3A_473 : memref<40xi32, #tpu.memory_space<vmem>>) semaphore(%arg19 : memref<!tpu.dma_semaphore, #tpu.memory_space<semaphore_mem>>) {add = true}
      %mul3A_477 = arith.constant 5 : i32
      %mul3A_478 = arith.muli %mul3A_477, %scan3A_340 : i32
      %add3A_479 = arith.constant 3 : i32
      %add3A_480 = arith.addi %mul3A_478, %add3A_479 : i32
      %sub3A_481 = arith.constant 2 : i32
      %sub3A_482 = arith.subi %add3A_480, %sub3A_481 : i32
      %dma_wait3A_483 = arith.constant 40 : i32
      %dma_wait3A_484 = arith.constant 0 : i32
      %dma_wait3A_485 = tpu.memref_slice %arg11[%dma_wait3A_483, %dma_wait3A_484] : memref<200x128xf32, #tpu.memory_space<vmem>> -> memref<40x128xf32, #tpu.memory_space<vmem>>
      %dma_wait3A_486 = arith.constant 0 : i32
      %dma_wait3A_487 = tpu.memref_slice %arg10[%sub3A_482, %dma_wait3A_486] : memref<250x40xi32, #tpu.memory_space<vmem>> -> memref<1x40xi32, #tpu.memory_space<vmem>>
      %dma_wait3A_488 = tpu.memref_squeeze %dma_wait3A_487 : memref<1x40xi32, #tpu.memory_space<vmem>> -> memref<40xi32, #tpu.memory_space<vmem>>
      %dma_wait3A_489 = arith.constant 0 : i32
      %dma_wait3A_490 = arith.constant 0 : i32
      %dma_wait3A_491 = tpu.memref_slice %arg8[%dma_wait3A_489, %dma_wait3A_490] : memref<10240x128xf32, #tpu.memory_space<vmem_shared>> -> memref<10240x128xf32, #tpu.memory_space<vmem_shared>>
      tpu.wait_indirect_dma semaphore(%arg18 : memref<!tpu.dma_semaphore, #tpu.memory_space<semaphore_mem>>) src(%dma_wait3A_485 : memref<40x128xf32, #tpu.memory_space<vmem>>) dst(%dma_wait3A_491 : memref<10240x128xf32, #tpu.memory_space<vmem_shared>>)
      %add3A_492 = arith.constant 3 : i32
      %add3A_493 = arith.addi %add3A_480, %add3A_492 : i32
      %min3A_494 = arith.constant 249 : i32
      %min3A_495 = arith.minsi %add3A_493, %min3A_494 : i32
      %dma_start3A_496 = arith.constant 40 : i32
      %dma_start3A_497 = arith.constant 0 : i32
      %dma_start3A_498 = tpu.memref_slice %arg11[%dma_start3A_496, %dma_start3A_497] : memref<200x128xf32, #tpu.memory_space<vmem>> -> memref<40x128xf32, #tpu.memory_space<vmem>>
      %dma_start3A_499 = arith.constant 0 : i32
      %dma_start3A_500 = tpu.memref_slice %arg9[%min3A_495, %dma_start3A_499] : memref<250x40xi32, #tpu.memory_space<vmem>> -> memref<1x40xi32, #tpu.memory_space<vmem>>
      %dma_start3A_501 = tpu.memref_squeeze %dma_start3A_500 : memref<1x40xi32, #tpu.memory_space<vmem>> -> memref<40xi32, #tpu.memory_space<vmem>>
      %dma_start3A_502 = arith.constant 0 : i32
      %dma_start3A_503 = arith.constant 0 : i32
      %dma_start3A_504 = tpu.memref_slice %arg2[%dma_start3A_502, %dma_start3A_503] : memref<10000x128xf32, #tpu.memory_space<hbm>> -> memref<10000x128xf32, #tpu.memory_space<hbm>>
      tpu.enqueue_indirect_dma source(%dma_start3A_504 : memref<10000x128xf32, #tpu.memory_space<hbm>>) target(%dma_start3A_498 : memref<40x128xf32, #tpu.memory_space<vmem>>) offsets(%dma_start3A_501 : memref<40xi32, #tpu.memory_space<vmem>>) semaphore(%arg13 : memref<!tpu.dma_semaphore, #tpu.memory_space<semaphore_mem>>)
      %dma_wait3A_505 = arith.constant 120 : i32
      %dma_wait3A_506 = arith.constant 0 : i32
      %dma_wait3A_507 = tpu.memref_slice %arg11[%dma_wait3A_505, %dma_wait3A_506] : memref<200x128xf32, #tpu.memory_space<vmem>> -> memref<40x128xf32, #tpu.memory_space<vmem>>
      %dma_wait3A_508 = arith.constant 0 : i32
      %dma_wait3A_509 = tpu.memref_slice %arg9[%add3A_480, %dma_wait3A_508] : memref<250x40xi32, #tpu.memory_space<vmem>> -> memref<1x40xi32, #tpu.memory_space<vmem>>
      %dma_wait3A_510 = tpu.memref_squeeze %dma_wait3A_509 : memref<1x40xi32, #tpu.memory_space<vmem>> -> memref<40xi32, #tpu.memory_space<vmem>>
      %dma_wait3A_511 = arith.constant 0 : i32
      %dma_wait3A_512 = arith.constant 0 : i32
      %dma_wait3A_513 = tpu.memref_slice %arg2[%dma_wait3A_511, %dma_wait3A_512] : memref<10000x128xf32, #tpu.memory_space<hbm>> -> memref<10000x128xf32, #tpu.memory_space<hbm>>
      tpu.wait_indirect_dma semaphore(%arg15 : memref<!tpu.dma_semaphore, #tpu.memory_space<semaphore_mem>>) src(%dma_wait3A_513 : memref<10000x128xf32, #tpu.memory_space<hbm>>) dst(%dma_wait3A_507 : memref<40x128xf32, #tpu.memory_space<vmem>>)
      %dma_start3A_514 = arith.constant 120 : i32
      %dma_start3A_515 = arith.constant 0 : i32
      %dma_start3A_516 = tpu.memref_slice %arg11[%dma_start3A_514, %dma_start3A_515] : memref<200x128xf32, #tpu.memory_space<vmem>> -> memref<40x128xf32, #tpu.memory_space<vmem>>
      %dma_start3A_517 = arith.constant 0 : i32
      %dma_start3A_518 = tpu.memref_slice %arg10[%add3A_480, %dma_start3A_517] : memref<250x40xi32, #tpu.memory_space<vmem>> -> memref<1x40xi32, #tpu.memory_space<vmem>>
      %dma_start3A_519 = tpu.memref_squeeze %dma_start3A_518 : memref<1x40xi32, #tpu.memory_space<vmem>> -> memref<40xi32, #tpu.memory_space<vmem>>
      %dma_start3A_520 = arith.constant 0 : i32
      %dma_start3A_521 = arith.constant 0 : i32
      %dma_start3A_522 = tpu.memref_slice %arg8[%dma_start3A_520, %dma_start3A_521] : memref<10240x128xf32, #tpu.memory_space<vmem_shared>> -> memref<10240x128xf32, #tpu.memory_space<vmem_shared>>
      tpu.enqueue_indirect_dma source(%dma_start3A_516 : memref<40x128xf32, #tpu.memory_space<vmem>>) target(%dma_start3A_522 : memref<10240x128xf32, #tpu.memory_space<vmem_shared>>) offsets(%dma_start3A_519 : memref<40xi32, #tpu.memory_space<vmem>>) semaphore(%arg20 : memref<!tpu.dma_semaphore, #tpu.memory_space<semaphore_mem>>) {add = true}
      %mul3A_523 = arith.constant 5 : i32
      %mul3A_524 = arith.muli %mul3A_523, %scan3A_340 : i32
      %add3A_525 = arith.constant 4 : i32
      %add3A_526 = arith.addi %mul3A_524, %add3A_525 : i32
      %sub3A_527 = arith.constant 2 : i32
      %sub3A_528 = arith.subi %add3A_526, %sub3A_527 : i32
      %dma_wait3A_529 = arith.constant 80 : i32
      %dma_wait3A_530 = arith.constant 0 : i32
      %dma_wait3A_531 = tpu.memref_slice %arg11[%dma_wait3A_529, %dma_wait3A_530] : memref<200x128xf32, #tpu.memory_space<vmem>> -> memref<40x128xf32, #tpu.memory_space<vmem>>
      %dma_wait3A_532 = arith.constant 0 : i32
      %dma_wait3A_533 = tpu.memref_slice %arg10[%sub3A_528, %dma_wait3A_532] : memref<250x40xi32, #tpu.memory_space<vmem>> -> memref<1x40xi32, #tpu.memory_space<vmem>>
      %dma_wait3A_534 = tpu.memref_squeeze %dma_wait3A_533 : memref<1x40xi32, #tpu.memory_space<vmem>> -> memref<40xi32, #tpu.memory_space<vmem>>
      %dma_wait3A_535 = arith.constant 0 : i32
      %dma_wait3A_536 = arith.constant 0 : i32
      %dma_wait3A_537 = tpu.memref_slice %arg8[%dma_wait3A_535, %dma_wait3A_536] : memref<10240x128xf32, #tpu.memory_space<vmem_shared>> -> memref<10240x128xf32, #tpu.memory_space<vmem_shared>>
      tpu.wait_indirect_dma semaphore(%arg19 : memref<!tpu.dma_semaphore, #tpu.memory_space<semaphore_mem>>) src(%dma_wait3A_531 : memref<40x128xf32, #tpu.memory_space<vmem>>) dst(%dma_wait3A_537 : memref<10240x128xf32, #tpu.memory_space<vmem_shared>>)
      %add3A_538 = arith.constant 3 : i32
      %add3A_539 = arith.addi %add3A_526, %add3A_538 : i32
      %min3A_540 = arith.constant 249 : i32
      %min3A_541 = arith.minsi %add3A_539, %min3A_540 : i32
      %dma_start3A_542 = arith.constant 80 : i32
      %dma_start3A_543 = arith.constant 0 : i32
      %dma_start3A_544 = tpu.memref_slice %arg11[%dma_start3A_542, %dma_start3A_543] : memref<200x128xf32, #tpu.memory_space<vmem>> -> memref<40x128xf32, #tpu.memory_space<vmem>>
      %dma_start3A_545 = arith.constant 0 : i32
      %dma_start3A_546 = tpu.memref_slice %arg9[%min3A_541, %dma_start3A_545] : memref<250x40xi32, #tpu.memory_space<vmem>> -> memref<1x40xi32, #tpu.memory_space<vmem>>
      %dma_start3A_547 = tpu.memref_squeeze %dma_start3A_546 : memref<1x40xi32, #tpu.memory_space<vmem>> -> memref<40xi32, #tpu.memory_space<vmem>>
      %dma_start3A_548 = arith.constant 0 : i32
      %dma_start3A_549 = arith.constant 0 : i32
      %dma_start3A_550 = tpu.memref_slice %arg2[%dma_start3A_548, %dma_start3A_549] : memref<10000x128xf32, #tpu.memory_space<hbm>> -> memref<10000x128xf32, #tpu.memory_space<hbm>>
      tpu.enqueue_indirect_dma source(%dma_start3A_550 : memref<10000x128xf32, #tpu.memory_space<hbm>>) target(%dma_start3A_544 : memref<40x128xf32, #tpu.memory_space<vmem>>) offsets(%dma_start3A_547 : memref<40xi32, #tpu.memory_space<vmem>>) semaphore(%arg14 : memref<!tpu.dma_semaphore, #tpu.memory_space<semaphore_mem>>)
      %dma_wait3A_551 = arith.constant 160 : i32
      %dma_wait3A_552 = arith.constant 0 : i32
      %dma_wait3A_553 = tpu.memref_slice %arg11[%dma_wait3A_551, %dma_wait3A_552] : memref<200x128xf32, #tpu.memory_space<vmem>> -> memref<40x128xf32, #tpu.memory_space<vmem>>
      %dma_wait3A_554 = arith.constant 0 : i32
      %dma_wait3A_555 = tpu.memref_slice %arg9[%add3A_526, %dma_wait3A_554] : memref<250x40xi32, #tpu.memory_space<vmem>> -> memref<1x40xi32, #tpu.memory_space<vmem>>
      %dma_wait3A_556 = tpu.memref_squeeze %dma_wait3A_555 : memref<1x40xi32, #tpu.memory_space<vmem>> -> memref<40xi32, #tpu.memory_space<vmem>>
      %dma_wait3A_557 = arith.constant 0 : i32
      %dma_wait3A_558 = arith.constant 0 : i32
      %dma_wait3A_559 = tpu.memref_slice %arg2[%dma_wait3A_557, %dma_wait3A_558] : memref<10000x128xf32, #tpu.memory_space<hbm>> -> memref<10000x128xf32, #tpu.memory_space<hbm>>
      tpu.wait_indirect_dma semaphore(%arg16 : memref<!tpu.dma_semaphore, #tpu.memory_space<semaphore_mem>>) src(%dma_wait3A_559 : memref<10000x128xf32, #tpu.memory_space<hbm>>) dst(%dma_wait3A_553 : memref<40x128xf32, #tpu.memory_space<vmem>>)
      %dma_start3A_560 = arith.constant 160 : i32
      %dma_start3A_561 = arith.constant 0 : i32
      %dma_start3A_562 = tpu.memref_slice %arg11[%dma_start3A_560, %dma_start3A_561] : memref<200x128xf32, #tpu.memory_space<vmem>> -> memref<40x128xf32, #tpu.memory_space<vmem>>
      %dma_start3A_563 = arith.constant 0 : i32
      %dma_start3A_564 = tpu.memref_slice %arg10[%add3A_526, %dma_start3A_563] : memref<250x40xi32, #tpu.memory_space<vmem>> -> memref<1x40xi32, #tpu.memory_space<vmem>>
      %dma_start3A_565 = tpu.memref_squeeze %dma_start3A_564 : memref<1x40xi32, #tpu.memory_space<vmem>> -> memref<40xi32, #tpu.memory_space<vmem>>
      %dma_start3A_566 = arith.constant 0 : i32
      %dma_start3A_567 = arith.constant 0 : i32
      %dma_start3A_568 = tpu.memref_slice %arg8[%dma_start3A_566, %dma_start3A_567] : memref<10240x128xf32, #tpu.memory_space<vmem_shared>> -> memref<10240x128xf32, #tpu.memory_space<vmem_shared>>
      tpu.enqueue_indirect_dma source(%dma_start3A_562 : memref<40x128xf32, #tpu.memory_space<vmem>>) target(%dma_start3A_568 : memref<10240x128xf32, #tpu.memory_space<vmem_shared>>) offsets(%dma_start3A_565 : memref<40xi32, #tpu.memory_space<vmem>>) semaphore(%arg21 : memref<!tpu.dma_semaphore, #tpu.memory_space<semaphore_mem>>) {add = true}
    }
    %scan3A_284 = arith.constant 49 : i32
    %dma_wait3A_285 = arith.constant 248 : i32
    %dma_wait3A_286 = arith.constant 120 : i32
    %dma_wait3A_287 = arith.constant 0 : i32
    %dma_wait3A_288 = tpu.memref_slice %arg11[%dma_wait3A_286, %dma_wait3A_287] : memref<200x128xf32, #tpu.memory_space<vmem>> -> memref<40x128xf32, #tpu.memory_space<vmem>>
    %dma_wait3A_289 = arith.constant 0 : i32
    %dma_wait3A_290 = tpu.memref_slice %arg10[%dma_wait3A_285, %dma_wait3A_289] : memref<250x40xi32, #tpu.memory_space<vmem>> -> memref<1x40xi32, #tpu.memory_space<vmem>>
    %dma_wait3A_291 = tpu.memref_squeeze %dma_wait3A_290 : memref<1x40xi32, #tpu.memory_space<vmem>> -> memref<40xi32, #tpu.memory_space<vmem>>
    %dma_wait3A_292 = arith.constant 0 : i32
    %dma_wait3A_293 = arith.constant 0 : i32
    %dma_wait3A_294 = tpu.memref_slice %arg8[%dma_wait3A_292, %dma_wait3A_293] : memref<10240x128xf32, #tpu.memory_space<vmem_shared>> -> memref<10240x128xf32, #tpu.memory_space<vmem_shared>>
    tpu.wait_indirect_dma semaphore(%arg20 : memref<!tpu.dma_semaphore, #tpu.memory_space<semaphore_mem>>) src(%dma_wait3A_288 : memref<40x128xf32, #tpu.memory_space<vmem>>) dst(%dma_wait3A_294 : memref<10240x128xf32, #tpu.memory_space<vmem_shared>>)
    %dma_wait3A_295 = arith.constant 249 : i32
    %dma_wait3A_296 = arith.constant 160 : i32
    %dma_wait3A_297 = arith.constant 0 : i32
    %dma_wait3A_298 = tpu.memref_slice %arg11[%dma_wait3A_296, %dma_wait3A_297] : memref<200x128xf32, #tpu.memory_space<vmem>> -> memref<40x128xf32, #tpu.memory_space<vmem>>
    %dma_wait3A_299 = arith.constant 0 : i32
    %dma_wait3A_300 = tpu.memref_slice %arg10[%dma_wait3A_295, %dma_wait3A_299] : memref<250x40xi32, #tpu.memory_space<vmem>> -> memref<1x40xi32, #tpu.memory_space<vmem>>
    %dma_wait3A_301 = tpu.memref_squeeze %dma_wait3A_300 : memref<1x40xi32, #tpu.memory_space<vmem>> -> memref<40xi32, #tpu.memory_space<vmem>>
    %dma_wait3A_302 = arith.constant 0 : i32
    %dma_wait3A_303 = arith.constant 0 : i32
    %dma_wait3A_304 = tpu.memref_slice %arg8[%dma_wait3A_302, %dma_wait3A_303] : memref<10240x128xf32, #tpu.memory_space<vmem_shared>> -> memref<10240x128xf32, #tpu.memory_space<vmem_shared>>
    tpu.wait_indirect_dma semaphore(%arg21 : memref<!tpu.dma_semaphore, #tpu.memory_space<semaphore_mem>>) src(%dma_wait3A_298 : memref<40x128xf32, #tpu.memory_space<vmem>>) dst(%dma_wait3A_304 : memref<10240x128xf32, #tpu.memory_space<vmem_shared>>)
    %dma_wait3A_305 = arith.constant 249 : i32
    %dma_wait3A_306 = arith.constant 0 : i32
    %dma_wait3A_307 = arith.constant 0 : i32
    %dma_wait3A_308 = tpu.memref_slice %arg11[%dma_wait3A_306, %dma_wait3A_307] : memref<200x128xf32, #tpu.memory_space<vmem>> -> memref<40x128xf32, #tpu.memory_space<vmem>>
    %dma_wait3A_309 = arith.constant 0 : i32
    %dma_wait3A_310 = tpu.memref_slice %arg9[%dma_wait3A_305, %dma_wait3A_309] : memref<250x40xi32, #tpu.memory_space<vmem>> -> memref<1x40xi32, #tpu.memory_space<vmem>>
    %dma_wait3A_311 = tpu.memref_squeeze %dma_wait3A_310 : memref<1x40xi32, #tpu.memory_space<vmem>> -> memref<40xi32, #tpu.memory_space<vmem>>
    %dma_wait3A_312 = arith.constant 0 : i32
    %dma_wait3A_313 = arith.constant 0 : i32
    %dma_wait3A_314 = tpu.memref_slice %arg2[%dma_wait3A_312, %dma_wait3A_313] : memref<10000x128xf32, #tpu.memory_space<hbm>> -> memref<10000x128xf32, #tpu.memory_space<hbm>>
    tpu.wait_indirect_dma semaphore(%arg12 : memref<!tpu.dma_semaphore, #tpu.memory_space<semaphore_mem>>) src(%dma_wait3A_314 : memref<10000x128xf32, #tpu.memory_space<hbm>>) dst(%dma_wait3A_308 : memref<40x128xf32, #tpu.memory_space<vmem>>)
    %dma_wait3A_315 = arith.constant 249 : i32
    %dma_wait3A_316 = arith.constant 40 : i32
    %dma_wait3A_317 = arith.constant 0 : i32
    %dma_wait3A_318 = tpu.memref_slice %arg11[%dma_wait3A_316, %dma_wait3A_317] : memref<200x128xf32, #tpu.memory_space<vmem>> -> memref<40x128xf32, #tpu.memory_space<vmem>>
    %dma_wait3A_319 = arith.constant 0 : i32
    %dma_wait3A_320 = tpu.memref_slice %arg9[%dma_wait3A_315, %dma_wait3A_319] : memref<250x40xi32, #tpu.memory_space<vmem>> -> memref<1x40xi32, #tpu.memory_space<vmem>>
    %dma_wait3A_321 = tpu.memref_squeeze %dma_wait3A_320 : memref<1x40xi32, #tpu.memory_space<vmem>> -> memref<40xi32, #tpu.memory_space<vmem>>
    %dma_wait3A_322 = arith.constant 0 : i32
    %dma_wait3A_323 = arith.constant 0 : i32
    %dma_wait3A_324 = tpu.memref_slice %arg2[%dma_wait3A_322, %dma_wait3A_323] : memref<10000x128xf32, #tpu.memory_space<hbm>> -> memref<10000x128xf32, #tpu.memory_space<hbm>>
    tpu.wait_indirect_dma semaphore(%arg13 : memref<!tpu.dma_semaphore, #tpu.memory_space<semaphore_mem>>) src(%dma_wait3A_324 : memref<10000x128xf32, #tpu.memory_space<hbm>>) dst(%dma_wait3A_318 : memref<40x128xf32, #tpu.memory_space<vmem>>)
    %dma_wait3A_325 = arith.constant 249 : i32
    %dma_wait3A_326 = arith.constant 80 : i32
    %dma_wait3A_327 = arith.constant 0 : i32
    %dma_wait3A_328 = tpu.memref_slice %arg11[%dma_wait3A_326, %dma_wait3A_327] : memref<200x128xf32, #tpu.memory_space<vmem>> -> memref<40x128xf32, #tpu.memory_space<vmem>>
    %dma_wait3A_329 = arith.constant 0 : i32
    %dma_wait3A_330 = tpu.memref_slice %arg9[%dma_wait3A_325, %dma_wait3A_329] : memref<250x40xi32, #tpu.memory_space<vmem>> -> memref<1x40xi32, #tpu.memory_space<vmem>>
    %dma_wait3A_331 = tpu.memref_squeeze %dma_wait3A_330 : memref<1x40xi32, #tpu.memory_space<vmem>> -> memref<40xi32, #tpu.memory_space<vmem>>
    %dma_wait3A_332 = arith.constant 0 : i32
    %dma_wait3A_333 = arith.constant 0 : i32
    %dma_wait3A_334 = tpu.memref_slice %arg2[%dma_wait3A_332, %dma_wait3A_333] : memref<10000x128xf32, #tpu.memory_space<hbm>> -> memref<10000x128xf32, #tpu.memory_space<hbm>>
    tpu.wait_indirect_dma semaphore(%arg14 : memref<!tpu.dma_semaphore, #tpu.memory_space<semaphore_mem>>) src(%dma_wait3A_334 : memref<10000x128xf32, #tpu.memory_space<hbm>>) dst(%dma_wait3A_328 : memref<40x128xf32, #tpu.memory_space<vmem>>)
    %barrier3A_335 = arith.constant 0 : index
    tpu.barrier barrier_id(%barrier3A_335)
    %mul3A_336 = arith.constant 640 : i32
    %mul3A_337 = arith.muli %arg1, %mul3A_336 : i32
    %mul3A_338 = arith.constant 640 : i32
    %mul3A_339 = arith.muli %arg1, %mul3A_338 : i32
    "tpu.region"() ({
      %run_scoped3A = tpu.sem_alloc : memref<!tpu.dma_semaphore, #tpu.memory_space<semaphore_mem>>
      %dma_start3A_340 = arith.constant 0 : i32
      %dma_start3A_341 = tpu.memref_slice %arg6[%arg0, %mul3A_339, %dma_start3A_340] : memref<2x10240x128xf32, #tpu.memory_space<hbm>> -> memref<1x640x128xf32, #tpu.memory_space<hbm>>
      %dma_start3A_342 = tpu.memref_squeeze %dma_start3A_341 : memref<1x640x128xf32, #tpu.memory_space<hbm>> -> memref<640x128xf32, #tpu.memory_space<hbm>>
      %dma_start3A_343 = arith.constant 0 : i32
      %dma_start3A_344 = tpu.memref_slice %arg8[%mul3A_337, %dma_start3A_343] : memref<10240x128xf32, #tpu.memory_space<vmem_shared>> -> memref<640x128xf32, #tpu.memory_space<vmem_shared>>
      tpu.enqueue_dma source(%dma_start3A_344 : memref<640x128xf32, #tpu.memory_space<vmem_shared>>) target(%dma_start3A_342 : memref<640x128xf32, #tpu.memory_space<hbm>>) target_semaphore(%run_scoped3A : memref<!tpu.dma_semaphore, #tpu.memory_space<semaphore_mem>>)
      %dma_wait3A_345 = arith.constant 0 : i32
      %dma_wait3A_346 = tpu.memref_slice %arg6[%arg0, %mul3A_339, %dma_wait3A_345] : memref<2x10240x128xf32, #tpu.memory_space<hbm>> -> memref<1x640x128xf32, #tpu.memory_space<hbm>>
      %dma_wait3A_347 = tpu.memref_squeeze %dma_wait3A_346 : memref<1x640x128xf32, #tpu.memory_space<hbm>> -> memref<640x128xf32, #tpu.memory_space<hbm>>
      %dma_wait3A_348 = arith.constant 0 : i32
      %dma_wait3A_349 = tpu.memref_slice %arg8[%mul3A_337, %dma_wait3A_348] : memref<10240x128xf32, #tpu.memory_space<vmem_shared>> -> memref<640x128xf32, #tpu.memory_space<vmem_shared>>
      tpu.wait_dma2 semaphore(%run_scoped3A : memref<!tpu.dma_semaphore, #tpu.memory_space<semaphore_mem>>) src(%dma_wait3A_349 : memref<640x128xf32, #tpu.memory_space<vmem_shared>>) dst(%dma_wait3A_347 : memref<640x128xf32, #tpu.memory_space<hbm>>)
      tpu.yield
    }) : () -> ()
    return
  }
}

module attributes {stable_mosaic.version = 14 : i64} {
  func.func @_affine_body(%arg0: i32, %arg1: memref<2x1024x128xf32, #tpu.memory_space<vmem>>, %arg2: memref<32x8x128xf32, #tpu.memory_space<vmem>>, %arg3: memref<128x128xf32, #tpu.memory_space<vmem>>, %arg4: memref<1x128xf32, #tpu.memory_space<vmem>>, %arg5: memref<1024x128xf32, #tpu.memory_space<vmem>>) attributes {dimension_semantics = [#tpu.dimension_semantics<arbitrary>], iteration_bounds = array<i64: 10>, scalar_prefetch = 0 : i64, scratch_operands = 0 : i64, tpu.core_type = #tpu.core_type<tc>, window_params = [{transform_indices = @transform_0, window_bounds = array<i64: 2, 1024, 128>}, {transform_indices = @transform_1, window_bounds = array<i64: 32, 8, 128>}, {pipeline_mode = #tpu.pipeline_mode<synchronous>, transform_indices = @transform_2, window_bounds = array<i64: 128, 128>}, {pipeline_mode = #tpu.pipeline_mode<synchronous>, transform_indices = @transform_3, window_bounds = array<i64: 1, 128>}, {transform_indices = @transform_4, window_bounds = array<i64: 1024, 128>}]} {
    %get3A = arith.constant 0 : index
    %get3A_0 = arith.constant 0 : index
    %get3A_1 = arith.constant 0 : index
    %get3A_2 = vector.load %arg1[%get3A, %get3A_0, %get3A_1] : memref<2x1024x128xf32, #tpu.memory_space<vmem>>, vector<1x1024x128xf32>
    %get3A_3 = vector.shape_cast %get3A_2 : vector<1x1024x128xf32> to vector<1024x128xf32>
    %get3A_4 = arith.constant 1 : index
    %get3A_5 = arith.constant 0 : index
    %get3A_6 = arith.constant 0 : index
    %get3A_7 = vector.load %arg1[%get3A_4, %get3A_5, %get3A_6] : memref<2x1024x128xf32, #tpu.memory_space<vmem>>, vector<1x1024x128xf32>
    %get3A_8 = vector.shape_cast %get3A_7 : vector<1x1024x128xf32> to vector<1024x128xf32>
    %add3A = arith.addf %get3A_3, %get3A_8 : vector<1024x128xf32>
    %get3A_9 = arith.constant 0 : index
    %get3A_10 = arith.constant 0 : index
    %get3A_11 = arith.constant 0 : index
    %get3A_12 = vector.load %arg2[%get3A_9, %get3A_10, %get3A_11] : memref<32x8x128xf32, #tpu.memory_space<vmem>>, vector<32x8x128xf32>
    %reduce_sum3A = arith.constant dense<0.000000e+00> : vector<8x128xf32>
    %reduce_sum3A_13 = vector.multi_reduction <add>, %get3A_12, %reduce_sum3A [0] : vector<32x8x128xf32> to vector<8x128xf32>
    %max3A = arith.constant 1.000000e+00 : f32
    %max3A_14 = vector.broadcast %max3A : f32 to vector<8x128xf32>
    %max3A_15 = arith.maximumf %reduce_sum3A_13, %max3A_14 : vector<8x128xf32>
    %iota3A = tpu.iota {dimensions = array<i32: 0>} : vector<1024x8xi32>
    %iota3A_16 = tpu.iota {dimensions = array<i32: 1>} : vector<1024x8xi32>
    %shift_right_arithmetic3A = arith.constant 7 : i32
    %shift_right_arithmetic3A_17 = vector.broadcast %shift_right_arithmetic3A : i32 to vector<1024x8xi32>
    %shift_right_arithmetic3A_18 = arith.shrsi %iota3A, %shift_right_arithmetic3A_17 : vector<1024x8xi32>
    %eq3A = arith.cmpi eq, %shift_right_arithmetic3A_18, %iota3A_16 : vector<1024x8xi32>
    %convert_element_type3A = arith.extui %eq3A : vector<1024x8xi1> to vector<1024x8xi32>
    %convert_element_type3A_19 = arith.sitofp %convert_element_type3A : vector<1024x8xi32> to vector<1024x8xf32>
    %dot_general3A = arith.constant dense<0.000000e+00> : vector<1024x128xf32>
    %dot_general3A_20 = tpu.matmul %convert_element_type3A_19, %max3A_15, %dot_general3A {dimension_numbers = #tpu.dot_dimension_numbers<[1], [0], [0], [1], [0, 0, 1, 1], [], []>, transpose_lhs_hint = false} : vector<1024x8xf32>, vector<8x128xf32>, vector<1024x128xf32> -> vector<1024x128xf32>
    %iota3A_21 = tpu.iota {dimensions = array<i32: 0>} : vector<1024x128xi32>
    %iota3A_22 = tpu.iota {dimensions = array<i32: 1>} : vector<1024x128xi32>
    %and3A = arith.constant 127 : i32
    %and3A_23 = vector.broadcast %and3A : i32 to vector<1024x128xi32>
    %and3A_24 = arith.andi %iota3A_21, %and3A_23 : vector<1024x128xi32>
    %eq3A_25 = arith.cmpi eq, %and3A_24, %iota3A_22 : vector<1024x128xi32>
    %jit3A = arith.constant 0.000000e+00 : f32
    %broadcast_in_dim3A = vector.broadcast %jit3A : f32 to vector<1024x128xf32>
    %select_n3A = arith.select %eq3A_25, %dot_general3A_20, %broadcast_in_dim3A : vector<1024x128xi1>, vector<1024x128xf32>
    %reduce_sum3A_26 = arith.constant dense<0.000000e+00> : vector<1024xf32>
    %reduce_sum3A_27 = vector.multi_reduction <add>, %select_n3A, %reduce_sum3A_26 [1] : vector<1024x128xf32> to vector<1024xf32>
    %broadcast_in_dim3A_28 = vector.shape_cast %reduce_sum3A_27 : vector<1024xf32> to vector<1024x1xf32>
    %div3A = vector.broadcast %broadcast_in_dim3A_28 : vector<1024x1xf32> to vector<1024x128xf32>
    %div3A_29 = arith.divf %add3A, %div3A : vector<1024x128xf32>
    %get3A_30 = arith.constant 0 : index
    %get3A_31 = arith.constant 0 : index
    %get3A_32 = vector.load %arg3[%get3A_30, %get3A_31] : memref<128x128xf32, #tpu.memory_space<vmem>>, vector<128x128xf32>
    %dot_general3A_33 = arith.constant dense<0.000000e+00> : vector<1024x128xf32>
    %dot_general3A_34 = tpu.matmul %div3A_29, %get3A_32, %dot_general3A_33 {dimension_numbers = #tpu.dot_dimension_numbers<[1], [0], [0], [1], [0, 0, 1, 1], [], []>, transpose_lhs_hint = false} : vector<1024x128xf32>, vector<128x128xf32>, vector<1024x128xf32> -> vector<1024x128xf32>
    %get3A_35 = arith.constant 0 : index
    %get3A_36 = arith.constant 0 : index
    %get3A_37 = vector.load %arg4[%get3A_35, %get3A_36] : memref<1x128xf32, #tpu.memory_space<vmem>>, vector<1x128xf32>
    %add3A_38 = vector.broadcast %get3A_37 : vector<1x128xf32> to vector<1024x128xf32>
    %add3A_39 = arith.addf %dot_general3A_34, %add3A_38 : vector<1024x128xf32>
    %max3A_40 = arith.constant 0.000000e+00 : f32
    %max3A_41 = vector.broadcast %max3A_40 : f32 to vector<1024x128xf32>
    %max3A_42 = arith.maximumf %add3A_39, %max3A_41 : vector<1024x128xf32>
    %swap3A = arith.constant 0 : index
    %swap3A_43 = arith.constant 0 : index
    %swap3A_44 = vector.load %arg5[%swap3A, %swap3A_43] : memref<1024x128xf32, #tpu.memory_space<vmem>>, vector<1024x128xf32>
    tpu.vector_store %arg5[%swap3A, %swap3A_43], %max3A_42 {strides = array<i32>} : memref<1024x128xf32, #tpu.memory_space<vmem>>, vector<1024x128xf32>,
    return
  }
  func.func @transform_0(%arg0: i32) -> (i32, i32, i32) {
    %c0_i32 = arith.constant 0 : i32
    %c0_i32_0 = arith.constant 0 : i32
    %c0_i32_1 = arith.constant 0 : i32
    return %c0_i32, %arg0, %c0_i32_0 : i32, i32, i32
  }
  func.func @transform_1(%arg0: i32) -> (i32, i32, i32) {
    %c0_i32 = arith.constant 0 : i32
    %c0_i32_0 = arith.constant 0 : i32
    %c0_i32_1 = arith.constant 0 : i32
    return %c0_i32, %arg0, %c0_i32_0 : i32, i32, i32
  }
  func.func @transform_2(%arg0: i32) -> (i32, i32) {
    %c0_i32 = arith.constant 0 : i32
    %c0_i32_0 = arith.constant 0 : i32
    %c0_i32_1 = arith.constant 0 : i32
    return %c0_i32, %c0_i32_0 : i32, i32
  }
  func.func @transform_3(%arg0: i32) -> (i32, i32) {
    %c0_i32 = arith.constant 0 : i32
    %c0_i32_0 = arith.constant 0 : i32
    %c0_i32_1 = arith.constant 0 : i32
    return %c0_i32, %c0_i32_0 : i32, i32
  }
  func.func @transform_4(%arg0: i32) -> (i32, i32) {
    %c0_i32 = arith.constant 0 : i32
    %c0_i32_0 = arith.constant 0 : i32
    return %arg0, %c0_i32 : i32, i32
  }
}

module attributes {stable_mosaic.version = 14 : i64} {
  func.func @_affine_body(%arg0: i32, %arg1: memref<2x1024x128xf32, #tpu.memory_space<vmem>>, %arg2: memref<32x8x128xf32, #tpu.memory_space<vmem>>, %arg3: memref<128x128xf32, #tpu.memory_space<vmem>>, %arg4: memref<1x128xf32, #tpu.memory_space<vmem>>, %arg5: memref<1024x128xf32, #tpu.memory_space<vmem>>) attributes {dimension_semantics = [#tpu.dimension_semantics<arbitrary>], iteration_bounds = array<i64: 10>, scalar_prefetch = 0 : i64, scratch_operands = 0 : i64, tpu.core_type = #tpu.core_type<tc>, window_params = [{transform_indices = @transform_0, window_bounds = array<i64: 2, 1024, 128>}, {transform_indices = @transform_1, window_bounds = array<i64: 32, 8, 128>}, {pipeline_mode = #tpu.pipeline_mode<synchronous>, transform_indices = @transform_2, window_bounds = array<i64: 128, 128>}, {pipeline_mode = #tpu.pipeline_mode<synchronous>, transform_indices = @transform_3, window_bounds = array<i64: 1, 128>}, {transform_indices = @transform_4, window_bounds = array<i64: 1024, 128>}]} {
    %get3A = arith.constant 0 : index
    %get3A_0 = arith.constant 0 : index
    %get3A_1 = arith.constant 0 : index
    %get3A_2 = vector.load %arg1[%get3A, %get3A_0, %get3A_1] : memref<2x1024x128xf32, #tpu.memory_space<vmem>>, vector<1x1024x128xf32>
    %get3A_3 = vector.shape_cast %get3A_2 : vector<1x1024x128xf32> to vector<1024x128xf32>
    %get3A_4 = arith.constant 1 : index
    %get3A_5 = arith.constant 0 : index
    %get3A_6 = arith.constant 0 : index
    %get3A_7 = vector.load %arg1[%get3A_4, %get3A_5, %get3A_6] : memref<2x1024x128xf32, #tpu.memory_space<vmem>>, vector<1x1024x128xf32>
    %get3A_8 = vector.shape_cast %get3A_7 : vector<1x1024x128xf32> to vector<1024x128xf32>
    %add3A = arith.addf %get3A_3, %get3A_8 : vector<1024x128xf32>
    %get3A_9 = arith.constant 0 : index
    %get3A_10 = arith.constant 0 : index
    %get3A_11 = arith.constant 0 : index
    %get3A_12 = vector.load %arg2[%get3A_9, %get3A_10, %get3A_11] : memref<32x8x128xf32, #tpu.memory_space<vmem>>, vector<32x8x128xf32>
    %reduce_sum3A = arith.constant dense<0.000000e+00> : vector<8x128xf32>
    %reduce_sum3A_13 = vector.multi_reduction <add>, %get3A_12, %reduce_sum3A [0] : vector<32x8x128xf32> to vector<8x128xf32>
    %max3A = arith.constant 1.000000e+00 : f32
    %max3A_14 = vector.broadcast %max3A : f32 to vector<8x128xf32>
    %max3A_15 = arith.maximumf %reduce_sum3A_13, %max3A_14 : vector<8x128xf32>
    %iota3A = tpu.iota {dimensions = array<i32: 0>} : vector<1024x8xi32>
    %iota3A_16 = tpu.iota {dimensions = array<i32: 1>} : vector<1024x8xi32>
    %shift_right_arithmetic3A = arith.constant 7 : i32
    %shift_right_arithmetic3A_17 = vector.broadcast %shift_right_arithmetic3A : i32 to vector<1024x8xi32>
    %shift_right_arithmetic3A_18 = arith.shrsi %iota3A, %shift_right_arithmetic3A_17 : vector<1024x8xi32>
    %eq3A = arith.cmpi eq, %shift_right_arithmetic3A_18, %iota3A_16 : vector<1024x8xi32>
    %convert_element_type3A = arith.extui %eq3A : vector<1024x8xi1> to vector<1024x8xi32>
    %convert_element_type3A_19 = arith.sitofp %convert_element_type3A : vector<1024x8xi32> to vector<1024x8xf32>
    %dot_general3A = arith.constant dense<0.000000e+00> : vector<1024x128xf32>
    %dot_general3A_20 = tpu.matmul %convert_element_type3A_19, %max3A_15, %dot_general3A {dimension_numbers = #tpu.dot_dimension_numbers<[1], [0], [0], [1], [0, 0, 1, 1], [], []>, transpose_lhs_hint = false} : vector<1024x8xf32>, vector<8x128xf32>, vector<1024x128xf32> -> vector<1024x128xf32>
    %iota3A_21 = tpu.iota {dimensions = array<i32: 0>} : vector<1024x128xi32>
    %iota3A_22 = tpu.iota {dimensions = array<i32: 1>} : vector<1024x128xi32>
    %and3A = arith.constant 127 : i32
    %and3A_23 = vector.broadcast %and3A : i32 to vector<1024x128xi32>
    %and3A_24 = arith.andi %iota3A_21, %and3A_23 : vector<1024x128xi32>
    %eq3A_25 = arith.cmpi eq, %and3A_24, %iota3A_22 : vector<1024x128xi32>
    %jit3A = arith.constant 0.000000e+00 : f32
    %broadcast_in_dim3A = vector.broadcast %jit3A : f32 to vector<1024x128xf32>
    %select_n3A = arith.select %eq3A_25, %dot_general3A_20, %broadcast_in_dim3A : vector<1024x128xi1>, vector<1024x128xf32>
    %reduce_sum3A_26 = arith.constant dense<0.000000e+00> : vector<1024xf32>
    %reduce_sum3A_27 = vector.multi_reduction <add>, %select_n3A, %reduce_sum3A_26 [1] : vector<1024x128xf32> to vector<1024xf32>
    %broadcast_in_dim3A_28 = vector.shape_cast %reduce_sum3A_27 : vector<1024xf32> to vector<1024x1xf32>
    %div3A = vector.broadcast %broadcast_in_dim3A_28 : vector<1024x1xf32> to vector<1024x128xf32>
    %div3A_29 = arith.divf %add3A, %div3A : vector<1024x128xf32>
    %get3A_30 = arith.constant 0 : index
    %get3A_31 = arith.constant 0 : index
    %get3A_32 = vector.load %arg3[%get3A_30, %get3A_31] : memref<128x128xf32, #tpu.memory_space<vmem>>, vector<128x128xf32>
    %dot_general3A_33 = arith.constant dense<0.000000e+00> : vector<1024x128xf32>
    %dot_general3A_34 = tpu.matmul %div3A_29, %get3A_32, %dot_general3A_33 {dimension_numbers = #tpu.dot_dimension_numbers<[1], [0], [0], [1], [0, 0, 1, 1], [], []>, transpose_lhs_hint = false} : vector<1024x128xf32>, vector<128x128xf32>, vector<1024x128xf32> -> vector<1024x128xf32>
    %get3A_35 = arith.constant 0 : index
    %get3A_36 = arith.constant 0 : index
    %get3A_37 = vector.load %arg4[%get3A_35, %get3A_36] : memref<1x128xf32, #tpu.memory_space<vmem>>, vector<1x128xf32>
    %add3A_38 = vector.broadcast %get3A_37 : vector<1x128xf32> to vector<1024x128xf32>
    %add3A_39 = arith.addf %dot_general3A_34, %add3A_38 : vector<1024x128xf32>
    %swap3A = arith.constant 0 : index
    %swap3A_40 = arith.constant 0 : index
    %swap3A_41 = vector.load %arg5[%swap3A, %swap3A_40] : memref<1024x128xf32, #tpu.memory_space<vmem>>, vector<1024x128xf32>
    tpu.vector_store %arg5[%swap3A, %swap3A_40], %add3A_39 {strides = array<i32>} : memref<1024x128xf32, #tpu.memory_space<vmem>>, vector<1024x128xf32>,
    return
  }
  func.func @transform_0(%arg0: i32) -> (i32, i32, i32) {
    %c0_i32 = arith.constant 0 : i32
    %c0_i32_0 = arith.constant 0 : i32
    %c0_i32_1 = arith.constant 0 : i32
    return %c0_i32, %arg0, %c0_i32_0 : i32, i32, i32
  }
  func.func @transform_1(%arg0: i32) -> (i32, i32, i32) {
    %c0_i32 = arith.constant 0 : i32
    %c0_i32_0 = arith.constant 0 : i32
    %c0_i32_1 = arith.constant 0 : i32
    return %c0_i32, %arg0, %c0_i32_0 : i32, i32, i32
  }
  func.func @transform_2(%arg0: i32) -> (i32, i32) {
    %c0_i32 = arith.constant 0 : i32
    %c0_i32_0 = arith.constant 0 : i32
    %c0_i32_1 = arith.constant 0 : i32
    return %c0_i32, %c0_i32_0 : i32, i32
  }
  func.func @transform_3(%arg0: i32) -> (i32, i32) {
    %c0_i32 = arith.constant 0 : i32
    %c0_i32_0 = arith.constant 0 : i32
    %c0_i32_1 = arith.constant 0 : i32
    return %c0_i32, %c0_i32_0 : i32, i32
  }
  func.func @transform_4(%arg0: i32) -> (i32, i32) {
    %c0_i32 = arith.constant 0 : i32
    %c0_i32_0 = arith.constant 0 : i32
    return %arg0, %c0_i32 : i32, i32
  }
}

</mosaic_0001>

<sc_bundles>
// kernel: kernel.6.cloned.1.call-start
scs
__scs_entry_jumppad:
0x0: {  	(pc) =	sbr.rel $0x88, $3  }
0x1: {  	(tag) =	ssettag $0x0;
	lr =	simm.s32 $0x1  }
0x2: {  	[smem:$0x3F9B] =	sst lr;
	_ =	strace $0xD0000000  }
0x3: {  	_ = 	snop  }
0x4: {  	_ = 	snop  }
0x5: {  	_ = 	snop  }
0x6: {  	_ = 	snop  }
0x7: {  	_ = 	snop  }
__scs_overlays_trampoline_lowered:
0x8: {  	[smem:$0x3FAA] =	sst s0  }
0x9: {  	[smem:$0x3FAB] =	sst s1  }
0xa: {  	[smem:$0x3FAC] =	sst s2  }
0xb: {  	[smem:$0x3FAD] =	sst s3  }
0xc: {  	[smem:$0x3FAE] =	sst s4  }
0xd: {  	[smem:$0x3FAF] =	sst s5  }
0xe: {  	[smem:$0x3FB0] =	sst s6  }
0xf: {  	[smem:$0x3FB1] =	sst s7  }
0x10: {  	[smem:$0x3FB2] =	sst s8  }
0x11: {  	[smem:$0x3FB3] =	sst s9;
	s0 =	simm.s32 @!p0 $0x0  }
0x12: {  	s1 =	sld [smem:$0x3F99];
	s0 =	simm.s32 @p0 $0x1  }
0x13: {  	[smem:$0x3FB4] =	sst s0;
	s0 =	simm.s32 @!p1 $0x0  }
0x14: {  	s2 =	sld [smem:$0x3F98];
	s0 =	simm.s32 @p1 $0x1  }
0x15: {  	[smem:$0x3FB5] =	sst s0;
	s0 =	simm.s32 @!p2 $0x0  }
0x16: {  	s3 =	sld [smem:$0x3FDB];
	s0 =	simm.s32 @p2 $0x1  }
0x17: {  	s4 =	simm.s32 $0x1BF5;
	[smem:$0x3FB7] =	sst s0  }
0x18: {  	s0 =	sld [smem:$0x3F9A];
	_ =	swait.ge [sflag:s4], $0x0  }
0x19: {  	s7 =	sld [smem:$0x3F9B]  }
0x1a: {  	s8 =	sadd.s32 $0xFFFFE003, lr  }
0x1b: {  	s9 =	sadd.s32 $0xFFFFFEF7, lr;
	s5 =	simm.s32 $0xFFFFFFFF;
	p2 =	slt.u32 s8, $0xFFFFF086  }
0x1c: {  	p1 =	slt.u32 s9, $0xF7A;
	s5 =	simm.s32 @!p2 $0x0  }
0x1d: {  	s5 =	simm.s32 @p1 $0x1;
	p0 =	seq.s32 s7, s2  }
0x1e: {  	s7 =	smul.u32 @!p0 $0xF7A, s2;
	p2 =	seq.s32 @!p0 s5, $0x0  }
0x1f: {  	s9 =	smul.u32 $0xF7A, s1;
	s8 =	simm.s32 @!p0 $0x1BF5;
	p2 =	por !p2, p0  }
0x20: {  	[sflag:s8] =	ssyncset.s32 @!p0 $0xFFFFF086;
	s6 =	sadd.s32 @!p0 s3, s7;
	s7 =	simm.s32 @!p0 $0x108  }
0x21: {  	s3 =	sadd.s32 s3, s9;
	s6 =	sadd.s32 @!p0 $0x88, s6;
	s7 =	simm.s32 @p2 $0x1082  }
0x22: {  	[simem:s7], [sflag:s8] =	dma.local @!p0 [hbm:s6], $0xF7A  }
0x23: {  	s9 =	sor.u32 $0xD0000000, s2;
	s6 =	simm.s32 $0x108;
	_ =	swait.ge @!p0 [sflag:s8], $0x0  }
0x24: {  	s3 =	sadd.s32 $0x88, s3;
	s6 =	simm.s32 @!p1 $0x1082;
	[sflag:s4] =	ssyncset.s32 $0xFFFFF086  }
0x25: {  	[simem:s6], [sflag:s4] =	dma.local [hbm:s3], $0xF7A  }
0x26: {  	[smem:$0x3F9B] =	sst s1;
	(tag) =	ssettag s2;
	_ =	strace s9  }
0x27: {  	s1 =	sld [smem:$0x3FAB]  }
0x28: {  	s2 =	sld [smem:$0x3FAC]  }
0x29: {  	s4 =	sld [smem:$0x3FAE]  }
0x2a: {  	p0 =	seq.s32 s5, $0x0;
	s5 =	sld [smem:$0x3FAF]  }
0x2b: {  	s6 =	sld [smem:$0x3FB0]  }
0x2c: {  	s7 =	sld [smem:$0x3FB1]  }
0x2d: {  	s3 =	simm.s32 $0x108;
	s8 =	sld [smem:$0x3FB2]  }
0x2e: {  	s3 =	simm.s32 @!p0 $0x1082;
	s9 =	sld [smem:$0x3FB3]  }
0x2f: {  	lr =	sadd.s32 s0, s3;
	s0 =	sld [smem:$0x3FAA]  }
0x30: {  	s3 =	sld [smem:$0x3FAD]  }
0x31: {  	[smem:$0x3FB6] =	sst s10  }
0x32: {  	s10 =	sld [smem:$0x3FB4];
	_ =	sdelay $0x3  }
0x33: {  	p0 =	seq.s32 s10, $0x1;
	s10 =	sld [smem:$0x3FB6];
	_ =	sdelay $0x3  }
0x34: {  	[smem:$0x3FB6] =	sst s10  }
0x35: {  	s10 =	sld [smem:$0x3FB5];
	_ =	sdelay $0x3  }
0x36: {  	p1 =	seq.s32 s10, $0x1;
	s10 =	sld [smem:$0x3FB6];
	_ =	sdelay $0x3  }
0x37: {  	[smem:$0x3FB6] =	sst s10  }
0x38: {  	s10 =	sld [smem:$0x3FB7]  }
0x39: {  	_ = 	snop;
	(pc) =	sbr.ind lr, $3  }
0x3a: {  	_ = 	snop  }
0x3b: {  	_ = 	snop  }
0x3c: {  	p2 =	seq.s32 s10, $0x1;
	s10 =	sld [smem:$0x3FB6]  }
0x3d: {  	_ =	shalt  }
0x3e: {  	_ =	shalt  }
0x3f: {  	_ =	shalt  }
0x40: {  	_ =	shalt  }
0x41: {  	_ =	shalt  }
0x42: {  	_ =	shalt  }
0x43: {  	_ =	shalt  }
0x44: {  	_ =	shalt  }
0x45: {  	_ =	shalt  }
0x46: {  	_ =	shalt  }
0x47: {  	_ =	shalt  }
0x48: {  	_ =	shalt  }
0x49: {  	_ =	shalt  }
0x4a: {  	_ =	shalt  }
0x4b: {  	_ =	shalt  }
0x4c: {  	_ =	shalt  }
0x4d: {  	_ =	shalt  }
0x4e: {  	_ =	shalt  }
0x4f: {  	_ =	shalt  }
0x50: {  	_ =	shalt  }
0x51: {  	_ =	shalt  }
0x52: {  	_ =	shalt  }
0x53: {  	_ =	shalt  }
0x54: {  	_ =	shalt  }
0x55: {  	_ =	shalt  }
0x56: {  	_ =	shalt  }
0x57: {  	_ =	shalt  }
0x58: {  	_ =	shalt  }
0x59: {  	_ =	shalt  }
0x5a: {  	_ =	shalt  }
0x5b: {  	_ =	shalt  }
0x5c: {  	_ =	shalt  }
0x5d: {  	_ =	shalt  }
0x5e: {  	_ =	shalt  }
0x5f: {  	_ =	shalt  }
0x60: {  	_ =	shalt  }
0x61: {  	_ =	shalt  }
0x62: {  	_ =	shalt  }
0x63: {  	_ =	shalt  }
0x64: {  	_ =	shalt  }
0x65: {  	_ =	shalt  }
0x66: {  	_ =	shalt  }
0x67: {  	_ =	shalt  }
0x68: {  	_ =	shalt  }
0x69: {  	_ =	shalt  }
0x6a: {  	_ =	shalt  }
0x6b: {  	_ =	shalt  }
0x6c: {  	_ =	shalt  }
0x6d: {  	_ =	shalt  }
0x6e: {  	_ =	shalt  }
0x6f: {  	_ =	shalt  }
0x70: {  	_ =	shalt  }
0x71: {  	_ =	shalt  }
0x72: {  	_ =	shalt  }
0x73: {  	_ =	shalt  }
0x74: {  	_ =	shalt  }
0x75: {  	_ =	shalt  }
0x76: {  	_ =	shalt  }
0x77: {  	_ =	shalt  }
0x78: {  	_ =	shalt  }
0x79: {  	_ =	shalt  }
0x7a: {  	_ =	shalt  }
0x7b: {  	_ =	shalt  }
0x7c: {  	_ =	shalt  }
0x7d: {  	_ =	shalt  }
0x7e: {  	_ =	shalt  }
0x7f: {  	_ =	shalt  }
0x80: {  	_ =	shalt  }
0x81: {  	_ =	shalt  }
0x82: {  	_ =	shalt  }
0x83: {  	_ =	shalt  }
0x84: {  	_ =	shalt  }
0x85: {  	_ =	shalt  }
0x86: {  	_ =	shalt  }
0x87: {  	_ =	shalt  }
.Lfunc_end0:
.L_simem_size_0:
called_computation_lowered:
.L_overlay_start_0:
0x88: {  	s2 =	sld [smem:$0x3FD9]  }
0x89: {  	s3 =	sld [smem:$0x3FFE];
	_ =	sdelay $0x1  }
0x8a: {  	s1 =	srdreg.scid  }
0x8b: {  	s0 =	sand.u32 $0x1, s1  }
0x8c: {  	s17 =	sshll.u32 s0, $0xA;
	s2 =	sadd.s32 s3, s2  }
0x8d: {  	s2 =	sadd.s32 s2, s17  }
0x8e: {  	[smem:$0x3FC2] =	sst s2  }
0x8f: {  	_ = 	snop  }
0x90: {  	s2 =	sld [smem:$0x3FC9]  }
0x91: {  	s18 =	sld [smem:$0x3FD0];
	(tm) =	ssettm $0x1  }
0x92: {  	s4 =	sld [smem:$0x3FFB];
	_ =	sdelay $0x3  }
0x93: {  	_ =	strace s4  }
0x94: {  	s4 =	sld [smem:$0x3FFC];
	_ =	sdelay $0x3  }
0x95: {  	_ =	strace s4  }
0x96: {  	s4 =	sld [smem:$0x3FFD];
	_ =	sdelay $0x3  }
0x97: {  	_ =	strace s4  }
0x98: {  	_ =	strace $0x8FFFFFFF  }
0x99: {  	s19 =	sld [smem:$0x3FDB];
	_ =	sdelay $0x1  }
0x9a: {  	s5 =	simm.s32 $_scs_section_size  }
0x9b: {  	s6 =	simm.s32 $_size__tile_overlayer_lowered;
	s7 =	simm.s32 $_tile_overlayer_lowered  }
0x9c: {  	s22 =	simm.s32 $0x1BFF;
	s21 =	sshll.u32 s7, $0x1;
	s4 =	sadd.s32 s5, s19  }
0x9d: {  	s8 =	simm.s32 $0x0;
	s20 =	sshll.u32 s6, $0x1;
	s6 =	sadd.s32 s21, s4  }
0x9e: {  	[timem:s8], [sflag:s22] =	dma.local [hbm:s6], s20  }
0x9f: {  	_ =	swait.ge [sflag:s22], s20  }
0xa0: {  	s5 =	ssub.s32 $0x0, s20;
	[sflag:s22] =	ssyncset.done $0x0  }
0xa1: {  	[sflag:s22] =	ssyncadd.s32 s5;
	_ =	sdelay $0x1  }
0xa2: {  	s23 =	simm.s32 $0x1B8B  }
0xa3: {  	_ =	swait.ge [sflag:s23], $0x1  }
0xa4: {  	[sflag:s23] =	ssyncset.done $0x0  }
0xa5: {  	s25 =	simm.s32 $0x1B8E;
	s24 =	sld [smem:$0x3FFE];
	[sflag:s23] =	ssyncadd.s32 $0xFFFFFFFF  }
0xa6: {  	s26 =	simm.s32 $execute0_lowered;
	[smem:$0x3FD2] =	sst s25  }
0xa7: {  	s6 =	sshll.u32 s26, $0x1;
	_ =	strace $0x80000046;
	[dreg:$0x1] =	wrdreg $0xFFFFFFFF  }
0xa8: {  	s28 =	simm.s32 $_size_execute0_lowered;
	s4 =	sadd.s32 s4, s6;
	[dreg:$0x0] =	wrdreg $0x0  }
0xa9: {  	s6 =	sshll.u32 s28, $0x1;
	[dreg:$0x2] =	wrdreg s4  }
0xaa: {  	[dreg:$0x3] =	wrdreg s6  }
0xab: {  	[dreg:$0x4] =	wrdreg $0xC0  }
0xac: {  	_ =	task [dreg:s8], $0x5FFFF  }
0xad: {  	[dreg:$0x1] =	wrdreg $0xFFFFFFFF  }
0xae: {  	[dreg:$0x0] =	wrdreg $0x60  }
0xaf: {  	[dreg:$0x2] =	wrdreg s2  }
0xb0: {  	[dreg:$0x3] =	wrdreg s24  }
0xb1: {  	[dreg:$0x4] =	wrdreg s18  }
0xb2: {  	[dreg:$0x5] =	wrdreg $0x0  }
0xb3: {  	[dreg:$0x6] =	wrdreg $0x9  }
0xb4: {  	_ =	task.clear_ibuf [dreg:s8], $0x7FFFF;
	_ =	strace $0x90000046  }
0xb5: {  	s29 =	simm.s32 $0x9;
	_ =	strace $0x80000048  }
0xb6: {  	_ =	swait.ge [sflag:s29], $0x1  }
0xb7: {  	[sflag:s29] =	ssyncadd.s32 $0xFFFFFFFF  }
0xb8: {  	_ =	strace $0x90000048  }
0xb9: {  	_ =	sfence  }
0xba: {  	s30 =	sld [smem:$0x0];
	_ =	sdelay $0x2  }
0xbb: {  	s31 =	sshll.u32 s1, $0xD;
	s1 =	sshrl.u32 s1, $0x2  }
0xbc: {  	s3 =	sand.u32 $0x4000, s31;
	s1 =	sadd.s32 s1, s30  }
0xbd: {  	s0 =	sor.u32 s3, s0;
	s1 =	sshll.u32 s1, $0x11  }
0xbe: {  	s0 =	sor.u32 s1, s0  }
0xbf: {  	s0 =	sadd.s32 $0x8F2B, s0  }
0xc0: {  	[sflag:s0] =	ssyncadd.remote.s32 $0x1  }
0xc1: {  	_ =	sfence.sel $0xFFFF  }
0xc2: {  	[dreg:$0x0] =	wrdreg $0xFFFFFFFF;
	(pc) =	sbr.abs _section_cstart, $3  }
0xc3: {  	[dreg:$0x1] =	wrdreg $0xFFFFFFFF  }
0xc4: {  	_ =	task.clear_ibuf [dreg:s8], $0x2FFFF;
	_ =	strace $0x9FFFFFFF  }
0xc5: {  	(tm) =	ssettm $0x7FFFFFFF  }
tec
execute0_lowered:
.L_overlay_start_1:
0x0: {  	(tag) =	ssettag $0x1  }
0x1: {  	s1 =	rddreg [dreg:$0x0]  }
0x2: {  	s0 =	rddreg [dreg:$0x1]  }
0x3: {  	s2 =	rddreg [dreg:$0x2]  }
0x4: {  	s3 =	rddreg [dreg:$0x3]  }
0x5: {  	s4 =	srdreg.scid;
	s11 =	stileid.u32  }
0x6: {  	s16 =	simm.s32 $0x6;
	s17 =	simm.s32 $0x28;
	s18 =	simm.s32 $0x18E20  }
0x7: {  	s20 =	simm.s32 $0x1A220;
	s22 =	simm.s32 $0x1B620;
	s28 =	simm.s32 $0xB  }
0x8: {  	s29 =	simm.s32 $0x1;
	s31 =	simm.s32 $0x2;
	s19 =	simm.s32 $0x1DE20  }
0x9: {  	s30 =	simm.s32 $0x3;
	s21 =	simm.s32 $0x4;
	s13 =	simm.s32 $0x166E8  }
0xa: {  	s14 =	simm.s32 $0x0;
	s5 =	sand.u32 $0x1, s4;
	s6 =	sshll.u32 s11, $0x1  }
0xb: {  	s7 =	smul.u32 $0x14000, s11;
	s4 =	simm.s32 $0x0;
	s6 =	sor.u32 s5, s6  }
0xc: {  	s8 =	smul.u32 $0x140000, s5;
	[smem:$0x7FF] =	sst s4;
	s10 =	ssub.s32 $0x2, s5  }
0xd: {  	s5 =	sadd.s32 $0x16000, s0;
	s9 =	smul.u32 $0x4E2, s6;
	_ =	strace $0x80000047  }
0xe: {  	s23 =	sshrl.u32 s10, $0x1;
	s6 =	smul.u32 $0x500, s6;
	s8 =	sadd.s32 s7, s8  }
0xf: {  	s10 =	ssub.s32 s10, s23;
	s7 =	sadd.s32 s7, s3;
	s23 =	simm.s32 $0x1CA20  }
0x10: {  	s9 =	sadd.s32 s9, s0;
	s8 =	sshrl.u32 s8, $0x3;
	s2 =	sadd.s32 s2, s6  }
0x11: {  	s12 =	smax.u32 s10, $0x1;
	s15 =	sshrl.u32 s7, $0x3;
	s6 =	simm.s32 $0x9  }
0x12: {  	s7 =	simm.s32 $0xA;
	s0 =	sadd.s32 s8, s0;
	s24 =	sadd.s32 $0x2400, s9  }
0x13: {  	s25 =	sadd.s32 $0xC200, s9;
	s8 =	sshll.u32 s11, $0x6;
	[dreg:$0x8] =	wrdreg s2  }
0x14: {  	s11 =	simm.s32 $0x16710;
	s2 =	simm.s32 $0x8;
	[dreg:$0x5] =	wrdreg s24  }
0x15: {  	[dreg:$0x6] =	wrdreg s25;
	s26 =	sor.u32 $0x1C0B, s8;
	s0 =	sadd.s32 $0x18800, s0  }
0x16: {  	s24 =	simm.s32 $0x7;
	s25 =	simm.s32 $0xC;
	[dreg:$0x7] =	wrdreg s26  }
0x17: {  	v0 =	vimm.f32 $1.000000000e+00;
	vm0 =	vcmask $0x3F20;
	[dreg:$0x9] =	wrdreg s0;
	s26 =	simm.s32 $0xD;
	s0 =	simm.s32 $0x5  }
.LBB2_1:
0x18: {  	s9 =	rddreg [dreg:$0x5];
	s10 =	simm.s32 $0x14000  }
0x19: {  	[tilespmem:s10], [sflag:$0x6] =	stream.linear.gather [hbm4b:s9+s4], $0x2710, $0x38;
	[tilespmem:$0x1F220] =	vst v63  }
0x1a: {  	s9 =	rddreg [dreg:$0x6]  }
0x1b: {  	[tilespmem:s11], [sflag:$0x7] =	stream.linear.gather [hbm4b:s9+s4], $0x2710, $0x38;
	[tilespmem:$0x1F220] =	vst v63  }
0x1c: {  	s9 =	rddreg [dreg:$0x7]  }
0x1d: {  	[spmem:s15], [sflag:s9] =	dma.local [hbm:s5], $0x2800  }
0x1e: {  	_ =	swait.ge [sflag:s16], $0x2710  }
0x1f: {  	[sflag:s16] =	ssyncset.done $0x0  }
0x20: {  	[sflag:s16] =	ssyncadd.s32 $0xFFFFD8F0  }
0x21: {  	[tilespmem:s18], [sflag:$0x1] =	stream.indirect.gather [hbm4b:s1+s17], $0x80, s10, s17, $0xb8;
	[tilespmem:$0x1F220] =	vst v63  }
0x22: {  	s10 =	simm.s32 $0x14028  }
0x23: {  	[tilespmem:s20], [sflag:$0x2] =	stream.indirect.gather [hbm4b:s1+s17], $0x80, s10, s17, $0xb8;
	[tilespmem:$0x1F220] =	vst v63  }
0x24: {  	s10 =	simm.s32 $0x14050  }
0x25: {  	[tilespmem:s22], [sflag:$0x3] =	stream.indirect.gather [hbm4b:s1+s17], $0x80, s10, s17, $0xb8;
	[tilespmem:$0x1F220] =	vst v63  }
0x26: {  	_ = 	snop  }
0x27: {  	[tilespmem:s23], [sflag:$0xC] =	stream.linear.gather [hbm4b:s5+s4], $0x2800, $0x38;
	[tilespmem:$0x1F220] =	vst v63  }
0x28: {  	_ =	swait.ge [sflag:s24], $0x2710  }
0x29: {  	[sflag:s24] =	ssyncset.done $0x0  }
0x2a: {  	[sflag:s24] =	ssyncadd.s32 $0xFFFFD8F0  }
0x2b: {  	_ =	swait.ge [sflag:s25], $0x2800  }
0x2c: {  	[sflag:s25] =	ssyncset.done $0x0  }
0x2d: {  	s9 =	simm.s32 $0x0;
	[sflag:s25] =	ssyncadd.s32 $0xFFFFD800  }
.LBB2_2:
0x2e: {  	s10 =	sshra.s32 s9, $0x2  }
0x2f: {  	v1 =	vld [tilespmem:s10+$0x16710];
	_ =	sdelay $0x4  }
0x30: {  	v1 =	vadd.s32 $0x3C00, v1;
	_ =	sdelay $0x4  }
0x31: {  	[tilespmem:v1+s18+$0x0] =	vst.idx.add.f32.msk $0xffff, v0  }
0x32: {  	v1 =	vld [tilespmem:s10+$0x16720];
	_ =	sdelay $0x4  }
0x33: {  	v1 =	vadd.s32 $0x3C00, v1;
	_ =	sdelay $0x4  }
0x34: {  	[tilespmem:v1+s18+$0x0] =	vst.idx.add.f32.msk $0xffff, v0  }
0x35: {  	v1 =	vld [tilespmem:s10+$0x16728];
	_ =	sdelay $0x4  }
0x36: {  	p0 =	sne.s32 s9, $0x9BA0;
	v1 =	vadd.s32 $0x3C00, v1  }
.Ltmp0:
0x37: {  	_ = 	snop;
	(pc) =	sbr.rel @p0 .LBB2_2-.Ltmp0, $2  }
0x38: {  	_ =	sdelay $0x2  }
0x39: {  	s9 =	sadd.s32 $0xA0, s9;
	[tilespmem:v1+s18+$0x0] =	vst.idx.add.f32.msk vm0, v0  }
0x3a: {  	s9 =	simm.s32 $0x0;
	s10 =	rddreg [dreg:$0x8]  }
0x3b: {  	[hbm4b:s10+s9] =	stream.linear.scatter [tilespmem:s23], [sflag:$0xD], $0x2800, $0x38;
	[tilespmem:$0x1F220] =	vst v63  }
0x3c: {  	_ =	swait.ge [sflag:s26], $0x2800  }
0x3d: {  	[sflag:s26] =	ssyncset.done $0x0  }
0x3e: {  	[sflag:s26] =	ssyncadd.s32 $0xFFFFD800  }
0x3f: {  	_ =	swait.ge [sflag:s28], $0x2800  }
0x40: {  	[sflag:s28] =	ssyncset.done $0x0  }
0x41: {  	[sflag:s28] =	ssyncadd.s32 $0xFFFFD800  }
0x42: {  	[bflag:$0x0] =	sbarrier.arrive $0xFFFF  }
0x43: {  	_ =	swait.ge [sflag:s29], $0x1400  }
0x44: {  	[sflag:s29] =	ssyncset.done $0x0  }
0x45: {  	[sflag:s29] =	ssyncadd.s32 $0xFFFFEC00  }
0x46: {  	[spmem:s3] =	stream.indirect.scatter.add.f32 [tilespmem:s18], [sflag:$0x6], $0x80, s11, s17, $0xb8;
	[tilespmem:$0x1F220] =	vst v63  }
0x47: {  	s10 =	simm.s32 $0x14078  }
0x48: {  	[tilespmem:s23], [sflag:$0x4] =	stream.indirect.gather [hbm4b:s1+s17], $0x80, s10, s17, $0xb8;
	[tilespmem:$0x1F220] =	vst v63  }
0x49: {  	_ =	swait.ge [sflag:s31], $0x1400  }
0x4a: {  	[sflag:s31] =	ssyncset.done $0x0  }
0x4b: {  	s11 =	simm.s32 $0x16738;
	[sflag:s31] =	ssyncadd.s32 $0xFFFFEC00  }
0x4c: {  	[spmem:s3] =	stream.indirect.scatter.add.f32 [tilespmem:s20], [sflag:$0x7], $0x80, s11, s17, $0xb8;
	[tilespmem:$0x1F220] =	vst v63  }
0x4d: {  	s10 =	simm.s32 $0x140A0  }
0x4e: {  	[tilespmem:s19], [sflag:$0x5] =	stream.indirect.gather [hbm4b:s1+s17], $0x80, s10, s17, $0xb8;
	[tilespmem:$0x1F220] =	vst v63  }
0x4f: {  	_ =	swait.ge [sflag:s16], $0x1400  }
0x50: {  	[sflag:s16] =	ssyncset.done $0x0  }
0x51: {  	s11 =	simm.s32 $0x140C8;
	[sflag:s16] =	ssyncadd.s32 $0xFFFFEC00  }
0x52: {  	[tilespmem:s18], [sflag:$0x1] =	stream.indirect.gather [hbm4b:s1+s17], $0x80, s11, s17, $0xb8;
	[tilespmem:$0x1F220] =	vst v63  }
0x53: {  	_ =	swait.ge [sflag:s30], $0x1400  }
0x54: {  	[sflag:s30] =	ssyncset.done $0x0  }
0x55: {  	s10 =	simm.s32 $0x16760;
	[sflag:s30] =	ssyncadd.s32 $0xFFFFEC00  }
0x56: {  	[spmem:s3] =	stream.indirect.scatter.add.f32 [tilespmem:s22], [sflag:$0x8], $0x80, s10, s17, $0xb8;
	[tilespmem:$0x1F220] =	vst v63  }
0x57: {  	_ =	swait.ge [sflag:s24], $0x1400  }
0x58: {  	[sflag:s24] =	ssyncset.done $0x0  }
0x59: {  	s11 =	simm.s32 $0x140F0;
	[sflag:s24] =	ssyncadd.s32 $0xFFFFEC00  }
0x5a: {  	[tilespmem:s20], [sflag:$0x2] =	stream.indirect.gather [hbm4b:s1+s17], $0x80, s11, s17, $0xb8;
	[tilespmem:$0x1F220] =	vst v63  }
0x5b: {  	_ =	swait.ge [sflag:s21], $0x1400  }
0x5c: {  	[sflag:s21] =	ssyncset.done $0x0  }
0x5d: {  	s10 =	simm.s32 $0x16788;
	[sflag:s21] =	ssyncadd.s32 $0xFFFFEC00  }
0x5e: {  	[spmem:s3] =	stream.indirect.scatter.add.f32 [tilespmem:s23], [sflag:$0x9], $0x80, s10, s17, $0xb8;
	[tilespmem:$0x1F220] =	vst v63  }
0x5f: {  	_ =	swait.ge [sflag:s2], $0x1400  }
0x60: {  	[sflag:s2] =	ssyncset.done $0x0  }
0x61: {  	s11 =	simm.s32 $0x14118;
	[sflag:s2] =	ssyncadd.s32 $0xFFFFEC00  }
0x62: {  	[tilespmem:s22], [sflag:$0x3] =	stream.indirect.gather [hbm4b:s1+s17], $0x80, s11, s17, $0xb8;
	[tilespmem:$0x1F220] =	vst v63  }
0x63: {  	_ =	swait.ge [sflag:s0], $0x1400  }
0x64: {  	[sflag:s0] =	ssyncset.done $0x0  }
0x65: {  	s10 =	simm.s32 $0x167B0;
	[sflag:s0] =	ssyncadd.s32 $0xFFFFEC00  }
0x66: {  	[spmem:s3] =	stream.indirect.scatter.add.f32 [tilespmem:s19], [sflag:$0xA], $0x80, s10, s17, $0xb8;
	[tilespmem:$0x1F220] =	vst v63  }
0x67: {  	_ =	swait.ge [sflag:s6], $0x1400  }
0x68: {  	[sflag:s6] =	ssyncset.done $0x0  }
0x69: {  	s11 =	simm.s32 $0x14140;
	[sflag:s6] =	ssyncadd.s32 $0xFFFFEC00  }
0x6a: {  	[tilespmem:s23], [sflag:$0x4] =	stream.indirect.gather [hbm4b:s1+s17], $0x80, s11, s17, $0xb8;
	[tilespmem:$0x1F220] =	vst v63  }
0x6b: {  	_ =	swait.ge [sflag:s29], $0x1400  }
0x6c: {  	[sflag:s29] =	ssyncset.done $0x0  }
0x6d: {  	s10 =	simm.s32 $0x167D8;
	[sflag:s29] =	ssyncadd.s32 $0xFFFFEC00  }
0x6e: {  	[spmem:s3] =	stream.indirect.scatter.add.f32 [tilespmem:s18], [sflag:$0x6], $0x80, s10, s17, $0xb8;
	[tilespmem:$0x1F220] =	vst v63  }
0x6f: {  	_ =	swait.ge [sflag:s7], $0x1400  }
0x70: {  	[sflag:s7] =	ssyncset.done $0x0  }
0x71: {  	s11 =	simm.s32 $0x14168;
	[sflag:s7] =	ssyncadd.s32 $0xFFFFEC00  }
0x72: {  	[tilespmem:s19], [sflag:$0x5] =	stream.indirect.gather [hbm4b:s1+s17], $0x80, s11, s17, $0xb8;
	[tilespmem:$0x1F220] =	vst v63  }
0x73: {  	_ =	swait.ge [sflag:s31], $0x1400  }
0x74: {  	[sflag:s31] =	ssyncset.done $0x0  }
0x75: {  	s10 =	simm.s32 $0x16800;
	[sflag:s31] =	ssyncadd.s32 $0xFFFFEC00  }
0x76: {  	[spmem:s3] =	stream.indirect.scatter.add.f32 [tilespmem:s20], [sflag:$0x7], $0x80, s10, s17, $0xb8;
	[tilespmem:$0x1F220] =	vst v63  }
0x77: {  	_ =	swait.ge [sflag:s16], $0x1400  }
0x78: {  	[sflag:s16] =	ssyncset.done $0x0  }
0x79: {  	s11 =	simm.s32 $0x14190;
	[sflag:s16] =	ssyncadd.s32 $0xFFFFEC00  }
0x7a: {  	[tilespmem:s18], [sflag:$0x1] =	stream.indirect.gather [hbm4b:s1+s17], $0x80, s11, s17, $0xb8;
	[tilespmem:$0x1F220] =	vst v63  }
0x7b: {  	_ =	swait.ge [sflag:s30], $0x1400  }
0x7c: {  	[sflag:s30] =	ssyncset.done $0x0  }
0x7d: {  	s10 =	simm.s32 $0x16828;
	[sflag:s30] =	ssyncadd.s32 $0xFFFFEC00  }
0x7e: {  	[spmem:s3] =	stream.indirect.scatter.add.f32 [tilespmem:s22], [sflag:$0x8], $0x80, s10, s17, $0xb8;
	[tilespmem:$0x1F220] =	vst v63  }
0x7f: {  	_ =	swait.ge [sflag:s24], $0x1400  }
0x80: {  	[sflag:s24] =	ssyncset.done $0x0  }
0x81: {  	s11 =	simm.s32 $0x141B8;
	[sflag:s24] =	ssyncadd.s32 $0xFFFFEC00  }
0x82: {  	[tilespmem:s20], [sflag:$0x2] =	stream.indirect.gather [hbm4b:s1+s17], $0x80, s11, s17, $0xb8;
	[tilespmem:$0x1F220] =	vst v63  }
0x83: {  	_ =	swait.ge [sflag:s21], $0x1400  }
0x84: {  	[sflag:s21] =	ssyncset.done $0x0  }
0x85: {  	s10 =	simm.s32 $0x16850;
	[sflag:s21] =	ssyncadd.s32 $0xFFFFEC00  }
0x86: {  	[spmem:s3] =	stream.indirect.scatter.add.f32 [tilespmem:s23], [sflag:$0x9], $0x80, s10, s17, $0xb8;
	[tilespmem:$0x1F220] =	vst v63  }
0x87: {  	_ =	swait.ge [sflag:s2], $0x1400  }
0x88: {  	[sflag:s2] =	ssyncset.done $0x0  }
0x89: {  	s11 =	simm.s32 $0x141E0;
	[sflag:s2] =	ssyncadd.s32 $0xFFFFEC00  }
0x8a: {  	[tilespmem:s22], [sflag:$0x3] =	stream.indirect.gather [hbm4b:s1+s17], $0x80, s11, s17, $0xb8;
	[tilespmem:$0x1F220] =	vst v63  }
0x8b: {  	_ =	swait.ge [sflag:s0], $0x1400  }
0x8c: {  	[sflag:s0] =	ssyncset.done $0x0  }
0x8d: {  	s9 =	simm.s32 $0x320;
	s10 =	simm.s32 $0x16878;
	[sflag:s0] =	ssyncadd.s32 $0xFFFFEC00  }
.LBB2_4:
0x8e: {  	[spmem:s3] =	stream.indirect.scatter.add.f32 [tilespmem:s19], [sflag:$0xA], $0x80, s10, s17, $0xb8;
	[tilespmem:$0x1F220] =	vst v63  }
0x8f: {  	s10 =	smov.u32 s9  }
0x90: {  	p0 =	sne.s32 s9, $0x92E0;
	s9 =	sadd.s32 $0x320, s9;
	_ =	swait.ge [sflag:s6], $0x1400  }
0x91: {  	s10 =	sshra.s32 s10, $0x2;
	[sflag:s6] =	ssyncset.done $0x0  }
0x92: {  	s11 =	sadd.s32 $0x14140, s10;
	[sflag:s6] =	ssyncadd.s32 $0xFFFFEC00  }
0x93: {  	[tilespmem:s23], [sflag:$0x4] =	stream.indirect.gather [hbm4b:s1+s17], $0x80, s11, s17, $0xb8;
	[tilespmem:$0x1F220] =	vst v63  }
0x94: {  	_ =	swait.ge [sflag:s29], $0x1400  }
0x95: {  	[sflag:s29] =	ssyncset.done $0x0  }
0x96: {  	s11 =	sadd.s32 $0x167D8, s10;
	[sflag:s29] =	ssyncadd.s32 $0xFFFFEC00  }
0x97: {  	[spmem:s3] =	stream.indirect.scatter.add.f32 [tilespmem:s18], [sflag:$0x6], $0x80, s11, s17, $0xb8;
	[tilespmem:$0x1F220] =	vst v63  }
0x98: {  	_ =	swait.ge [sflag:s7], $0x1400  }
0x99: {  	[sflag:s7] =	ssyncset.done $0x0  }
0x9a: {  	s11 =	sadd.s32 $0x14168, s10;
	[sflag:s7] =	ssyncadd.s32 $0xFFFFEC00  }
0x9b: {  	[tilespmem:s19], [sflag:$0x5] =	stream.indirect.gather [hbm4b:s1+s17], $0x80, s11, s17, $0xb8;
	[tilespmem:$0x1F220] =	vst v63  }
0x9c: {  	_ =	swait.ge [sflag:s31], $0x1400  }
0x9d: {  	[sflag:s31] =	ssyncset.done $0x0  }
0x9e: {  	s11 =	sadd.s32 $0x16800, s10;
	[sflag:s31] =	ssyncadd.s32 $0xFFFFEC00  }
0x9f: {  	[spmem:s3] =	stream.indirect.scatter.add.f32 [tilespmem:s20], [sflag:$0x7], $0x80, s11, s17, $0xb8;
	[tilespmem:$0x1F220] =	vst v63  }
0xa0: {  	_ =	swait.ge [sflag:s16], $0x1400  }
0xa1: {  	[sflag:s16] =	ssyncset.done $0x0  }
0xa2: {  	s11 =	sadd.s32 $0x14190, s10;
	[sflag:s16] =	ssyncadd.s32 $0xFFFFEC00  }
0xa3: {  	[tilespmem:s18], [sflag:$0x1] =	stream.indirect.gather [hbm4b:s1+s17], $0x80, s11, s17, $0xb8;
	[tilespmem:$0x1F220] =	vst v63  }
0xa4: {  	_ =	swait.ge [sflag:s30], $0x1400  }
0xa5: {  	[sflag:s30] =	ssyncset.done $0x0  }
0xa6: {  	s11 =	sadd.s32 $0x16828, s10;
	[sflag:s30] =	ssyncadd.s32 $0xFFFFEC00  }
0xa7: {  	[spmem:s3] =	stream.indirect.scatter.add.f32 [tilespmem:s22], [sflag:$0x8], $0x80, s11, s17, $0xb8;
	[tilespmem:$0x1F220] =	vst v63  }
0xa8: {  	_ =	swait.ge [sflag:s24], $0x1400  }
0xa9: {  	[sflag:s24] =	ssyncset.done $0x0  }
0xaa: {  	s11 =	sadd.s32 $0x141B8, s10;
	[sflag:s24] =	ssyncadd.s32 $0xFFFFEC00  }
0xab: {  	[tilespmem:s20], [sflag:$0x2] =	stream.indirect.gather [hbm4b:s1+s17], $0x80, s11, s17, $0xb8;
	[tilespmem:$0x1F220] =	vst v63  }
0xac: {  	_ =	swait.ge [sflag:s21], $0x1400  }
0xad: {  	[sflag:s21] =	ssyncset.done $0x0  }
0xae: {  	s11 =	sadd.s32 $0x16850, s10;
	[sflag:s21] =	ssyncadd.s32 $0xFFFFEC00  }
0xaf: {  	[spmem:s3] =	stream.indirect.scatter.add.f32 [tilespmem:s23], [sflag:$0x9], $0x80, s11, s17, $0xb8;
	[tilespmem:$0x1F220] =	vst v63  }
0xb0: {  	_ =	swait.ge [sflag:s2], $0x1400  }
0xb1: {  	[sflag:s2] =	ssyncset.done $0x0  }
.Ltmp1:
0xb2: {  	s11 =	sadd.s32 $0x141E0, s10;
	[sflag:s2] =	ssyncadd.s32 $0xFFFFEC00;
	(pc) =	sbr.rel @p0 .LBB2_4-.Ltmp1, $4  }
0xb3: {  	[tilespmem:s22], [sflag:$0x3] =	stream.indirect.gather [hbm4b:s1+s17], $0x80, s11, s17, $0xb8;
	[tilespmem:$0x1F220] =	vst v63  }
0xb4: {  	_ =	swait.ge [sflag:s0], $0x1400  }
0xb5: {  	[sflag:s0] =	ssyncset.done $0x0  }
0xb6: {  	s10 =	sadd.s32 $0x16878, s10;
	[sflag:s0] =	ssyncadd.s32 $0xFFFFEC00  }
0xb7: {  	[spmem:s3] =	stream.indirect.scatter.add.f32 [tilespmem:s19], [sflag:$0xA], $0x80, s10, s17, $0xb8;
	[tilespmem:$0x1F220] =	vst v63  }
0xb8: {  	_ =	swait.ge [sflag:s6], $0x1400  }
0xb9: {  	[sflag:s6] =	ssyncset.done $0x0  }
0xba: {  	s9 =	simm.s32 $0x166C0;
	[sflag:s6] =	ssyncadd.s32 $0xFFFFEC00  }
0xbb: {  	[tilespmem:s23], [sflag:$0x4] =	stream.indirect.gather [hbm4b:s1+s17], $0x80, s9, s17, $0xb8;
	[tilespmem:$0x1F220] =	vst v63  }
0xbc: {  	_ =	swait.ge [sflag:s29], $0x1400  }
0xbd: {  	[sflag:s29] =	ssyncset.done $0x0  }
0xbe: {  	s11 =	simm.s32 $0x18D58;
	[sflag:s29] =	ssyncadd.s32 $0xFFFFEC00  }
0xbf: {  	[spmem:s3] =	stream.indirect.scatter.add.f32 [tilespmem:s18], [sflag:$0x6], $0x80, s11, s17, $0xb8;
	[tilespmem:$0x1F220] =	vst v63  }
0xc0: {  	_ =	swait.ge [sflag:s7], $0x1400  }
0xc1: {  	[sflag:s7] =	ssyncset.done $0x0  }
0xc2: {  	[sflag:s7] =	ssyncadd.s32 $0xFFFFEC00  }
0xc3: {  	[tilespmem:s19], [sflag:$0x5] =	stream.indirect.gather [hbm4b:s1+s17], $0x80, s13, s17, $0xb8;
	[tilespmem:$0x1F220] =	vst v63  }
0xc4: {  	_ =	swait.ge [sflag:s31], $0x1400  }
0xc5: {  	[sflag:s31] =	ssyncset.done $0x0  }
0xc6: {  	s10 =	simm.s32 $0x18D80;
	[sflag:s31] =	ssyncadd.s32 $0xFFFFEC00  }
0xc7: {  	[spmem:s3] =	stream.indirect.scatter.add.f32 [tilespmem:s20], [sflag:$0x7], $0x80, s10, s17, $0xb8;
	[tilespmem:$0x1F220] =	vst v63  }
0xc8: {  	_ =	swait.ge [sflag:s16], $0x1400  }
0xc9: {  	[sflag:s16] =	ssyncset.done $0x0  }
0xca: {  	[sflag:s16] =	ssyncadd.s32 $0xFFFFEC00  }
0xcb: {  	[tilespmem:s18], [sflag:$0x1] =	stream.indirect.gather [hbm4b:s1+s17], $0x80, s13, s17, $0xb8;
	[tilespmem:$0x1F220] =	vst v63  }
0xcc: {  	_ =	swait.ge [sflag:s30], $0x1400  }
0xcd: {  	[sflag:s30] =	ssyncset.done $0x0  }
0xce: {  	s11 =	simm.s32 $0x18DA8;
	[sflag:s30] =	ssyncadd.s32 $0xFFFFEC00  }
0xcf: {  	[spmem:s3] =	stream.indirect.scatter.add.f32 [tilespmem:s22], [sflag:$0x8], $0x80, s11, s17, $0xb8;
	[tilespmem:$0x1F220] =	vst v63  }
0xd0: {  	_ =	swait.ge [sflag:s24], $0x1400  }
0xd1: {  	[sflag:s24] =	ssyncset.done $0x0  }
0xd2: {  	[sflag:s24] =	ssyncadd.s32 $0xFFFFEC00  }
0xd3: {  	[tilespmem:s20], [sflag:$0x2] =	stream.indirect.gather [hbm4b:s1+s17], $0x80, s13, s17, $0xb8;
	[tilespmem:$0x1F220] =	vst v63  }
0xd4: {  	_ =	swait.ge [sflag:s21], $0x1400  }
0xd5: {  	[sflag:s21] =	ssyncset.done $0x0  }
0xd6: {  	s10 =	simm.s32 $0x18DD0;
	[sflag:s21] =	ssyncadd.s32 $0xFFFFEC00  }
0xd7: {  	[spmem:s3] =	stream.indirect.scatter.add.f32 [tilespmem:s23], [sflag:$0x9], $0x80, s10, s17, $0xb8;
	[tilespmem:$0x1F220] =	vst v63  }
0xd8: {  	_ =	swait.ge [sflag:s2], $0x1400  }
0xd9: {  	[sflag:s2] =	ssyncset.done $0x0  }
0xda: {  	[sflag:s2] =	ssyncadd.s32 $0xFFFFEC00  }
0xdb: {  	[tilespmem:s22], [sflag:$0x3] =	stream.indirect.gather [hbm4b:s1+s17], $0x80, s13, s17, $0xb8;
	[tilespmem:$0x1F220] =	vst v63  }
0xdc: {  	_ =	swait.ge [sflag:s0], $0x1400  }
0xdd: {  	[sflag:s0] =	ssyncset.done $0x0  }
0xde: {  	s11 =	simm.s32 $0x18DF8;
	[sflag:s0] =	ssyncadd.s32 $0xFFFFEC00  }
0xdf: {  	[spmem:s3] =	stream.indirect.scatter.add.f32 [tilespmem:s19], [sflag:$0xA], $0x80, s11, s17, $0xb8;
	[tilespmem:$0x1F220] =	vst v63  }
0xe0: {  	_ =	swait.ge [sflag:s6], $0x1400  }
0xe1: {  	[sflag:s6] =	ssyncset.done $0x0  }
0xe2: {  	[sflag:s6] =	ssyncadd.s32 $0xFFFFEC00  }
0xe3: {  	_ =	swait.ge [sflag:s7], $0x1400  }
0xe4: {  	[sflag:s7] =	ssyncset.done $0x0  }
0xe5: {  	[sflag:s7] =	ssyncadd.s32 $0xFFFFEC00  }
0xe6: {  	_ =	swait.ge [sflag:s29], $0x1400  }
0xe7: {  	[sflag:s29] =	ssyncset.done $0x0  }
0xe8: {  	[sflag:s29] =	ssyncadd.s32 $0xFFFFEC00  }
0xe9: {  	_ =	swait.ge [sflag:s31], $0x1400  }
0xea: {  	[sflag:s31] =	ssyncset.done $0x0  }
0xeb: {  	[sflag:s31] =	ssyncadd.s32 $0xFFFFEC00  }
0xec: {  	_ =	swait.ge [sflag:s30], $0x1400  }
0xed: {  	[sflag:s30] =	ssyncset.done $0x0  }
0xee: {  	s14 =	sadd.s32 $0x1, s14;
	[sflag:s30] =	ssyncadd.s32 $0xFFFFEC00  }
0xef: {  	p0 =	sne.s32 s14, s12;
	[bflag:$0x0] =	sbarrier.arrive $0xFFFF  }
.Ltmp2:
0xf0: {  	s10 =	sor.u32 $0x1C0D, s8;
	s11 =	rddreg [dreg:$0x9];
	(pc) =	sbr.rel @p0 .LBB2_1-.Ltmp2, $4  }
0xf1: {  	[hbm:s11], [sflag:s10] =	dma.local [spmem:s15], $0x2800  }
0xf2: {  	_ =	swait.ge [sflag:s26], $0x2800  }
0xf3: {  	[sflag:s26] =	ssyncset.done $0x0  }
0xf4: {  	s11 =	simm.s32 $0x16710;
	[sflag:s26] =	ssyncadd.s32 $0xFFFFD800  }
0xf5: {  	_ =	sfence.sel $0x180000  }
0xf6: {  	[bflag:$0x0] =	sbarrier.arrive $0xFFFF  }
0xf7: {  	_ =	strace $0x90000047  }
0xf8: {  	s0 =	stileid.u32;
	[bflag:$0x2] =	sbarrier.arrive $0xFFFF  }
0xf9: {  	p0 =	sne.s32 s0, $0x0;
	s0 =	rddreg [dreg:$0x4]  }
0xfa: {  	s0 =	sadd.s32 @!p0 $0x100000, s0  }
0xfb: {  	[sflag:s0] =	ssyncadd.tile.s32 @!p0 $0x1;
	_ =	shalt  }
.Lfunc_end2:
_tile_overlayer_lowered:
.L_overlay_start_2:
0xfc: {  	(tag) =	ssettag $0x2  }
0xfd: {  	s0 =	rddreg [dreg:$0x0];
	s2 =	stileid.u32  }
0xfe: {  	s1 =	rddreg [dreg:$0x1];
	p0 =	sne.s32 s2, $0x0  }
0xff: {  	s3 =	rddreg [dreg:$0x2];
	[bflag:$0x3] =	sbarrier.arrive $0xFFFF;
	s2 =	simm.s32 @!p0 $0x1C0D  }
0x100: {  	[timem:s3], [sflag:s2] =	dma.local @!p0 [hbm:s0], s1  }
0x101: {  	s0 =	simm.s32 @!p0 $0xD  }
0x102: {  	_ =	swait.ge @!p0 [sflag:s0], s1  }
0x103: {  	s1 =	ssub.s32 @!p0 $0x0, s1;
	[sflag:s0] =	ssyncset.done @!p0 $0x0  }
0x104: {  	[sflag:s0] =	ssyncadd.s32 @!p0 s1  }
0x105: {  	[bflag:$0x3] =	sbarrier.arrive $0xFFFF  }
0x106: {  	_ =	shalt  }

// kernel: kernel.9.cloned.1.call-start
scs
__scs_entry_jumppad:
0x0: {  	(pc) =	sbr.rel $0x88, $3  }
0x1: {  	(tag) =	ssettag $0x0;
	lr =	simm.s32 $0x1  }
0x2: {  	[smem:$0x3F9B] =	sst lr;
	_ =	strace $0xD0000000  }
0x3: {  	_ = 	snop  }
0x4: {  	_ = 	snop  }
0x5: {  	_ = 	snop  }
0x6: {  	_ = 	snop  }
0x7: {  	_ = 	snop  }
__scs_overlays_trampoline_lowered:
0x8: {  	[smem:$0x3FAA] =	sst s0  }
0x9: {  	[smem:$0x3FAB] =	sst s1  }
0xa: {  	[smem:$0x3FAC] =	sst s2  }
0xb: {  	[smem:$0x3FAD] =	sst s3  }
0xc: {  	[smem:$0x3FAE] =	sst s4  }
0xd: {  	[smem:$0x3FAF] =	sst s5  }
0xe: {  	[smem:$0x3FB0] =	sst s6  }
0xf: {  	[smem:$0x3FB1] =	sst s7  }
0x10: {  	[smem:$0x3FB2] =	sst s8  }
0x11: {  	[smem:$0x3FB3] =	sst s9;
	s0 =	simm.s32 @!p0 $0x0  }
0x12: {  	s1 =	sld [smem:$0x3F99];
	s0 =	simm.s32 @p0 $0x1  }
0x13: {  	[smem:$0x3FB4] =	sst s0;
	s0 =	simm.s32 @!p1 $0x0  }
0x14: {  	s2 =	sld [smem:$0x3F98];
	s0 =	simm.s32 @p1 $0x1  }
0x15: {  	[smem:$0x3FB5] =	sst s0;
	s0 =	simm.s32 @!p2 $0x0  }
0x16: {  	s3 =	sld [smem:$0x3FDB];
	s0 =	simm.s32 @p2 $0x1  }
0x17: {  	s4 =	simm.s32 $0x1BF5;
	[smem:$0x3FB7] =	sst s0  }
0x18: {  	s0 =	sld [smem:$0x3F9A];
	_ =	swait.ge [sflag:s4], $0x0  }
0x19: {  	s7 =	sld [smem:$0x3F9B]  }
0x1a: {  	s8 =	sadd.s32 $0xFFFFE003, lr  }
0x1b: {  	s9 =	sadd.s32 $0xFFFFFEF7, lr;
	s5 =	simm.s32 $0xFFFFFFFF;
	p2 =	slt.u32 s8, $0xFFFFF086  }
0x1c: {  	p1 =	slt.u32 s9, $0xF7A;
	s5 =	simm.s32 @!p2 $0x0  }
0x1d: {  	s5 =	simm.s32 @p1 $0x1;
	p0 =	seq.s32 s7, s2  }
0x1e: {  	s7 =	smul.u32 @!p0 $0xF7A, s2;
	p2 =	seq.s32 @!p0 s5, $0x0  }
0x1f: {  	s9 =	smul.u32 $0xF7A, s1;
	s8 =	simm.s32 @!p0 $0x1BF5;
	p2 =	por !p2, p0  }
0x20: {  	[sflag:s8] =	ssyncset.s32 @!p0 $0xFFFFF086;
	s6 =	sadd.s32 @!p0 s3, s7;
	s7 =	simm.s32 @!p0 $0x108  }
0x21: {  	s3 =	sadd.s32 s3, s9;
	s6 =	sadd.s32 @!p0 $0x88, s6;
	s7 =	simm.s32 @p2 $0x1082  }
0x22: {  	[simem:s7], [sflag:s8] =	dma.local @!p0 [hbm:s6], $0xF7A  }
0x23: {  	s9 =	sor.u32 $0xD0000000, s2;
	s6 =	simm.s32 $0x108;
	_ =	swait.ge @!p0 [sflag:s8], $0x0  }
0x24: {  	s3 =	sadd.s32 $0x88, s3;
	s6 =	simm.s32 @!p1 $0x1082;
	[sflag:s4] =	ssyncset.s32 $0xFFFFF086  }
0x25: {  	[simem:s6], [sflag:s4] =	dma.local [hbm:s3], $0xF7A  }
0x26: {  	[smem:$0x3F9B] =	sst s1;
	(tag) =	ssettag s2;
	_ =	strace s9  }
0x27: {  	s1 =	sld [smem:$0x3FAB]  }
0x28: {  	s2 =	sld [smem:$0x3FAC]  }
0x29: {  	s4 =	sld [smem:$0x3FAE]  }
0x2a: {  	p0 =	seq.s32 s5, $0x0;
	s5 =	sld [smem:$0x3FAF]  }
0x2b: {  	s6 =	sld [smem:$0x3FB0]  }
0x2c: {  	s7 =	sld [smem:$0x3FB1]  }
0x2d: {  	s3 =	simm.s32 $0x108;
	s8 =	sld [smem:$0x3FB2]  }
0x2e: {  	s3 =	simm.s32 @!p0 $0x1082;
	s9 =	sld [smem:$0x3FB3]  }
0x2f: {  	lr =	sadd.s32 s0, s3;
	s0 =	sld [smem:$0x3FAA]  }
0x30: {  	s3 =	sld [smem:$0x3FAD]  }
0x31: {  	[smem:$0x3FB6] =	sst s10  }
0x32: {  	s10 =	sld [smem:$0x3FB4];
	_ =	sdelay $0x3  }
0x33: {  	p0 =	seq.s32 s10, $0x1;
	s10 =	sld [smem:$0x3FB6];
	_ =	sdelay $0x3  }
0x34: {  	[smem:$0x3FB6] =	sst s10  }
0x35: {  	s10 =	sld [smem:$0x3FB5];
	_ =	sdelay $0x3  }
0x36: {  	p1 =	seq.s32 s10, $0x1;
	s10 =	sld [smem:$0x3FB6];
	_ =	sdelay $0x3  }
0x37: {  	[smem:$0x3FB6] =	sst s10  }
0x38: {  	s10 =	sld [smem:$0x3FB7]  }
0x39: {  	_ = 	snop;
	(pc) =	sbr.ind lr, $3  }
0x3a: {  	_ = 	snop  }
0x3b: {  	_ = 	snop  }
0x3c: {  	p2 =	seq.s32 s10, $0x1;
	s10 =	sld [smem:$0x3FB6]  }
0x3d: {  	_ =	shalt  }
0x3e: {  	_ =	shalt  }
0x3f: {  	_ =	shalt  }
0x40: {  	_ =	shalt  }
0x41: {  	_ =	shalt  }
0x42: {  	_ =	shalt  }
0x43: {  	_ =	shalt  }
0x44: {  	_ =	shalt  }
0x45: {  	_ =	shalt  }
0x46: {  	_ =	shalt  }
0x47: {  	_ =	shalt  }
0x48: {  	_ =	shalt  }
0x49: {  	_ =	shalt  }
0x4a: {  	_ =	shalt  }
0x4b: {  	_ =	shalt  }
0x4c: {  	_ =	shalt  }
0x4d: {  	_ =	shalt  }
0x4e: {  	_ =	shalt  }
0x4f: {  	_ =	shalt  }
0x50: {  	_ =	shalt  }
0x51: {  	_ =	shalt  }
0x52: {  	_ =	shalt  }
0x53: {  	_ =	shalt  }
0x54: {  	_ =	shalt  }
0x55: {  	_ =	shalt  }
0x56: {  	_ =	shalt  }
0x57: {  	_ =	shalt  }
0x58: {  	_ =	shalt  }
0x59: {  	_ =	shalt  }
0x5a: {  	_ =	shalt  }
0x5b: {  	_ =	shalt  }
0x5c: {  	_ =	shalt  }
0x5d: {  	_ =	shalt  }
0x5e: {  	_ =	shalt  }
0x5f: {  	_ =	shalt  }
0x60: {  	_ =	shalt  }
0x61: {  	_ =	shalt  }
0x62: {  	_ =	shalt  }
0x63: {  	_ =	shalt  }
0x64: {  	_ =	shalt  }
0x65: {  	_ =	shalt  }
0x66: {  	_ =	shalt  }
0x67: {  	_ =	shalt  }
0x68: {  	_ =	shalt  }
0x69: {  	_ =	shalt  }
0x6a: {  	_ =	shalt  }
0x6b: {  	_ =	shalt  }
0x6c: {  	_ =	shalt  }
0x6d: {  	_ =	shalt  }
0x6e: {  	_ =	shalt  }
0x6f: {  	_ =	shalt  }
0x70: {  	_ =	shalt  }
0x71: {  	_ =	shalt  }
0x72: {  	_ =	shalt  }
0x73: {  	_ =	shalt  }
0x74: {  	_ =	shalt  }
0x75: {  	_ =	shalt  }
0x76: {  	_ =	shalt  }
0x77: {  	_ =	shalt  }
0x78: {  	_ =	shalt  }
0x79: {  	_ =	shalt  }
0x7a: {  	_ =	shalt  }
0x7b: {  	_ =	shalt  }
0x7c: {  	_ =	shalt  }
0x7d: {  	_ =	shalt  }
0x7e: {  	_ =	shalt  }
0x7f: {  	_ =	shalt  }
0x80: {  	_ =	shalt  }
0x81: {  	_ =	shalt  }
0x82: {  	_ =	shalt  }
0x83: {  	_ =	shalt  }
0x84: {  	_ =	shalt  }
0x85: {  	_ =	shalt  }
0x86: {  	_ =	shalt  }
0x87: {  	_ =	shalt  }
.Lfunc_end0:
.L_simem_size_0:
called_computation.1_lowered:
.L_overlay_start_0:
0x88: {  	s2 =	sld [smem:$0x3FD9]  }
0x89: {  	s3 =	sld [smem:$0x3FFE];
	_ =	sdelay $0x1  }
0x8a: {  	s1 =	srdreg.scid  }
0x8b: {  	s0 =	sand.u32 $0x1, s1  }
0x8c: {  	s17 =	sshll.u32 s0, $0xA;
	s2 =	sadd.s32 s3, s2  }
0x8d: {  	s2 =	sadd.s32 s2, s17  }
0x8e: {  	[smem:$0x3FC2] =	sst s2  }
0x8f: {  	_ = 	snop  }
0x90: {  	s2 =	sld [smem:$0x3FD0];
	(tm) =	ssettm $0x1  }
0x91: {  	s18 =	sld [smem:$0x3FFB];
	_ =	sdelay $0x3  }
0x92: {  	_ =	strace s18  }
0x93: {  	s3 =	sld [smem:$0x3FFC];
	_ =	sdelay $0x3  }
0x94: {  	_ =	strace s3  }
0x95: {  	s3 =	sld [smem:$0x3FFD];
	_ =	sdelay $0x3  }
0x96: {  	_ =	strace s3  }
0x97: {  	_ =	strace $0x8FFFFFFF  }
0x98: {  	s19 =	sld [smem:$0x3FDB];
	_ =	sdelay $0x1  }
0x99: {  	s4 =	simm.s32 $_scs_section_size  }
0x9a: {  	s5 =	simm.s32 $_size__tile_overlayer_lowered;
	s6 =	simm.s32 $_tile_overlayer_lowered  }
0x9b: {  	s22 =	simm.s32 $0x1BFF;
	s21 =	sshll.u32 s6, $0x1;
	s3 =	sadd.s32 s4, s19  }
0x9c: {  	s7 =	simm.s32 $0x0;
	s20 =	sshll.u32 s5, $0x1;
	s5 =	sadd.s32 s21, s3  }
0x9d: {  	[timem:s7], [sflag:s22] =	dma.local [hbm:s5], s20  }
0x9e: {  	_ =	swait.ge [sflag:s22], s20  }
0x9f: {  	s4 =	ssub.s32 $0x0, s20;
	[sflag:s22] =	ssyncset.done $0x0  }
0xa0: {  	[sflag:s22] =	ssyncadd.s32 s4;
	_ =	sdelay $0x1  }
0xa1: {  	s23 =	simm.s32 $0x1B8B  }
0xa2: {  	_ =	swait.ge [sflag:s23], $0x1  }
0xa3: {  	[sflag:s23] =	ssyncset.done $0x0  }
0xa4: {  	s25 =	simm.s32 $0x1B8E;
	s24 =	sld [smem:$0x3FFE];
	[sflag:s23] =	ssyncadd.s32 $0xFFFFFFFF  }
0xa5: {  	s26 =	simm.s32 $execute0_lowered;
	[smem:$0x3FD2] =	sst s25  }
0xa6: {  	s5 =	sshll.u32 s26, $0x1;
	_ =	strace $0x80000049;
	[dreg:$0x1] =	wrdreg $0xFFFFFFFF  }
0xa7: {  	s28 =	simm.s32 $_size_execute0_lowered;
	s3 =	sadd.s32 s3, s5;
	[dreg:$0x0] =	wrdreg $0x0  }
0xa8: {  	s5 =	sshll.u32 s28, $0x1;
	[dreg:$0x2] =	wrdreg s3  }
0xa9: {  	[dreg:$0x3] =	wrdreg s5  }
0xaa: {  	[dreg:$0x4] =	wrdreg $0xC0  }
0xab: {  	_ =	task [dreg:s7], $0x5FFFF  }
0xac: {  	[dreg:$0x1] =	wrdreg $0xFFFFFFFF  }
0xad: {  	[dreg:$0x0] =	wrdreg $0x60  }
0xae: {  	[dreg:$0x2] =	wrdreg s2  }
0xaf: {  	[dreg:$0x3] =	wrdreg s24  }
0xb0: {  	[dreg:$0x4] =	wrdreg $0x0  }
0xb1: {  	[dreg:$0x5] =	wrdreg $0x9  }
0xb2: {  	_ =	task.clear_ibuf [dreg:s7], $0x6FFFF;
	_ =	strace $0x90000049  }
0xb3: {  	s29 =	simm.s32 $0x9;
	_ =	strace $0x8000004B  }
0xb4: {  	_ =	swait.ge [sflag:s29], $0x1  }
0xb5: {  	[sflag:s29] =	ssyncadd.s32 $0xFFFFFFFF  }
0xb6: {  	_ =	strace $0x9000004B  }
0xb7: {  	_ =	sfence  }
0xb8: {  	s30 =	sld [smem:$0x0];
	_ =	sdelay $0x2  }
0xb9: {  	s31 =	sshll.u32 s1, $0xD;
	s1 =	sshrl.u32 s1, $0x2  }
0xba: {  	s3 =	sand.u32 $0x4000, s31;
	s1 =	sadd.s32 s1, s30  }
0xbb: {  	s0 =	sor.u32 s3, s0;
	s1 =	sshll.u32 s1, $0x11  }
0xbc: {  	s0 =	sor.u32 s1, s0  }
0xbd: {  	s0 =	sadd.s32 $0x8F2B, s0  }
0xbe: {  	[sflag:s0] =	ssyncadd.remote.s32 $0x1  }
0xbf: {  	_ =	sfence.sel $0xFFFF  }
0xc0: {  	[dreg:$0x0] =	wrdreg $0xFFFFFFFF;
	(pc) =	sbr.abs _section_cstart, $3  }
0xc1: {  	[dreg:$0x1] =	wrdreg $0xFFFFFFFF  }
0xc2: {  	_ =	task.clear_ibuf [dreg:s7], $0x2FFFF;
	_ =	strace $0x9FFFFFFF  }
0xc3: {  	(tm) =	ssettm $0x7FFFFFFF  }
tec
execute0_lowered:
.L_overlay_start_1:
0x0: {  	(tag) =	ssettag $0x1  }
0x1: {  	s2 =	rddreg [dreg:$0x0]  }
0x2: {  	s0 =	srdreg.scid;
	s6 =	rddreg [dreg:$0x1]  }
0x3: {  	s11 =	stileid.u32;
	s3 =	rddreg [dreg:$0x2];
	s4 =	simm.s32 $0x0  }
0x4: {  	s16 =	simm.s32 $0x6;
	s17 =	simm.s32 $0x28;
	s18 =	simm.s32 $0x18E20  }
0x5: {  	s28 =	simm.s32 $0xB;
	s29 =	simm.s32 $0x1;
	s31 =	simm.s32 $0x2  }
0x6: {  	s19 =	simm.s32 $0x1DE20;
	s30 =	simm.s32 $0x3;
	s13 =	simm.s32 $0x166E8  }
0x7: {  	s0 =	sand.u32 $0x1, s0;
	s1 =	sshll.u32 s11, $0x1;
	s7 =	smul.u32 $0x14000, s11  }
0x8: {  	s14 =	simm.s32 $0x0;
	s1 =	sor.u32 s0, s1;
	s8 =	smul.u32 $0x140000, s0  }
0x9: {  	[smem:$0x7FF] =	sst s4;
	s0 =	ssub.s32 $0x2, s0;
	s5 =	smul.u32 $0x4E2, s1  }
0xa: {  	_ =	strace $0x8000004A;
	s1 =	smul.u32 $0x500, s1;
	s21 =	sshrl.u32 s0, $0x1  }
0xb: {  	s24 =	sadd.s32 s7, s3;
	s20 =	sadd.s32 s7, s8;
	s0 =	ssub.s32 s0, s21  }
0xc: {  	s15 =	sshrl.u32 s24, $0x3;
	s24 =	simm.s32 $0x7;
	s21 =	simm.s32 $0x4  }
0xd: {  	s7 =	simm.s32 $0xA;
	s9 =	sadd.s32 s5, s6;
	s8 =	sshrl.u32 s20, $0x3  }
0xe: {  	s5 =	sadd.s32 $0x16000, s6;
	s1 =	sadd.s32 s1, s6;
	s12 =	smax.u32 s0, $0x1  }
0xf: {  	s20 =	simm.s32 $0x1A220;
	s0 =	simm.s32 $0x8;
	s10 =	sadd.s32 s8, s6  }
0x10: {  	s22 =	sadd.s32 $0x72600, s9;
	s23 =	sadd.s32 $0x68800, s9;
	s8 =	sshll.u32 s11, $0x6  }
0x11: {  	s1 =	sadd.s32 $0x2400, s1;
	s11 =	simm.s32 $0x16710;
	[dreg:$0x4] =	wrdreg s22  }
0x12: {  	s6 =	simm.s32 $0x9;
	[dreg:$0x5] =	wrdreg s23;
	s25 =	sor.u32 $0x1C0B, s8  }
0x13: {  	[dreg:$0x7] =	wrdreg s1;
	s26 =	sadd.s32 $0x18800, s10;
	s22 =	simm.s32 $0x1B620  }
0x14: {  	s23 =	simm.s32 $0x1CA20;
	s1 =	simm.s32 $0x5;
	[dreg:$0x6] =	wrdreg s25  }
0x15: {  	v0 =	vimm.f32 $1.000000000e+00;
	vm0 =	vcmask $0x3F20;
	[dreg:$0x8] =	wrdreg s26;
	s25 =	simm.s32 $0xC;
	s26 =	simm.s32 $0xD  }
.LBB2_1:
0x16: {  	s9 =	rddreg [dreg:$0x4];
	s10 =	simm.s32 $0x14000  }
0x17: {  	[tilespmem:s10], [sflag:$0x6] =	stream.linear.gather [hbm4b:s9+s4], $0x2710, $0x38;
	[tilespmem:$0x1F220] =	vst v63  }
0x18: {  	s9 =	rddreg [dreg:$0x5]  }
0x19: {  	[tilespmem:s11], [sflag:$0x7] =	stream.linear.gather [hbm4b:s9+s4], $0x2710, $0x38;
	[tilespmem:$0x1F220] =	vst v63  }
0x1a: {  	s9 =	rddreg [dreg:$0x6]  }
0x1b: {  	[spmem:s15], [sflag:s9] =	dma.local [hbm:s5], $0x2800  }
0x1c: {  	_ =	swait.ge [sflag:s16], $0x2710  }
0x1d: {  	[sflag:s16] =	ssyncset.done $0x0  }
0x1e: {  	[sflag:s16] =	ssyncadd.s32 $0xFFFFD8F0  }
0x1f: {  	[tilespmem:s18], [sflag:$0x1] =	stream.indirect.gather [hbm4b:s2+s17], $0x80, s10, s17, $0xb8;
	[tilespmem:$0x1F220] =	vst v63  }
0x20: {  	s10 =	simm.s32 $0x14028  }
0x21: {  	[tilespmem:s20], [sflag:$0x2] =	stream.indirect.gather [hbm4b:s2+s17], $0x80, s10, s17, $0xb8;
	[tilespmem:$0x1F220] =	vst v63  }
0x22: {  	s10 =	simm.s32 $0x14050  }
0x23: {  	[tilespmem:s22], [sflag:$0x3] =	stream.indirect.gather [hbm4b:s2+s17], $0x80, s10, s17, $0xb8;
	[tilespmem:$0x1F220] =	vst v63  }
0x24: {  	_ = 	snop  }
0x25: {  	[tilespmem:s23], [sflag:$0xC] =	stream.linear.gather [hbm4b:s5+s4], $0x2800, $0x38;
	[tilespmem:$0x1F220] =	vst v63  }
0x26: {  	_ =	swait.ge [sflag:s24], $0x2710  }
0x27: {  	[sflag:s24] =	ssyncset.done $0x0  }
0x28: {  	[sflag:s24] =	ssyncadd.s32 $0xFFFFD8F0  }
0x29: {  	_ =	swait.ge [sflag:s25], $0x2800  }
0x2a: {  	[sflag:s25] =	ssyncset.done $0x0  }
0x2b: {  	s9 =	simm.s32 $0x0;
	[sflag:s25] =	ssyncadd.s32 $0xFFFFD800  }
.LBB2_2:
0x2c: {  	s10 =	sshra.s32 s9, $0x2  }
0x2d: {  	v1 =	vld [tilespmem:s10+$0x16710];
	_ =	sdelay $0x4  }
0x2e: {  	v1 =	vadd.s32 $0x3C00, v1;
	_ =	sdelay $0x4  }
0x2f: {  	[tilespmem:v1+s18+$0x0] =	vst.idx.add.f32.msk $0xffff, v0  }
0x30: {  	v1 =	vld [tilespmem:s10+$0x16720];
	_ =	sdelay $0x4  }
0x31: {  	v1 =	vadd.s32 $0x3C00, v1;
	_ =	sdelay $0x4  }
0x32: {  	[tilespmem:v1+s18+$0x0] =	vst.idx.add.f32.msk $0xffff, v0  }
0x33: {  	v1 =	vld [tilespmem:s10+$0x16728];
	_ =	sdelay $0x4  }
0x34: {  	p0 =	sne.s32 s9, $0x9BA0;
	v1 =	vadd.s32 $0x3C00, v1  }
.Ltmp0:
0x35: {  	_ = 	snop;
	(pc) =	sbr.rel @p0 .LBB2_2-.Ltmp0, $2  }
0x36: {  	_ =	sdelay $0x2  }
0x37: {  	s9 =	sadd.s32 $0xA0, s9;
	[tilespmem:v1+s18+$0x0] =	vst.idx.add.f32.msk vm0, v0  }
0x38: {  	s9 =	simm.s32 $0x0;
	s10 =	rddreg [dreg:$0x7]  }
0x39: {  	[hbm4b:s10+s9] =	stream.linear.scatter [tilespmem:s23], [sflag:$0xD], $0x2800, $0x38;
	[tilespmem:$0x1F220] =	vst v63  }
0x3a: {  	_ =	swait.ge [sflag:s26], $0x2800  }
0x3b: {  	[sflag:s26] =	ssyncset.done $0x0  }
0x3c: {  	[sflag:s26] =	ssyncadd.s32 $0xFFFFD800  }
0x3d: {  	_ =	swait.ge [sflag:s28], $0x2800  }
0x3e: {  	[sflag:s28] =	ssyncset.done $0x0  }
0x3f: {  	[sflag:s28] =	ssyncadd.s32 $0xFFFFD800  }
0x40: {  	[bflag:$0x0] =	sbarrier.arrive $0xFFFF  }
0x41: {  	_ =	swait.ge [sflag:s29], $0x1400  }
0x42: {  	[sflag:s29] =	ssyncset.done $0x0  }
0x43: {  	[sflag:s29] =	ssyncadd.s32 $0xFFFFEC00  }
0x44: {  	[spmem:s3] =	stream.indirect.scatter.add.f32 [tilespmem:s18], [sflag:$0x6], $0x80, s11, s17, $0xb8;
	[tilespmem:$0x1F220] =	vst v63  }
0x45: {  	s10 =	simm.s32 $0x14078  }
0x46: {  	[tilespmem:s23], [sflag:$0x4] =	stream.indirect.gather [hbm4b:s2+s17], $0x80, s10, s17, $0xb8;
	[tilespmem:$0x1F220] =	vst v63  }
0x47: {  	_ =	swait.ge [sflag:s31], $0x1400  }
0x48: {  	[sflag:s31] =	ssyncset.done $0x0  }
0x49: {  	s11 =	simm.s32 $0x16738;
	[sflag:s31] =	ssyncadd.s32 $0xFFFFEC00  }
0x4a: {  	[spmem:s3] =	stream.indirect.scatter.add.f32 [tilespmem:s20], [sflag:$0x7], $0x80, s11, s17, $0xb8;
	[tilespmem:$0x1F220] =	vst v63  }
0x4b: {  	s10 =	simm.s32 $0x140A0  }
0x4c: {  	[tilespmem:s19], [sflag:$0x5] =	stream.indirect.gather [hbm4b:s2+s17], $0x80, s10, s17, $0xb8;
	[tilespmem:$0x1F220] =	vst v63  }
0x4d: {  	_ =	swait.ge [sflag:s16], $0x1400  }
0x4e: {  	[sflag:s16] =	ssyncset.done $0x0  }
0x4f: {  	s11 =	simm.s32 $0x140C8;
	[sflag:s16] =	ssyncadd.s32 $0xFFFFEC00  }
0x50: {  	[tilespmem:s18], [sflag:$0x1] =	stream.indirect.gather [hbm4b:s2+s17], $0x80, s11, s17, $0xb8;
	[tilespmem:$0x1F220] =	vst v63  }
0x51: {  	_ =	swait.ge [sflag:s30], $0x1400  }
0x52: {  	[sflag:s30] =	ssyncset.done $0x0  }
0x53: {  	s10 =	simm.s32 $0x16760;
	[sflag:s30] =	ssyncadd.s32 $0xFFFFEC00  }
0x54: {  	[spmem:s3] =	stream.indirect.scatter.add.f32 [tilespmem:s22], [sflag:$0x8], $0x80, s10, s17, $0xb8;
	[tilespmem:$0x1F220] =	vst v63  }
0x55: {  	_ =	swait.ge [sflag:s24], $0x1400  }
0x56: {  	[sflag:s24] =	ssyncset.done $0x0  }
0x57: {  	s11 =	simm.s32 $0x140F0;
	[sflag:s24] =	ssyncadd.s32 $0xFFFFEC00  }
0x58: {  	[tilespmem:s20], [sflag:$0x2] =	stream.indirect.gather [hbm4b:s2+s17], $0x80, s11, s17, $0xb8;
	[tilespmem:$0x1F220] =	vst v63  }
0x59: {  	_ =	swait.ge [sflag:s21], $0x1400  }
0x5a: {  	[sflag:s21] =	ssyncset.done $0x0  }
0x5b: {  	s10 =	simm.s32 $0x16788;
	[sflag:s21] =	ssyncadd.s32 $0xFFFFEC00  }
0x5c: {  	[spmem:s3] =	stream.indirect.scatter.add.f32 [tilespmem:s23], [sflag:$0x9], $0x80, s10, s17, $0xb8;
	[tilespmem:$0x1F220] =	vst v63  }
0x5d: {  	_ =	swait.ge [sflag:s0], $0x1400  }
0x5e: {  	[sflag:s0] =	ssyncset.done $0x0  }
0x5f: {  	s11 =	simm.s32 $0x14118;
	[sflag:s0] =	ssyncadd.s32 $0xFFFFEC00  }
0x60: {  	[tilespmem:s22], [sflag:$0x3] =	stream.indirect.gather [hbm4b:s2+s17], $0x80, s11, s17, $0xb8;
	[tilespmem:$0x1F220] =	vst v63  }
0x61: {  	_ =	swait.ge [sflag:s1], $0x1400  }
0x62: {  	[sflag:s1] =	ssyncset.done $0x0  }
0x63: {  	s10 =	simm.s32 $0x167B0;
	[sflag:s1] =	ssyncadd.s32 $0xFFFFEC00  }
0x64: {  	[spmem:s3] =	stream.indirect.scatter.add.f32 [tilespmem:s19], [sflag:$0xA], $0x80, s10, s17, $0xb8;
	[tilespmem:$0x1F220] =	vst v63  }
0x65: {  	_ =	swait.ge [sflag:s6], $0x1400  }
0x66: {  	[sflag:s6] =	ssyncset.done $0x0  }
0x67: {  	s11 =	simm.s32 $0x14140;
	[sflag:s6] =	ssyncadd.s32 $0xFFFFEC00  }
0x68: {  	[tilespmem:s23], [sflag:$0x4] =	stream.indirect.gather [hbm4b:s2+s17], $0x80, s11, s17, $0xb8;
	[tilespmem:$0x1F220] =	vst v63  }
0x69: {  	_ =	swait.ge [sflag:s29], $0x1400  }
0x6a: {  	[sflag:s29] =	ssyncset.done $0x0  }
0x6b: {  	s10 =	simm.s32 $0x167D8;
	[sflag:s29] =	ssyncadd.s32 $0xFFFFEC00  }
0x6c: {  	[spmem:s3] =	stream.indirect.scatter.add.f32 [tilespmem:s18], [sflag:$0x6], $0x80, s10, s17, $0xb8;
	[tilespmem:$0x1F220] =	vst v63  }
0x6d: {  	_ =	swait.ge [sflag:s7], $0x1400  }
0x6e: {  	[sflag:s7] =	ssyncset.done $0x0  }
0x6f: {  	s11 =	simm.s32 $0x14168;
	[sflag:s7] =	ssyncadd.s32 $0xFFFFEC00  }
0x70: {  	[tilespmem:s19], [sflag:$0x5] =	stream.indirect.gather [hbm4b:s2+s17], $0x80, s11, s17, $0xb8;
	[tilespmem:$0x1F220] =	vst v63  }
0x71: {  	_ =	swait.ge [sflag:s31], $0x1400  }
0x72: {  	[sflag:s31] =	ssyncset.done $0x0  }
0x73: {  	s10 =	simm.s32 $0x16800;
	[sflag:s31] =	ssyncadd.s32 $0xFFFFEC00  }
0x74: {  	[spmem:s3] =	stream.indirect.scatter.add.f32 [tilespmem:s20], [sflag:$0x7], $0x80, s10, s17, $0xb8;
	[tilespmem:$0x1F220] =	vst v63  }
0x75: {  	_ =	swait.ge [sflag:s16], $0x1400  }
0x76: {  	[sflag:s16] =	ssyncset.done $0x0  }
0x77: {  	s11 =	simm.s32 $0x14190;
	[sflag:s16] =	ssyncadd.s32 $0xFFFFEC00  }
0x78: {  	[tilespmem:s18], [sflag:$0x1] =	stream.indirect.gather [hbm4b:s2+s17], $0x80, s11, s17, $0xb8;
	[tilespmem:$0x1F220] =	vst v63  }
0x79: {  	_ =	swait.ge [sflag:s30], $0x1400  }
0x7a: {  	[sflag:s30] =	ssyncset.done $0x0  }
0x7b: {  	s10 =	simm.s32 $0x16828;
	[sflag:s30] =	ssyncadd.s32 $0xFFFFEC00  }
0x7c: {  	[spmem:s3] =	stream.indirect.scatter.add.f32 [tilespmem:s22], [sflag:$0x8], $0x80, s10, s17, $0xb8;
	[tilespmem:$0x1F220] =	vst v63  }
0x7d: {  	_ =	swait.ge [sflag:s24], $0x1400  }
0x7e: {  	[sflag:s24] =	ssyncset.done $0x0  }
0x7f: {  	s11 =	simm.s32 $0x141B8;
	[sflag:s24] =	ssyncadd.s32 $0xFFFFEC00  }
0x80: {  	[tilespmem:s20], [sflag:$0x2] =	stream.indirect.gather [hbm4b:s2+s17], $0x80, s11, s17, $0xb8;
	[tilespmem:$0x1F220] =	vst v63  }
0x81: {  	_ =	swait.ge [sflag:s21], $0x1400  }
0x82: {  	[sflag:s21] =	ssyncset.done $0x0  }
0x83: {  	s10 =	simm.s32 $0x16850;
	[sflag:s21] =	ssyncadd.s32 $0xFFFFEC00  }
0x84: {  	[spmem:s3] =	stream.indirect.scatter.add.f32 [tilespmem:s23], [sflag:$0x9], $0x80, s10, s17, $0xb8;
	[tilespmem:$0x1F220] =	vst v63  }
0x85: {  	_ =	swait.ge [sflag:s0], $0x1400  }
0x86: {  	[sflag:s0] =	ssyncset.done $0x0  }
0x87: {  	s11 =	simm.s32 $0x141E0;
	[sflag:s0] =	ssyncadd.s32 $0xFFFFEC00  }
0x88: {  	[tilespmem:s22], [sflag:$0x3] =	stream.indirect.gather [hbm4b:s2+s17], $0x80, s11, s17, $0xb8;
	[tilespmem:$0x1F220] =	vst v63  }
0x89: {  	_ =	swait.ge [sflag:s1], $0x1400  }
0x8a: {  	[sflag:s1] =	ssyncset.done $0x0  }
0x8b: {  	s9 =	simm.s32 $0x320;
	s10 =	simm.s32 $0x16878;
	[sflag:s1] =	ssyncadd.s32 $0xFFFFEC00  }
.LBB2_4:
0x8c: {  	[spmem:s3] =	stream.indirect.scatter.add.f32 [tilespmem:s19], [sflag:$0xA], $0x80, s10, s17, $0xb8;
	[tilespmem:$0x1F220] =	vst v63  }
0x8d: {  	s10 =	smov.u32 s9  }
0x8e: {  	p0 =	sne.s32 s9, $0x92E0;
	s9 =	sadd.s32 $0x320, s9;
	_ =	swait.ge [sflag:s6], $0x1400  }
0x8f: {  	s10 =	sshra.s32 s10, $0x2;
	[sflag:s6] =	ssyncset.done $0x0  }
0x90: {  	s11 =	sadd.s32 $0x14140, s10;
	[sflag:s6] =	ssyncadd.s32 $0xFFFFEC00  }
0x91: {  	[tilespmem:s23], [sflag:$0x4] =	stream.indirect.gather [hbm4b:s2+s17], $0x80, s11, s17, $0xb8;
	[tilespmem:$0x1F220] =	vst v63  }
0x92: {  	_ =	swait.ge [sflag:s29], $0x1400  }
0x93: {  	[sflag:s29] =	ssyncset.done $0x0  }
0x94: {  	s11 =	sadd.s32 $0x167D8, s10;
	[sflag:s29] =	ssyncadd.s32 $0xFFFFEC00  }
0x95: {  	[spmem:s3] =	stream.indirect.scatter.add.f32 [tilespmem:s18], [sflag:$0x6], $0x80, s11, s17, $0xb8;
	[tilespmem:$0x1F220] =	vst v63  }
0x96: {  	_ =	swait.ge [sflag:s7], $0x1400  }
0x97: {  	[sflag:s7] =	ssyncset.done $0x0  }
0x98: {  	s11 =	sadd.s32 $0x14168, s10;
	[sflag:s7] =	ssyncadd.s32 $0xFFFFEC00  }
0x99: {  	[tilespmem:s19], [sflag:$0x5] =	stream.indirect.gather [hbm4b:s2+s17], $0x80, s11, s17, $0xb8;
	[tilespmem:$0x1F220] =	vst v63  }
0x9a: {  	_ =	swait.ge [sflag:s31], $0x1400  }
0x9b: {  	[sflag:s31] =	ssyncset.done $0x0  }
0x9c: {  	s11 =	sadd.s32 $0x16800, s10;
	[sflag:s31] =	ssyncadd.s32 $0xFFFFEC00  }
0x9d: {  	[spmem:s3] =	stream.indirect.scatter.add.f32 [tilespmem:s20], [sflag:$0x7], $0x80, s11, s17, $0xb8;
	[tilespmem:$0x1F220] =	vst v63  }
0x9e: {  	_ =	swait.ge [sflag:s16], $0x1400  }
0x9f: {  	[sflag:s16] =	ssyncset.done $0x0  }
0xa0: {  	s11 =	sadd.s32 $0x14190, s10;
	[sflag:s16] =	ssyncadd.s32 $0xFFFFEC00  }
0xa1: {  	[tilespmem:s18], [sflag:$0x1] =	stream.indirect.gather [hbm4b:s2+s17], $0x80, s11, s17, $0xb8;
	[tilespmem:$0x1F220] =	vst v63  }
0xa2: {  	_ =	swait.ge [sflag:s30], $0x1400  }
0xa3: {  	[sflag:s30] =	ssyncset.done $0x0  }
0xa4: {  	s11 =	sadd.s32 $0x16828, s10;
	[sflag:s30] =	ssyncadd.s32 $0xFFFFEC00  }
0xa5: {  	[spmem:s3] =	stream.indirect.scatter.add.f32 [tilespmem:s22], [sflag:$0x8], $0x80, s11, s17, $0xb8;
	[tilespmem:$0x1F220] =	vst v63  }
0xa6: {  	_ =	swait.ge [sflag:s24], $0x1400  }
0xa7: {  	[sflag:s24] =	ssyncset.done $0x0  }
0xa8: {  	s11 =	sadd.s32 $0x141B8, s10;
	[sflag:s24] =	ssyncadd.s32 $0xFFFFEC00  }
0xa9: {  	[tilespmem:s20], [sflag:$0x2] =	stream.indirect.gather [hbm4b:s2+s17], $0x80, s11, s17, $0xb8;
	[tilespmem:$0x1F220] =	vst v63  }
0xaa: {  	_ =	swait.ge [sflag:s21], $0x1400  }
0xab: {  	[sflag:s21] =	ssyncset.done $0x0  }
0xac: {  	s11 =	sadd.s32 $0x16850, s10;
	[sflag:s21] =	ssyncadd.s32 $0xFFFFEC00  }
0xad: {  	[spmem:s3] =	stream.indirect.scatter.add.f32 [tilespmem:s23], [sflag:$0x9], $0x80, s11, s17, $0xb8;
	[tilespmem:$0x1F220] =	vst v63  }
0xae: {  	_ =	swait.ge [sflag:s0], $0x1400  }
0xaf: {  	[sflag:s0] =	ssyncset.done $0x0  }
.Ltmp1:
0xb0: {  	s11 =	sadd.s32 $0x141E0, s10;
	[sflag:s0] =	ssyncadd.s32 $0xFFFFEC00;
	(pc) =	sbr.rel @p0 .LBB2_4-.Ltmp1, $4  }
0xb1: {  	[tilespmem:s22], [sflag:$0x3] =	stream.indirect.gather [hbm4b:s2+s17], $0x80, s11, s17, $0xb8;
	[tilespmem:$0x1F220] =	vst v63  }
0xb2: {  	_ =	swait.ge [sflag:s1], $0x1400  }
0xb3: {  	[sflag:s1] =	ssyncset.done $0x0  }
0xb4: {  	s10 =	sadd.s32 $0x16878, s10;
	[sflag:s1] =	ssyncadd.s32 $0xFFFFEC00  }
0xb5: {  	[spmem:s3] =	stream.indirect.scatter.add.f32 [tilespmem:s19], [sflag:$0xA], $0x80, s10, s17, $0xb8;
	[tilespmem:$0x1F220] =	vst v63  }
0xb6: {  	_ =	swait.ge [sflag:s6], $0x1400  }
0xb7: {  	[sflag:s6] =	ssyncset.done $0x0  }
0xb8: {  	s9 =	simm.s32 $0x166C0;
	[sflag:s6] =	ssyncadd.s32 $0xFFFFEC00  }
0xb9: {  	[tilespmem:s23], [sflag:$0x4] =	stream.indirect.gather [hbm4b:s2+s17], $0x80, s9, s17, $0xb8;
	[tilespmem:$0x1F220] =	vst v63  }
0xba: {  	_ =	swait.ge [sflag:s29], $0x1400  }
0xbb: {  	[sflag:s29] =	ssyncset.done $0x0  }
0xbc: {  	s11 =	simm.s32 $0x18D58;
	[sflag:s29] =	ssyncadd.s32 $0xFFFFEC00  }
0xbd: {  	[spmem:s3] =	stream.indirect.scatter.add.f32 [tilespmem:s18], [sflag:$0x6], $0x80, s11, s17, $0xb8;
	[tilespmem:$0x1F220] =	vst v63  }
0xbe: {  	_ =	swait.ge [sflag:s7], $0x1400  }
0xbf: {  	[sflag:s7] =	ssyncset.done $0x0  }
0xc0: {  	[sflag:s7] =	ssyncadd.s32 $0xFFFFEC00  }
0xc1: {  	[tilespmem:s19], [sflag:$0x5] =	stream.indirect.gather [hbm4b:s2+s17], $0x80, s13, s17, $0xb8;
	[tilespmem:$0x1F220] =	vst v63  }
0xc2: {  	_ =	swait.ge [sflag:s31], $0x1400  }
0xc3: {  	[sflag:s31] =	ssyncset.done $0x0  }
0xc4: {  	s10 =	simm.s32 $0x18D80;
	[sflag:s31] =	ssyncadd.s32 $0xFFFFEC00  }
0xc5: {  	[spmem:s3] =	stream.indirect.scatter.add.f32 [tilespmem:s20], [sflag:$0x7], $0x80, s10, s17, $0xb8;
	[tilespmem:$0x1F220] =	vst v63  }
0xc6: {  	_ =	swait.ge [sflag:s16], $0x1400  }
0xc7: {  	[sflag:s16] =	ssyncset.done $0x0  }
0xc8: {  	[sflag:s16] =	ssyncadd.s32 $0xFFFFEC00  }
0xc9: {  	[tilespmem:s18], [sflag:$0x1] =	stream.indirect.gather [hbm4b:s2+s17], $0x80, s13, s17, $0xb8;
	[tilespmem:$0x1F220] =	vst v63  }
0xca: {  	_ =	swait.ge [sflag:s30], $0x1400  }
0xcb: {  	[sflag:s30] =	ssyncset.done $0x0  }
0xcc: {  	s11 =	simm.s32 $0x18DA8;
	[sflag:s30] =	ssyncadd.s32 $0xFFFFEC00  }
0xcd: {  	[spmem:s3] =	stream.indirect.scatter.add.f32 [tilespmem:s22], [sflag:$0x8], $0x80, s11, s17, $0xb8;
	[tilespmem:$0x1F220] =	vst v63  }
0xce: {  	_ =	swait.ge [sflag:s24], $0x1400  }
0xcf: {  	[sflag:s24] =	ssyncset.done $0x0  }
0xd0: {  	[sflag:s24] =	ssyncadd.s32 $0xFFFFEC00  }
0xd1: {  	[tilespmem:s20], [sflag:$0x2] =	stream.indirect.gather [hbm4b:s2+s17], $0x80, s13, s17, $0xb8;
	[tilespmem:$0x1F220] =	vst v63  }
0xd2: {  	_ =	swait.ge [sflag:s21], $0x1400  }
0xd3: {  	[sflag:s21] =	ssyncset.done $0x0  }
0xd4: {  	s10 =	simm.s32 $0x18DD0;
	[sflag:s21] =	ssyncadd.s32 $0xFFFFEC00  }
0xd5: {  	[spmem:s3] =	stream.indirect.scatter.add.f32 [tilespmem:s23], [sflag:$0x9], $0x80, s10, s17, $0xb8;
	[tilespmem:$0x1F220] =	vst v63  }
0xd6: {  	_ =	swait.ge [sflag:s0], $0x1400  }
0xd7: {  	[sflag:s0] =	ssyncset.done $0x0  }
0xd8: {  	[sflag:s0] =	ssyncadd.s32 $0xFFFFEC00  }
0xd9: {  	[tilespmem:s22], [sflag:$0x3] =	stream.indirect.gather [hbm4b:s2+s17], $0x80, s13, s17, $0xb8;
	[tilespmem:$0x1F220] =	vst v63  }
0xda: {  	_ =	swait.ge [sflag:s1], $0x1400  }
0xdb: {  	[sflag:s1] =	ssyncset.done $0x0  }
0xdc: {  	s11 =	simm.s32 $0x18DF8;
	[sflag:s1] =	ssyncadd.s32 $0xFFFFEC00  }
0xdd: {  	[spmem:s3] =	stream.indirect.scatter.add.f32 [tilespmem:s19], [sflag:$0xA], $0x80, s11, s17, $0xb8;
	[tilespmem:$0x1F220] =	vst v63  }
0xde: {  	_ =	swait.ge [sflag:s6], $0x1400  }
0xdf: {  	[sflag:s6] =	ssyncset.done $0x0  }
0xe0: {  	[sflag:s6] =	ssyncadd.s32 $0xFFFFEC00  }
0xe1: {  	_ =	swait.ge [sflag:s7], $0x1400  }
0xe2: {  	[sflag:s7] =	ssyncset.done $0x0  }
0xe3: {  	[sflag:s7] =	ssyncadd.s32 $0xFFFFEC00  }
0xe4: {  	_ =	swait.ge [sflag:s29], $0x1400  }
0xe5: {  	[sflag:s29] =	ssyncset.done $0x0  }
0xe6: {  	[sflag:s29] =	ssyncadd.s32 $0xFFFFEC00  }
0xe7: {  	_ =	swait.ge [sflag:s31], $0x1400  }
0xe8: {  	[sflag:s31] =	ssyncset.done $0x0  }
0xe9: {  	[sflag:s31] =	ssyncadd.s32 $0xFFFFEC00  }
0xea: {  	_ =	swait.ge [sflag:s30], $0x1400  }
0xeb: {  	[sflag:s30] =	ssyncset.done $0x0  }
0xec: {  	s14 =	sadd.s32 $0x1, s14;
	[sflag:s30] =	ssyncadd.s32 $0xFFFFEC00  }
0xed: {  	p0 =	sne.s32 s14, s12;
	[bflag:$0x0] =	sbarrier.arrive $0xFFFF  }
.Ltmp2:
0xee: {  	s10 =	sor.u32 $0x1C0D, s8;
	s11 =	rddreg [dreg:$0x8];
	(pc) =	sbr.rel @p0 .LBB2_1-.Ltmp2, $4  }
0xef: {  	[hbm:s11], [sflag:s10] =	dma.local [spmem:s15], $0x2800  }
0xf0: {  	_ =	swait.ge [sflag:s26], $0x2800  }
0xf1: {  	[sflag:s26] =	ssyncset.done $0x0  }
0xf2: {  	s11 =	simm.s32 $0x16710;
	[sflag:s26] =	ssyncadd.s32 $0xFFFFD800  }
0xf3: {  	_ =	sfence.sel $0x180000  }
0xf4: {  	[bflag:$0x0] =	sbarrier.arrive $0xFFFF  }
0xf5: {  	_ =	strace $0x9000004A  }
0xf6: {  	s0 =	stileid.u32;
	[bflag:$0x2] =	sbarrier.arrive $0xFFFF  }
0xf7: {  	p0 =	sne.s32 s0, $0x0;
	s0 =	rddreg [dreg:$0x3]  }
0xf8: {  	s0 =	sadd.s32 @!p0 $0x100000, s0  }
0xf9: {  	[sflag:s0] =	ssyncadd.tile.s32 @!p0 $0x1;
	_ =	shalt  }
.Lfunc_end2:
_tile_overlayer_lowered:
.L_overlay_start_2:
0xfa: {  	(tag) =	ssettag $0x2  }
0xfb: {  	s0 =	rddreg [dreg:$0x0];
	s2 =	stileid.u32  }
0xfc: {  	s1 =	rddreg [dreg:$0x1];
	p0 =	sne.s32 s2, $0x0  }
0xfd: {  	s3 =	rddreg [dreg:$0x2];
	[bflag:$0x3] =	sbarrier.arrive $0xFFFF;
	s2 =	simm.s32 @!p0 $0x1C0D  }
0xfe: {  	[timem:s3], [sflag:s2] =	dma.local @!p0 [hbm:s0], s1  }
0xff: {  	s0 =	simm.s32 @!p0 $0xD  }
0x100: {  	_ =	swait.ge @!p0 [sflag:s0], s1  }
0x101: {  	s1 =	ssub.s32 @!p0 $0x0, s1;
	[sflag:s0] =	ssyncset.done @!p0 $0x0  }
0x102: {  	[sflag:s0] =	ssyncadd.s32 @!p0 s1  }
0x103: {  	[bflag:$0x3] =	sbarrier.arrive $0xFFFF  }
0x104: {  	_ =	shalt  }

</sc_bundles>
